<compile_context>
chip_gen: v7x
topology: tpu7x:2x2x1
jax: 0.10.2.dev20260603
libtpu: 0.0.44.dev20260713+nightly
codegen_flags: <defaults>
</compile_context>

<pallas_src>
import jax
import jax.numpy as jnp
from jax import lax
from jax.experimental import pallas as pl
from jax.experimental.pallas import tpu as pltpu
from jax.experimental.pallas import tpu_sc as plsc

_B, _N, _D, _DFF, _E = 1024, 5, 256, 512, 8
_TEMP = 0.07
_T = _B * _N
_VE = 2 * _E
_G = 512
_NPAD = 4 * _T + _VE * _G
_NB = _NPAD // _G
_CS = 512
_BB = 256
_NW = 32
_RPW = 4 * _T // _NW
_CH = _RPW // 2


def _mm(a, b):
    return lax.dot_general(a, b, (((1,), (0,)), ((), ())),
                           preferred_element_type=jnp.float32)


def _top2(logits):
    ii = lax.broadcasted_iota(jnp.int32, logits.shape, 1)
    m1 = jnp.max(logits, axis=1, keepdims=True)
    i1 = jnp.min(jnp.where(logits == m1, ii, _E), axis=1, keepdims=True)
    oh1 = ii == i1
    l2 = jnp.where(oh1, -jnp.inf, logits)
    m2 = jnp.max(l2, axis=1, keepdims=True)
    i2 = jnp.min(jnp.where(l2 == m2, ii, _E), axis=1, keepdims=True)
    oh2 = ii == i2
    e21 = jnp.exp(m2 - m1)
    g1 = 1.0 / (1.0 + e21)
    g2 = e21 * g1
    return oh1, oh2, g1, g2


def _route_one(x, Wr):
    logits = _mm(x, Wr)
    oh1, oh2, g1, g2 = _top2(logits)
    oh = oh1.astype(jnp.float32) + oh2.astype(jnp.float32)
    r = lax.broadcasted_iota(jnp.int32, (_CS, _CS), 0)
    c = lax.broadcasted_iota(jnp.int32, (_CS, _CS), 1)
    ltri = (c < r).astype(jnp.bfloat16)
    chunks = []
    carry = jnp.zeros((1, _E), jnp.float32)
    for k in range(_T // _CS):
        ohc = oh[k * _CS:(k + 1) * _CS]
        cum = _mm(ltri, ohc.astype(jnp.bfloat16)) + carry
        chunks.append(cum)
        carry = carry + jnp.sum(ohc, axis=0, keepdims=True)
    cum_excl = jnp.concatenate(chunks, axis=0)
    rank1 = jnp.sum(jnp.where(oh1, cum_excl, 0.0), axis=1, keepdims=True)
    rank2 = jnp.sum(jnp.where(oh2, cum_excl, 0.0), axis=1, keepdims=True)
    return oh1, oh2, g1, g2, rank1, rank2, carry


def _router_body(xt_ref, xl_ref, wrt_ref, wrl_ref,
                 dest_ref, gates_ref, be_ref):
    oh1t, oh2t, g1t, g2t, r1t, r2t, cnt_t = _route_one(xt_ref[...], wrt_ref[...])
    oh1l, oh2l, g1l, g2l, r1l, r2l, cnt_l = _route_one(xl_ref[...], wrl_ref[...])

    counts = jnp.concatenate([cnt_t, cnt_l], axis=1).astype(jnp.int32)
    padded = ((counts + (_G - 1)) // _G) * _G
    s = padded
    for sh in (1, 2, 4, 8):
        s = s + jnp.concatenate(
            [jnp.zeros((1, sh), jnp.int32), s[:, :_VE - sh]], axis=1)
    start = s - padded
    start_t, start_l = start[:, :_E], start[:, _E:]

    def dest(oh, rank, st):
        base = jnp.sum(jnp.where(oh, jnp.broadcast_to(st.astype(jnp.float32),
                                                      oh.shape), 0.0),
                       axis=1, keepdims=True)
        return (base + rank).astype(jnp.int32)

    dest_ref[0 * _T:1 * _T] = dest(oh1t, r1t, start_t)
    dest_ref[1 * _T:2 * _T] = dest(oh2t, r2t, start_t)
    dest_ref[2 * _T:3 * _T] = dest(oh1l, r1l, start_l)
    dest_ref[3 * _T:4 * _T] = dest(oh2l, r2l, start_l)
    gates_ref[0 * _T:1 * _T] = g1t
    gates_ref[1 * _T:2 * _T] = g2t
    gates_ref[2 * _T:3 * _T] = g1l
    gates_ref[3 * _T:4 * _T] = g2l

    blkstart = start // _G
    bb = lax.broadcasted_iota(jnp.int32, (1, _NB), 1)
    bexp = jnp.full((1, _NB), -1, jnp.int32)
    for e in range(_VE):
        bexp = bexp + (bb >= blkstart[:, e:e + 1]).astype(jnp.int32)
    be_ref[...] = bexp


def _router(xt, xl, wrt, wrl):
    full = lambda shape: pl.BlockSpec(shape, lambda: (0,) * len(shape))
    return pl.pallas_call(
        _router_body,
        in_specs=[full((_T, _D)), full((_T, _D)),
                  full((_D, _E)), full((_D, _E))],
        out_specs=[full((4 * _T, 1)), full((4 * _T, 1)), full((1, _NB))],
        out_shape=[jax.ShapeDtypeStruct((4 * _T, 1), jnp.int32),
                   jax.ShapeDtypeStruct((4 * _T, 1), jnp.float32),
                   jax.ShapeDtypeStruct((1, _NB), jnp.int32)],
    )(xt, xl, wrt, wrl)


def _sc_mesh():
    return plsc.VectorSubcoreMesh(core_axis_name="c", subcore_axis_name="s",
                                  num_cores=2, num_subcores=16)


def _sc_dispatch(xt, xl, dest_flat):
    def body(xt_hbm, xl_hbm, dest_hbm, out_hbm, idx_v, rows_v, sem):
        wid = lax.axis_index("s") * 2 + lax.axis_index("c")
        for ch in range(2):
            gbase = wid * _RPW + ch * _CH
            t0 = lax.rem(gbase, _T)
            pltpu.sync_copy(dest_hbm.at[pl.ds(gbase, _CH)], idx_v)

            @pl.when(gbase < 2 * _T)
            def _():
                pltpu.sync_copy(xt_hbm.at[pl.ds(t0, _CH)], rows_v)

            @pl.when(gbase >= 2 * _T)
            def _():
                pltpu.sync_copy(xl_hbm.at[pl.ds(t0, _CH)], rows_v)

            pltpu.async_copy(rows_v, out_hbm.at[idx_v], sem).wait()

    return pl.kernel(
        body,
        out_type=jax.ShapeDtypeStruct((_NPAD, _D), jnp.float32),
        mesh=_sc_mesh(),
        scratch_types=[pltpu.VMEM((_CH,), jnp.int32),
                       pltpu.VMEM((_CH, _D), jnp.float32),
                       pltpu.SemaphoreType.DMA],
    )(xt, xl, dest_flat)


def _sc_gather(ys, dest_flat):
    def body(ys_hbm, dest_hbm, out_hbm, idx_v, rows_v, sem):
        wid = lax.axis_index("s") * 2 + lax.axis_index("c")
        for ch in range(2):
            gbase = wid * _RPW + ch * _CH
            pltpu.sync_copy(dest_hbm.at[pl.ds(gbase, _CH)], idx_v)
            pltpu.async_copy(ys_hbm.at[idx_v], rows_v, sem).wait()
            pltpu.sync_copy(rows_v, out_hbm.at[pl.ds(gbase, _CH)])

    return pl.kernel(
        body,
        out_type=jax.ShapeDtypeStruct((4 * _T, _D), jnp.float32),
        mesh=_sc_mesh(),
        scratch_types=[pltpu.VMEM((_CH,), jnp.int32),
                       pltpu.VMEM((_CH, _D), jnp.float32),
                       pltpu.SemaphoreType.DMA],
    )(ys, dest_flat)


def _ffn_body(be_ref, xs_ref, w1_ref, w2_ref, out_ref):
    e = be_ref[0, pl.program_id(0)]
    xb = xs_ref[...].astype(jnp.bfloat16)
    h = jax.nn.gelu(_mm(xb, w1_ref[e]).astype(jnp.bfloat16))
    out_ref[...] = _mm(h, w2_ref[e])


def _ffn(xs, w1cat, w2cat, bexp):
    spec = pltpu.PrefetchScalarGridSpec(
        num_scalar_prefetch=1,
        grid=(_NB,),
        in_specs=[
            pl.BlockSpec((_G, _D), lambda b, be: (b, 0)),
            pl.BlockSpec((_VE, _D, _DFF), lambda b, be: (0, 0, 0)),
            pl.BlockSpec((_VE, _DFF, _D), lambda b, be: (0, 0, 0)),
        ],
        out_specs=pl.BlockSpec((_G, _D), lambda b, be: (b, 0)),
    )
    return pl.pallas_call(
        _ffn_body,
        grid_spec=spec,
        out_shape=jax.ShapeDtypeStruct((_NPAD, _D), jnp.float32),
    )(bexp, xs, w1cat, w2cat)


def _l2n(x):
    n = jnp.sqrt(jnp.sum(x * x, axis=-1, keepdims=True))
    return x / jnp.maximum(n, 1e-12)


def _loss_body(q_ref, items_ref, yt1_ref, yt2_ref, yl1_ref, yl2_ref,
               gt1_ref, gt2_ref, gl1_ref, gl2_ref, out_ref):
    i = pl.program_id(0)

    @pl.when(i == 0)
    def _():
        out_ref[...] = jnp.zeros((1, 1), jnp.float32)

    yt = (gt1_ref[0] * yt1_ref[0] + gt2_ref[0] * yt2_ref[0]).reshape(_BB, _N, _D)
    yl = (gl1_ref[0] * yl1_ref[0] + gl2_ref[0] * yl2_ref[0]).reshape(_BB, _N, _D)
    items = items_ref[...]
    q = q_ref[...]
    pos = jnp.concatenate(
        [q[:, None, :], items[:, 0:1], yl[:, 0:1], yt[:, 0:1]], axis=1)
    neg = jnp.concatenate([items[:, 1:], yl[:, 1:], yt[:, 1:]], axis=1)
    pos = _l2n(pos)
    neg = _l2n(neg)
    allf = jnp.concatenate([pos, neg], axis=1)

    iota_a = lax.broadcasted_iota(jnp.int32, (_BB, 4), 1)
    exp_pos = jnp.zeros((_BB, 4), jnp.float32)
    exp_neg = jnp.zeros((_BB, 4), jnp.float32)
    for k in range(16):
        s = jnp.sum(pos * allf[:, k:k + 1, :], axis=2)
        ek = jnp.exp(s / _TEMP)
        if k < 4:
            exp_pos = exp_pos + jnp.where(iota_a == k, 0.0, ek)
        else:
            exp_neg = exp_neg + ek
    ratio = exp_pos / (exp_pos + exp_neg + 1e-8)
    ratio = jnp.where(jnp.isnan(ratio), 0.0, ratio)
    out_ref[...] += -jnp.sum(jnp.log(ratio)).reshape(1, 1)


def _loss(query_emb, items_emb, yg4, gates4):
    tb = _BB * _N
    yspec = lambda row: pl.BlockSpec((1, tb, _D), lambda i, r=row: (r, i, 0))
    gspec = lambda row: pl.BlockSpec((1, tb, 1), lambda i, r=row: (r, i, 0))
    out = pl.pallas_call(
        _loss_body,
        grid=(_B // _BB,),
        in_specs=[
            pl.BlockSpec((_BB, _D), lambda i: (i, 0)),
            pl.BlockSpec((_BB, _N, _D), lambda i: (i, 0, 0)),
            yspec(0), yspec(1), yspec(2), yspec(3),
            gspec(0), gspec(1), gspec(2), gspec(3),
        ],
        out_specs=pl.BlockSpec((1, 1), lambda i: (0, 0)),
        out_shape=jax.ShapeDtypeStruct((1, 1), jnp.float32),
    )(query_emb, items_emb, yg4, yg4, yg4, yg4,
      gates4, gates4, gates4, gates4)
    return out[0, 0] / (_B * 4)


def kernel(query_emb, items_emb, item_text_tokens, item_llm_tokens,
           Wr_text, W1_text, W2_text, Wr_llm, W1_llm, W2_llm):
    xt = item_text_tokens.reshape(_T, _D)
    xl = item_llm_tokens.reshape(_T, _D)
    dest, gates, bexp = _router(xt, xl, Wr_text, Wr_llm)
    dest_flat = dest.reshape(4 * _T)
    xs = _sc_dispatch(xt, xl, dest_flat)
    w1cat = jnp.concatenate([W1_text, W1_llm], axis=0).astype(jnp.bfloat16)
    w2cat = jnp.concatenate([W2_text, W2_llm], axis=0).astype(jnp.bfloat16)
    ys = _ffn(xs, w1cat, w2cat, bexp)
    yg = _sc_gather(ys, dest_flat)
    yg4 = yg.reshape(4, _T, _D)
    gates4 = gates.reshape(4, _T, 1)
    return _loss(query_emb, items_emb, yg4, gates4)

# --- scband reference (transcript-rebuilt; emitter-appended) ---
"""Pipeline reference for scband-base-model-89936615178806 (READ-ONLY COPY).

The authoritative reference and input builder live on the scoring server;
editing this copy changes nothing except your own understanding.
"""

import jax, jax.numpy as jnp
import numpy as np

B = 1024
NITEMS = 5  # 1 pos + 4 neg
D = 256
DFF = 512
E = 8
TOPK = 2
TEMP = 0.07


def setup_inputs(seed: int = 0) -> dict:
    key = jax.random.key(seed)
    ks = jax.random.split(key, 10)
    return {
        "query_emb": jax.random.normal(ks[0], (B, D), jnp.float32),
        "items_emb": jax.random.normal(ks[1], (B, NITEMS, D), jnp.float32),
        "item_text_tokens": jax.random.normal(ks[2], (B, NITEMS, D), jnp.float32),
        "item_llm_tokens": jax.random.normal(ks[3], (B, NITEMS, D), jnp.float32),
        "Wr_text": jax.random.normal(ks[4], (D, E), jnp.float32) * 0.02,
        "W1_text": jax.random.normal(ks[5], (E, D, DFF), jnp.float32) * 0.02,
        "W2_text": jax.random.normal(ks[6], (E, DFF, D), jnp.float32) * 0.02,
        "Wr_llm": jax.random.normal(ks[7], (D, E), jnp.float32) * 0.02,
        "W1_llm": jax.random.normal(ks[8], (E, D, DFF), jnp.float32) * 0.02,
        "W2_llm": jax.random.normal(ks[9], (E, DFF, D), jnp.float32) * 0.02,
    }


def _moe(x, Wr, W1, W2):
    # x: [T, D]. Top-k gated MoE (TextFeat_MoE analogue): router -> top-k softmax
    # gates -> dense expert FFN compute combined with sparse gate weights.
    logits = x @ Wr  # [T, E]
    topv, topi = jax.lax.top_k(logits, TOPK)
    gates = jax.nn.softmax(topv, axis=-1)  # [T, k]
    full_gates = jnp.sum(jax.nn.one_hot(topi, E, dtype=x.dtype) * gates[..., None], axis=1)  # [T, E]
    h = jax.nn.gelu(jnp.einsum('td,edf->tef', x, W1))
    y = jnp.einsum('tef,efd->ted', h, W2)
    return jnp.einsum('te,ted->td', full_gates, y)


def _l2(x):
    return x / jnp.clip(jnp.linalg.norm(x, axis=-1, keepdims=True), 1e-12, None)


def reference(query_emb, items_emb, item_text_tokens, item_llm_tokens,
              Wr_text, W1_text, W2_text, Wr_llm, W1_llm, W2_llm):
    Bc, N, Dc = items_emb.shape
    item_text_emb = _moe(item_text_tokens.reshape(-1, Dc), Wr_text, W1_text, W2_text).reshape(Bc, N, Dc)
    item_llm_emb = _moe(item_llm_tokens.reshape(-1, Dc), Wr_llm, W1_llm, W2_llm).reshape(Bc, N, Dc)
    q = query_emb[:, None, :]  # [B, 1, D]
    pos_features = jnp.concatenate([q, items_emb[:, 0:1], item_llm_emb[:, 0:1], item_text_emb[:, 0:1]], axis=1)
    neg_features = jnp.concatenate([items_emb[:, 1:], item_llm_emb[:, 1:], item_text_emb[:, 1:]], axis=1)
    # multi_align_emb_l2 = True
    pos_features = _l2(pos_features)
    neg_features = _l2(neg_features)
    all_features = jnp.concatenate([pos_features, neg_features], axis=1)
    sim = jnp.einsum('bad,bkd->bak', pos_features, all_features)  # [B, A, A+3*Nneg]
    A = pos_features.shape[1]
    Nn = neg_features.shape[1]
    pos_mask = jnp.broadcast_to((~jnp.eye(A, dtype=bool))[None, :, :], (Bc, A, A))
    pos_mask = jnp.concatenate([pos_mask, jnp.zeros((Bc, A, Nn), dtype=bool)], axis=2)
    neg_mask = jnp.concatenate([jnp.zeros((Bc, A, A), dtype=bool), jnp.ones((Bc, A, Nn), dtype=bool)], axis=2)
    expS = jnp.exp(sim / TEMP)
    exp_pos = jnp.sum(jnp.where(pos_mask, expS, 0.0), axis=2)
    exp_neg = jnp.sum(jnp.where(neg_mask, expS, 0.0), axis=2)
    ratio = exp_pos / (exp_pos + exp_neg + 1e-08)
    ratio = jnp.nan_to_num(ratio)
    contrastive_loss = -jnp.mean(jnp.log(ratio))
    return contrastive_loss

if __name__ == "__main__":
    import jax
    _d = setup_inputs()
    print(jax.jit(kernel)(*tuple(_d.values())))

</pallas_src>

<mosaic_0001>
#map = affine_map<(d0, d1) -> (0, 0)>
#map1 = affine_map<(d0, d1) -> (0)>
module attributes {stable_mosaic.version = 14 : i64} {
  func.func @body(%arg0: i32, %arg1: i32, %arg2: memref<5120x256xf32, #tpu.memory_space<hbm>>, %arg3: memref<5120x256xf32, #tpu.memory_space<hbm>>, %arg4: memref<20480xi32, #tpu.memory_space<hbm>>, %arg5: memref<28672x256xf32, #tpu.memory_space<hbm>>, %arg6: memref<320xi32, #tpu.memory_space<vmem>>, %arg7: memref<320x256xf32, #tpu.memory_space<vmem>>, %arg8: memref<!tpu.dma_semaphore, #tpu.memory_space<semaphore_mem>>) attributes {dimension_semantics = [#tpu.dimension_semantics<core_parallel>, #tpu.dimension_semantics<subcore_parallel>], iteration_bounds = array<i64: 2, 16>, scalar_prefetch = 0 : i64, scratch_operands = 3 : i64, tpu.core_type = #tpu.core_type<sc_vector_subcore>, window_params = [{transform_indices = #map}, {transform_indices = #map}, {transform_indices = #map1}, {transform_indices = #map}]} {
    %mul3A = arith.constant 2 : i32
    %mul3A_0 = arith.muli %arg1, %mul3A : i32
    %add3A = arith.addi %mul3A_0, %arg0 : i32
    %mul3A_1 = arith.constant 640 : i32
    %mul3A_2 = arith.muli %add3A, %mul3A_1 : i32
    %add3A_3 = arith.constant 0 : i32
    %add3A_4 = arith.addi %mul3A_2, %add3A_3 : i32
    %rem3A = arith.constant 5120 : i32
    %rem3A_5 = arith.remsi %add3A_4, %rem3A : i32
    "tpu.region"() ({
      %run_scoped3A = tpu.sem_alloc : memref<!tpu.dma_semaphore, #tpu.memory_space<semaphore_mem>>
      %dma_start3A_38 = tpu.memref_slice %arg4[%add3A_4] : memref<20480xi32, #tpu.memory_space<hbm>> -> memref<320xi32, #tpu.memory_space<hbm>>
      %dma_start3A_39 = tpu.memref_slice %arg4[%add3A_4] : memref<20480xi32, #tpu.memory_space<hbm>> -> memref<320xi32, #tpu.memory_space<hbm>>
      tpu.enqueue_dma source(%dma_start3A_39 : memref<320xi32, #tpu.memory_space<hbm>>) target(%arg6 : memref<320xi32, #tpu.memory_space<vmem>>) target_semaphore(%run_scoped3A : memref<!tpu.dma_semaphore, #tpu.memory_space<semaphore_mem>>)
      %dma_wait3A_40 = tpu.memref_slice %arg4[%add3A_4] : memref<20480xi32, #tpu.memory_space<hbm>> -> memref<320xi32, #tpu.memory_space<hbm>>
      %dma_wait3A_41 = tpu.memref_slice %arg4[%add3A_4] : memref<20480xi32, #tpu.memory_space<hbm>> -> memref<320xi32, #tpu.memory_space<hbm>>
      tpu.wait_dma2 semaphore(%run_scoped3A : memref<!tpu.dma_semaphore, #tpu.memory_space<semaphore_mem>>) src(%dma_wait3A_41 : memref<320xi32, #tpu.memory_space<hbm>>) dst(%arg6 : memref<320xi32, #tpu.memory_space<vmem>>)
      tpu.yield
    }) : () -> ()
    %lt3A = arith.constant 10240 : i32
    %lt3A_6 = arith.cmpi slt, %add3A_4, %lt3A : i32
    %convert_element_type3A = arith.extui %lt3A_6 : i1 to i32
    %cond3A = arith.constant 0 : i32
    %cond3A_7 = arith.cmpi ne, %convert_element_type3A, %cond3A : i32
    scf.if %cond3A_7 {
      "tpu.region"() ({
        %run_scoped3A = tpu.sem_alloc : memref<!tpu.dma_semaphore, #tpu.memory_space<semaphore_mem>>
        %dma_start3A_38 = arith.constant 0 : i32
        %dma_start3A_39 = tpu.memref_slice %arg2[%rem3A_5, %dma_start3A_38] : memref<5120x256xf32, #tpu.memory_space<hbm>> -> memref<320x256xf32, #tpu.memory_space<hbm>>
        %dma_start3A_40 = arith.constant 0 : i32
        %dma_start3A_41 = tpu.memref_slice %arg2[%rem3A_5, %dma_start3A_40] : memref<5120x256xf32, #tpu.memory_space<hbm>> -> memref<320x256xf32, #tpu.memory_space<hbm>>
        tpu.enqueue_dma source(%dma_start3A_41 : memref<320x256xf32, #tpu.memory_space<hbm>>) target(%arg7 : memref<320x256xf32, #tpu.memory_space<vmem>>) target_semaphore(%run_scoped3A : memref<!tpu.dma_semaphore, #tpu.memory_space<semaphore_mem>>)
        %dma_wait3A_42 = arith.constant 0 : i32
        %dma_wait3A_43 = tpu.memref_slice %arg2[%rem3A_5, %dma_wait3A_42] : memref<5120x256xf32, #tpu.memory_space<hbm>> -> memref<320x256xf32, #tpu.memory_space<hbm>>
        %dma_wait3A_44 = arith.constant 0 : i32
        %dma_wait3A_45 = tpu.memref_slice %arg2[%rem3A_5, %dma_wait3A_44] : memref<5120x256xf32, #tpu.memory_space<hbm>> -> memref<320x256xf32, #tpu.memory_space<hbm>>
        tpu.wait_dma2 semaphore(%run_scoped3A : memref<!tpu.dma_semaphore, #tpu.memory_space<semaphore_mem>>) src(%dma_wait3A_45 : memref<320x256xf32, #tpu.memory_space<hbm>>) dst(%arg7 : memref<320x256xf32, #tpu.memory_space<vmem>>)
        tpu.yield
      }) : () -> ()
    } else {
    }
    %ge3A = arith.constant 10240 : i32
    %ge3A_8 = arith.cmpi sge, %add3A_4, %ge3A : i32
    %convert_element_type3A_9 = arith.extui %ge3A_8 : i1 to i32
    %cond3A_10 = arith.constant 0 : i32
    %cond3A_11 = arith.cmpi ne, %convert_element_type3A_9, %cond3A_10 : i32
    scf.if %cond3A_11 {
      "tpu.region"() ({
        %run_scoped3A = tpu.sem_alloc : memref<!tpu.dma_semaphore, #tpu.memory_space<semaphore_mem>>
        %dma_start3A_38 = arith.constant 0 : i32
        %dma_start3A_39 = tpu.memref_slice %arg3[%rem3A_5, %dma_start3A_38] : memref<5120x256xf32, #tpu.memory_space<hbm>> -> memref<320x256xf32, #tpu.memory_space<hbm>>
        %dma_start3A_40 = arith.constant 0 : i32
        %dma_start3A_41 = tpu.memref_slice %arg3[%rem3A_5, %dma_start3A_40] : memref<5120x256xf32, #tpu.memory_space<hbm>> -> memref<320x256xf32, #tpu.memory_space<hbm>>
        tpu.enqueue_dma source(%dma_start3A_41 : memref<320x256xf32, #tpu.memory_space<hbm>>) target(%arg7 : memref<320x256xf32, #tpu.memory_space<vmem>>) target_semaphore(%run_scoped3A : memref<!tpu.dma_semaphore, #tpu.memory_space<semaphore_mem>>)
        %dma_wait3A_42 = arith.constant 0 : i32
        %dma_wait3A_43 = tpu.memref_slice %arg3[%rem3A_5, %dma_wait3A_42] : memref<5120x256xf32, #tpu.memory_space<hbm>> -> memref<320x256xf32, #tpu.memory_space<hbm>>
        %dma_wait3A_44 = arith.constant 0 : i32
        %dma_wait3A_45 = tpu.memref_slice %arg3[%rem3A_5, %dma_wait3A_44] : memref<5120x256xf32, #tpu.memory_space<hbm>> -> memref<320x256xf32, #tpu.memory_space<hbm>>
        tpu.wait_dma2 semaphore(%run_scoped3A : memref<!tpu.dma_semaphore, #tpu.memory_space<semaphore_mem>>) src(%dma_wait3A_45 : memref<320x256xf32, #tpu.memory_space<hbm>>) dst(%arg7 : memref<320x256xf32, #tpu.memory_space<vmem>>)
        tpu.yield
      }) : () -> ()
    } else {
    }
    %dma_start3A = arith.constant 0 : i32
    %dma_start3A_12 = arith.constant 0 : i32
    %dma_start3A_13 = tpu.memref_slice %arg5[%dma_start3A, %dma_start3A_12] : memref<28672x256xf32, #tpu.memory_space<hbm>> -> memref<28672x256xf32, #tpu.memory_space<hbm>>
    tpu.enqueue_indirect_dma source(%arg7 : memref<320x256xf32, #tpu.memory_space<vmem>>) target(%dma_start3A_13 : memref<28672x256xf32, #tpu.memory_space<hbm>>) offsets(%arg6 : memref<320xi32, #tpu.memory_space<vmem>>) semaphore(%arg8 : memref<!tpu.dma_semaphore, #tpu.memory_space<semaphore_mem>>)
    %dma_wait3A = arith.constant 0 : i32
    %dma_wait3A_14 = arith.constant 0 : i32
    %dma_wait3A_15 = tpu.memref_slice %arg5[%dma_wait3A, %dma_wait3A_14] : memref<28672x256xf32, #tpu.memory_space<hbm>> -> memref<28672x256xf32, #tpu.memory_space<hbm>>
    tpu.wait_indirect_dma semaphore(%arg8 : memref<!tpu.dma_semaphore, #tpu.memory_space<semaphore_mem>>) src(%arg7 : memref<320x256xf32, #tpu.memory_space<vmem>>) dst(%dma_wait3A_15 : memref<28672x256xf32, #tpu.memory_space<hbm>>)
    %mul3A_16 = arith.constant 640 : i32
    %mul3A_17 = arith.muli %add3A, %mul3A_16 : i32
    %add3A_18 = arith.constant 320 : i32
    %add3A_19 = arith.addi %mul3A_17, %add3A_18 : i32
    %rem3A_20 = arith.constant 5120 : i32
    %rem3A_21 = arith.remsi %add3A_19, %rem3A_20 : i32
    "tpu.region"() ({
      %run_scoped3A = tpu.sem_alloc : memref<!tpu.dma_semaphore, #tpu.memory_space<semaphore_mem>>
      %dma_start3A_38 = tpu.memref_slice %arg4[%add3A_19] : memref<20480xi32, #tpu.memory_space<hbm>> -> memref<320xi32, #tpu.memory_space<hbm>>
      %dma_start3A_39 = tpu.memref_slice %arg4[%add3A_19] : memref<20480xi32, #tpu.memory_space<hbm>> -> memref<320xi32, #tpu.memory_space<hbm>>
      tpu.enqueue_dma source(%dma_start3A_39 : memref<320xi32, #tpu.memory_space<hbm>>) target(%arg6 : memref<320xi32, #tpu.memory_space<vmem>>) target_semaphore(%run_scoped3A : memref<!tpu.dma_semaphore, #tpu.memory_space<semaphore_mem>>)
      %dma_wait3A_40 = tpu.memref_slice %arg4[%add3A_19] : memref<20480xi32, #tpu.memory_space<hbm>> -> memref<320xi32, #tpu.memory_space<hbm>>
      %dma_wait3A_41 = tpu.memref_slice %arg4[%add3A_19] : memref<20480xi32, #tpu.memory_space<hbm>> -> memref<320xi32, #tpu.memory_space<hbm>>
      tpu.wait_dma2 semaphore(%run_scoped3A : memref<!tpu.dma_semaphore, #tpu.memory_space<semaphore_mem>>) src(%dma_wait3A_41 : memref<320xi32, #tpu.memory_space<hbm>>) dst(%arg6 : memref<320xi32, #tpu.memory_space<vmem>>)
      tpu.yield
    }) : () -> ()
    %lt3A_22 = arith.constant 10240 : i32
    %lt3A_23 = arith.cmpi slt, %add3A_19, %lt3A_22 : i32
    %convert_element_type3A_24 = arith.extui %lt3A_23 : i1 to i32
    %cond3A_25 = arith.constant 0 : i32
    %cond3A_26 = arith.cmpi ne, %convert_element_type3A_24, %cond3A_25 : i32
    scf.if %cond3A_26 {
      "tpu.region"() ({
        %run_scoped3A = tpu.sem_alloc : memref<!tpu.dma_semaphore, #tpu.memory_space<semaphore_mem>>
        %dma_start3A_38 = arith.constant 0 : i32
        %dma_start3A_39 = tpu.memref_slice %arg2[%rem3A_21, %dma_start3A_38] : memref<5120x256xf32, #tpu.memory_space<hbm>> -> memref<320x256xf32, #tpu.memory_space<hbm>>
        %dma_start3A_40 = arith.constant 0 : i32
        %dma_start3A_41 = tpu.memref_slice %arg2[%rem3A_21, %dma_start3A_40] : memref<5120x256xf32, #tpu.memory_space<hbm>> -> memref<320x256xf32, #tpu.memory_space<hbm>>
        tpu.enqueue_dma source(%dma_start3A_41 : memref<320x256xf32, #tpu.memory_space<hbm>>) target(%arg7 : memref<320x256xf32, #tpu.memory_space<vmem>>) target_semaphore(%run_scoped3A : memref<!tpu.dma_semaphore, #tpu.memory_space<semaphore_mem>>)
        %dma_wait3A_42 = arith.constant 0 : i32
        %dma_wait3A_43 = tpu.memref_slice %arg2[%rem3A_21, %dma_wait3A_42] : memref<5120x256xf32, #tpu.memory_space<hbm>> -> memref<320x256xf32, #tpu.memory_space<hbm>>
        %dma_wait3A_44 = arith.constant 0 : i32
        %dma_wait3A_45 = tpu.memref_slice %arg2[%rem3A_21, %dma_wait3A_44] : memref<5120x256xf32, #tpu.memory_space<hbm>> -> memref<320x256xf32, #tpu.memory_space<hbm>>
        tpu.wait_dma2 semaphore(%run_scoped3A : memref<!tpu.dma_semaphore, #tpu.memory_space<semaphore_mem>>) src(%dma_wait3A_45 : memref<320x256xf32, #tpu.memory_space<hbm>>) dst(%arg7 : memref<320x256xf32, #tpu.memory_space<vmem>>)
        tpu.yield
      }) : () -> ()
    } else {
    }
    %ge3A_27 = arith.constant 10240 : i32
    %ge3A_28 = arith.cmpi sge, %add3A_19, %ge3A_27 : i32
    %convert_element_type3A_29 = arith.extui %ge3A_28 : i1 to i32
    %cond3A_30 = arith.constant 0 : i32
    %cond3A_31 = arith.cmpi ne, %convert_element_type3A_29, %cond3A_30 : i32
    scf.if %cond3A_31 {
      "tpu.region"() ({
        %run_scoped3A = tpu.sem_alloc : memref<!tpu.dma_semaphore, #tpu.memory_space<semaphore_mem>>
        %dma_start3A_38 = arith.constant 0 : i32
        %dma_start3A_39 = tpu.memref_slice %arg3[%rem3A_21, %dma_start3A_38] : memref<5120x256xf32, #tpu.memory_space<hbm>> -> memref<320x256xf32, #tpu.memory_space<hbm>>
        %dma_start3A_40 = arith.constant 0 : i32
        %dma_start3A_41 = tpu.memref_slice %arg3[%rem3A_21, %dma_start3A_40] : memref<5120x256xf32, #tpu.memory_space<hbm>> -> memref<320x256xf32, #tpu.memory_space<hbm>>
        tpu.enqueue_dma source(%dma_start3A_41 : memref<320x256xf32, #tpu.memory_space<hbm>>) target(%arg7 : memref<320x256xf32, #tpu.memory_space<vmem>>) target_semaphore(%run_scoped3A : memref<!tpu.dma_semaphore, #tpu.memory_space<semaphore_mem>>)
        %dma_wait3A_42 = arith.constant 0 : i32
        %dma_wait3A_43 = tpu.memref_slice %arg3[%rem3A_21, %dma_wait3A_42] : memref<5120x256xf32, #tpu.memory_space<hbm>> -> memref<320x256xf32, #tpu.memory_space<hbm>>
        %dma_wait3A_44 = arith.constant 0 : i32
        %dma_wait3A_45 = tpu.memref_slice %arg3[%rem3A_21, %dma_wait3A_44] : memref<5120x256xf32, #tpu.memory_space<hbm>> -> memref<320x256xf32, #tpu.memory_space<hbm>>
        tpu.wait_dma2 semaphore(%run_scoped3A : memref<!tpu.dma_semaphore, #tpu.memory_space<semaphore_mem>>) src(%dma_wait3A_45 : memref<320x256xf32, #tpu.memory_space<hbm>>) dst(%arg7 : memref<320x256xf32, #tpu.memory_space<vmem>>)
        tpu.yield
      }) : () -> ()
    } else {
    }
    %dma_start3A_32 = arith.constant 0 : i32
    %dma_start3A_33 = arith.constant 0 : i32
    %dma_start3A_34 = tpu.memref_slice %arg5[%dma_start3A_32, %dma_start3A_33] : memref<28672x256xf32, #tpu.memory_space<hbm>> -> memref<28672x256xf32, #tpu.memory_space<hbm>>
    tpu.enqueue_indirect_dma source(%arg7 : memref<320x256xf32, #tpu.memory_space<vmem>>) target(%dma_start3A_34 : memref<28672x256xf32, #tpu.memory_space<hbm>>) offsets(%arg6 : memref<320xi32, #tpu.memory_space<vmem>>) semaphore(%arg8 : memref<!tpu.dma_semaphore, #tpu.memory_space<semaphore_mem>>)
    %dma_wait3A_35 = arith.constant 0 : i32
    %dma_wait3A_36 = arith.constant 0 : i32
    %dma_wait3A_37 = tpu.memref_slice %arg5[%dma_wait3A_35, %dma_wait3A_36] : memref<28672x256xf32, #tpu.memory_space<hbm>> -> memref<28672x256xf32, #tpu.memory_space<hbm>>
    tpu.wait_indirect_dma semaphore(%arg8 : memref<!tpu.dma_semaphore, #tpu.memory_space<semaphore_mem>>) src(%arg7 : memref<320x256xf32, #tpu.memory_space<vmem>>) dst(%dma_wait3A_37 : memref<28672x256xf32, #tpu.memory_space<hbm>>)
    return
  }
}

#map = affine_map<(d0, d1) -> (0, 0)>
#map1 = affine_map<(d0, d1) -> (0)>
module attributes {stable_mosaic.version = 14 : i64} {
  func.func @body(%arg0: i32, %arg1: i32, %arg2: memref<28672x256xf32, #tpu.memory_space<hbm>>, %arg3: memref<20480xi32, #tpu.memory_space<hbm>>, %arg4: memref<20480x256xf32, #tpu.memory_space<hbm>>, %arg5: memref<320xi32, #tpu.memory_space<vmem>>, %arg6: memref<320x256xf32, #tpu.memory_space<vmem>>, %arg7: memref<!tpu.dma_semaphore, #tpu.memory_space<semaphore_mem>>) attributes {dimension_semantics = [#tpu.dimension_semantics<core_parallel>, #tpu.dimension_semantics<subcore_parallel>], iteration_bounds = array<i64: 2, 16>, scalar_prefetch = 0 : i64, scratch_operands = 3 : i64, tpu.core_type = #tpu.core_type<sc_vector_subcore>, window_params = [{transform_indices = #map}, {transform_indices = #map1}, {transform_indices = #map}]} {
    %mul3A = arith.constant 2 : i32
    %mul3A_0 = arith.muli %arg1, %mul3A : i32
    %add3A = arith.addi %mul3A_0, %arg0 : i32
    %mul3A_1 = arith.constant 640 : i32
    %mul3A_2 = arith.muli %add3A, %mul3A_1 : i32
    %add3A_3 = arith.constant 0 : i32
    %add3A_4 = arith.addi %mul3A_2, %add3A_3 : i32
    "tpu.region"() ({
      %run_scoped3A = tpu.sem_alloc : memref<!tpu.dma_semaphore, #tpu.memory_space<semaphore_mem>>
      %dma_start3A_19 = tpu.memref_slice %arg3[%add3A_4] : memref<20480xi32, #tpu.memory_space<hbm>> -> memref<320xi32, #tpu.memory_space<hbm>>
      %dma_start3A_20 = tpu.memref_slice %arg3[%add3A_4] : memref<20480xi32, #tpu.memory_space<hbm>> -> memref<320xi32, #tpu.memory_space<hbm>>
      tpu.enqueue_dma source(%dma_start3A_20 : memref<320xi32, #tpu.memory_space<hbm>>) target(%arg5 : memref<320xi32, #tpu.memory_space<vmem>>) target_semaphore(%run_scoped3A : memref<!tpu.dma_semaphore, #tpu.memory_space<semaphore_mem>>)
      %dma_wait3A_21 = tpu.memref_slice %arg3[%add3A_4] : memref<20480xi32, #tpu.memory_space<hbm>> -> memref<320xi32, #tpu.memory_space<hbm>>
      %dma_wait3A_22 = tpu.memref_slice %arg3[%add3A_4] : memref<20480xi32, #tpu.memory_space<hbm>> -> memref<320xi32, #tpu.memory_space<hbm>>
      tpu.wait_dma2 semaphore(%run_scoped3A : memref<!tpu.dma_semaphore, #tpu.memory_space<semaphore_mem>>) src(%dma_wait3A_22 : memref<320xi32, #tpu.memory_space<hbm>>) dst(%arg5 : memref<320xi32, #tpu.memory_space<vmem>>)
      tpu.yield
    }) : () -> ()
    %dma_start3A = arith.constant 0 : i32
    %dma_start3A_5 = arith.constant 0 : i32
    %dma_start3A_6 = tpu.memref_slice %arg2[%dma_start3A, %dma_start3A_5] : memref<28672x256xf32, #tpu.memory_space<hbm>> -> memref<28672x256xf32, #tpu.memory_space<hbm>>
    tpu.enqueue_indirect_dma source(%dma_start3A_6 : memref<28672x256xf32, #tpu.memory_space<hbm>>) target(%arg6 : memref<320x256xf32, #tpu.memory_space<vmem>>) offsets(%arg5 : memref<320xi32, #tpu.memory_space<vmem>>) semaphore(%arg7 : memref<!tpu.dma_semaphore, #tpu.memory_space<semaphore_mem>>)
    %dma_wait3A = arith.constant 0 : i32
    %dma_wait3A_7 = arith.constant 0 : i32
    %dma_wait3A_8 = tpu.memref_slice %arg2[%dma_wait3A, %dma_wait3A_7] : memref<28672x256xf32, #tpu.memory_space<hbm>> -> memref<28672x256xf32, #tpu.memory_space<hbm>>
    tpu.wait_indirect_dma semaphore(%arg7 : memref<!tpu.dma_semaphore, #tpu.memory_space<semaphore_mem>>) src(%dma_wait3A_8 : memref<28672x256xf32, #tpu.memory_space<hbm>>) dst(%arg6 : memref<320x256xf32, #tpu.memory_space<vmem>>)
    "tpu.region"() ({
      %run_scoped3A = tpu.sem_alloc : memref<!tpu.dma_semaphore, #tpu.memory_space<semaphore_mem>>
      %dma_start3A_19 = arith.constant 0 : i32
      %dma_start3A_20 = tpu.memref_slice %arg4[%add3A_4, %dma_start3A_19] : memref<20480x256xf32, #tpu.memory_space<hbm>> -> memref<320x256xf32, #tpu.memory_space<hbm>>
      %dma_start3A_21 = arith.constant 0 : i32
      %dma_start3A_22 = tpu.memref_slice %arg4[%add3A_4, %dma_start3A_21] : memref<20480x256xf32, #tpu.memory_space<hbm>> -> memref<320x256xf32, #tpu.memory_space<hbm>>
      tpu.enqueue_dma source(%arg6 : memref<320x256xf32, #tpu.memory_space<vmem>>) target(%dma_start3A_22 : memref<320x256xf32, #tpu.memory_space<hbm>>) target_semaphore(%run_scoped3A : memref<!tpu.dma_semaphore, #tpu.memory_space<semaphore_mem>>)
      %dma_wait3A_23 = arith.constant 0 : i32
      %dma_wait3A_24 = tpu.memref_slice %arg4[%add3A_4, %dma_wait3A_23] : memref<20480x256xf32, #tpu.memory_space<hbm>> -> memref<320x256xf32, #tpu.memory_space<hbm>>
      %dma_wait3A_25 = arith.constant 0 : i32
      %dma_wait3A_26 = tpu.memref_slice %arg4[%add3A_4, %dma_wait3A_25] : memref<20480x256xf32, #tpu.memory_space<hbm>> -> memref<320x256xf32, #tpu.memory_space<hbm>>
      tpu.wait_dma2 semaphore(%run_scoped3A : memref<!tpu.dma_semaphore, #tpu.memory_space<semaphore_mem>>) src(%arg6 : memref<320x256xf32, #tpu.memory_space<vmem>>) dst(%dma_wait3A_26 : memref<320x256xf32, #tpu.memory_space<hbm>>)
      tpu.yield
    }) : () -> ()
    %mul3A_9 = arith.constant 640 : i32
    %mul3A_10 = arith.muli %add3A, %mul3A_9 : i32
    %add3A_11 = arith.constant 320 : i32
    %add3A_12 = arith.addi %mul3A_10, %add3A_11 : i32
    "tpu.region"() ({
      %run_scoped3A = tpu.sem_alloc : memref<!tpu.dma_semaphore, #tpu.memory_space<semaphore_mem>>
      %dma_start3A_19 = tpu.memref_slice %arg3[%add3A_12] : memref<20480xi32, #tpu.memory_space<hbm>> -> memref<320xi32, #tpu.memory_space<hbm>>
      %dma_start3A_20 = tpu.memref_slice %arg3[%add3A_12] : memref<20480xi32, #tpu.memory_space<hbm>> -> memref<320xi32, #tpu.memory_space<hbm>>
      tpu.enqueue_dma source(%dma_start3A_20 : memref<320xi32, #tpu.memory_space<hbm>>) target(%arg5 : memref<320xi32, #tpu.memory_space<vmem>>) target_semaphore(%run_scoped3A : memref<!tpu.dma_semaphore, #tpu.memory_space<semaphore_mem>>)
      %dma_wait3A_21 = tpu.memref_slice %arg3[%add3A_12] : memref<20480xi32, #tpu.memory_space<hbm>> -> memref<320xi32, #tpu.memory_space<hbm>>
      %dma_wait3A_22 = tpu.memref_slice %arg3[%add3A_12] : memref<20480xi32, #tpu.memory_space<hbm>> -> memref<320xi32, #tpu.memory_space<hbm>>
      tpu.wait_dma2 semaphore(%run_scoped3A : memref<!tpu.dma_semaphore, #tpu.memory_space<semaphore_mem>>) src(%dma_wait3A_22 : memref<320xi32, #tpu.memory_space<hbm>>) dst(%arg5 : memref<320xi32, #tpu.memory_space<vmem>>)
      tpu.yield
    }) : () -> ()
    %dma_start3A_13 = arith.constant 0 : i32
    %dma_start3A_14 = arith.constant 0 : i32
    %dma_start3A_15 = tpu.memref_slice %arg2[%dma_start3A_13, %dma_start3A_14] : memref<28672x256xf32, #tpu.memory_space<hbm>> -> memref<28672x256xf32, #tpu.memory_space<hbm>>
    tpu.enqueue_indirect_dma source(%dma_start3A_15 : memref<28672x256xf32, #tpu.memory_space<hbm>>) target(%arg6 : memref<320x256xf32, #tpu.memory_space<vmem>>) offsets(%arg5 : memref<320xi32, #tpu.memory_space<vmem>>) semaphore(%arg7 : memref<!tpu.dma_semaphore, #tpu.memory_space<semaphore_mem>>)
    %dma_wait3A_16 = arith.constant 0 : i32
    %dma_wait3A_17 = arith.constant 0 : i32
    %dma_wait3A_18 = tpu.memref_slice %arg2[%dma_wait3A_16, %dma_wait3A_17] : memref<28672x256xf32, #tpu.memory_space<hbm>> -> memref<28672x256xf32, #tpu.memory_space<hbm>>
    tpu.wait_indirect_dma semaphore(%arg7 : memref<!tpu.dma_semaphore, #tpu.memory_space<semaphore_mem>>) src(%dma_wait3A_18 : memref<28672x256xf32, #tpu.memory_space<hbm>>) dst(%arg6 : memref<320x256xf32, #tpu.memory_space<vmem>>)
    "tpu.region"() ({
      %run_scoped3A = tpu.sem_alloc : memref<!tpu.dma_semaphore, #tpu.memory_space<semaphore_mem>>
      %dma_start3A_19 = arith.constant 0 : i32
      %dma_start3A_20 = tpu.memref_slice %arg4[%add3A_12, %dma_start3A_19] : memref<20480x256xf32, #tpu.memory_space<hbm>> -> memref<320x256xf32, #tpu.memory_space<hbm>>
      %dma_start3A_21 = arith.constant 0 : i32
      %dma_start3A_22 = tpu.memref_slice %arg4[%add3A_12, %dma_start3A_21] : memref<20480x256xf32, #tpu.memory_space<hbm>> -> memref<320x256xf32, #tpu.memory_space<hbm>>
      tpu.enqueue_dma source(%arg6 : memref<320x256xf32, #tpu.memory_space<vmem>>) target(%dma_start3A_22 : memref<320x256xf32, #tpu.memory_space<hbm>>) target_semaphore(%run_scoped3A : memref<!tpu.dma_semaphore, #tpu.memory_space<semaphore_mem>>)
      %dma_wait3A_23 = arith.constant 0 : i32
      %dma_wait3A_24 = tpu.memref_slice %arg4[%add3A_12, %dma_wait3A_23] : memref<20480x256xf32, #tpu.memory_space<hbm>> -> memref<320x256xf32, #tpu.memory_space<hbm>>
      %dma_wait3A_25 = arith.constant 0 : i32
      %dma_wait3A_26 = tpu.memref_slice %arg4[%add3A_12, %dma_wait3A_25] : memref<20480x256xf32, #tpu.memory_space<hbm>> -> memref<320x256xf32, #tpu.memory_space<hbm>>
      tpu.wait_dma2 semaphore(%run_scoped3A : memref<!tpu.dma_semaphore, #tpu.memory_space<semaphore_mem>>) src(%arg6 : memref<320x256xf32, #tpu.memory_space<vmem>>) dst(%dma_wait3A_26 : memref<320x256xf32, #tpu.memory_space<hbm>>)
      tpu.yield
    }) : () -> ()
    return
  }
}

module attributes {stable_mosaic.version = 14 : i64} {
  func.func @_router_body(%arg0: memref<5120x256xf32, #tpu.memory_space<vmem>>, %arg1: memref<5120x256xf32, #tpu.memory_space<vmem>>, %arg2: memref<256x8xf32, #tpu.memory_space<vmem>>, %arg3: memref<256x8xf32, #tpu.memory_space<vmem>>, %arg4: memref<20480x1xi32, #tpu.memory_space<vmem>>, %arg5: memref<20480x1xf32, #tpu.memory_space<vmem>>, %arg6: memref<1x56xi32, #tpu.memory_space<vmem>>) attributes {dimension_semantics = [], scalar_prefetch = 0 : i64, scratch_operands = 0 : i64, tpu.core_type = #tpu.core_type<tc>} {
    %get3A = arith.constant 0 : index
    %get3A_0 = arith.constant 0 : index
    %get3A_1 = vector.load %arg0[%get3A, %get3A_0] : memref<5120x256xf32, #tpu.memory_space<vmem>>, vector<5120x256xf32>
    %get3A_2 = arith.constant 0 : index
    %get3A_3 = arith.constant 0 : index
    %get3A_4 = vector.load %arg2[%get3A_2, %get3A_3] : memref<256x8xf32, #tpu.memory_space<vmem>>, vector<256x8xf32>
    %dot_general3A = arith.constant dense<0.000000e+00> : vector<5120x8xf32>
    %dot_general3A_5 = tpu.matmul %get3A_1, %get3A_4, %dot_general3A {dimension_numbers = #tpu.dot_dimension_numbers<[1], [0], [0], [1], [0, 0, 1, 1], [], []>, transpose_lhs_hint = false} : vector<5120x256xf32>, vector<256x8xf32>, vector<5120x8xf32> -> vector<5120x8xf32>
    %iota3A = tpu.iota {dimensions = array<i32: 1>} : vector<5120x8xi32>
    %reduce_max3A = arith.constant dense<0xFF800000> : vector<5120xf32>
    %reduce_max3A_6 = vector.multi_reduction <maximumf>, %dot_general3A_5, %reduce_max3A [1] : vector<5120x8xf32> to vector<5120xf32>
    %broadcast_in_dim3A = vector.shape_cast %reduce_max3A_6 : vector<5120xf32> to vector<5120x1xf32>
    %eq3A = vector.broadcast %broadcast_in_dim3A : vector<5120x1xf32> to vector<5120x8xf32>
    %eq3A_7 = arith.cmpf oeq, %dot_general3A_5, %eq3A : vector<5120x8xf32>
    %jit3A = arith.constant 8 : i32
    %broadcast_in_dim3A_8 = vector.broadcast %jit3A : i32 to vector<5120x8xi32>
    %select_n3A = arith.select %eq3A_7, %iota3A, %broadcast_in_dim3A_8 : vector<5120x8xi1>, vector<5120x8xi32>
    %reduce_min3A = arith.constant dense<2147483647> : vector<5120xi32>
    %reduce_min3A_9 = vector.multi_reduction <minsi>, %select_n3A, %reduce_min3A [1] : vector<5120x8xi32> to vector<5120xi32>
    %broadcast_in_dim3A_10 = vector.shape_cast %reduce_min3A_9 : vector<5120xi32> to vector<5120x1xi32>
    %eq3A_11 = vector.broadcast %broadcast_in_dim3A_10 : vector<5120x1xi32> to vector<5120x8xi32>
    %eq3A_12 = arith.cmpi eq, %iota3A, %eq3A_11 : vector<5120x8xi32>
    %jit3A_13 = arith.constant 0xFF800000 : f32
    %broadcast_in_dim3A_14 = vector.broadcast %jit3A_13 : f32 to vector<5120x8xf32>
    %select_n3A_15 = arith.select %eq3A_12, %broadcast_in_dim3A_14, %dot_general3A_5 : vector<5120x8xi1>, vector<5120x8xf32>
    %reduce_max3A_16 = arith.constant dense<0xFF800000> : vector<5120xf32>
    %reduce_max3A_17 = vector.multi_reduction <maximumf>, %select_n3A_15, %reduce_max3A_16 [1] : vector<5120x8xf32> to vector<5120xf32>
    %broadcast_in_dim3A_18 = vector.shape_cast %reduce_max3A_17 : vector<5120xf32> to vector<5120x1xf32>
    %eq3A_19 = vector.broadcast %broadcast_in_dim3A_18 : vector<5120x1xf32> to vector<5120x8xf32>
    %eq3A_20 = arith.cmpf oeq, %select_n3A_15, %eq3A_19 : vector<5120x8xf32>
    %jit3A_21 = arith.constant 8 : i32
    %broadcast_in_dim3A_22 = vector.broadcast %jit3A_21 : i32 to vector<5120x8xi32>
    %select_n3A_23 = arith.select %eq3A_20, %iota3A, %broadcast_in_dim3A_22 : vector<5120x8xi1>, vector<5120x8xi32>
    %reduce_min3A_24 = arith.constant dense<2147483647> : vector<5120xi32>
    %reduce_min3A_25 = vector.multi_reduction <minsi>, %select_n3A_23, %reduce_min3A_24 [1] : vector<5120x8xi32> to vector<5120xi32>
    %broadcast_in_dim3A_26 = vector.shape_cast %reduce_min3A_25 : vector<5120xi32> to vector<5120x1xi32>
    %eq3A_27 = vector.broadcast %broadcast_in_dim3A_26 : vector<5120x1xi32> to vector<5120x8xi32>
    %eq3A_28 = arith.cmpi eq, %iota3A, %eq3A_27 : vector<5120x8xi32>
    %sub3A = arith.subf %broadcast_in_dim3A_18, %broadcast_in_dim3A : vector<5120x1xf32>
    %exp3A = math.exp %sub3A : vector<5120x1xf32>
    %add3A = arith.constant 1.000000e+00 : f32
    %add3A_29 = vector.broadcast %add3A : f32 to vector<5120x1xf32>
    %add3A_30 = arith.addf %add3A_29, %exp3A : vector<5120x1xf32>
    %div3A = arith.constant 1.000000e+00 : f32
    %div3A_31 = vector.broadcast %div3A : f32 to vector<5120x1xf32>
    %div3A_32 = arith.divf %div3A_31, %add3A_30 : vector<5120x1xf32>
    %mul3A = arith.mulf %exp3A, %div3A_32 : vector<5120x1xf32>
    %convert_element_type3A = arith.extui %eq3A_12 : vector<5120x8xi1> to vector<5120x8xi32>
    %convert_element_type3A_33 = arith.sitofp %convert_element_type3A : vector<5120x8xi32> to vector<5120x8xf32>
    %convert_element_type3A_34 = arith.extui %eq3A_28 : vector<5120x8xi1> to vector<5120x8xi32>
    %convert_element_type3A_35 = arith.sitofp %convert_element_type3A_34 : vector<5120x8xi32> to vector<5120x8xf32>
    %add3A_36 = arith.addf %convert_element_type3A_33, %convert_element_type3A_35 : vector<5120x8xf32>
    %iota3A_37 = tpu.iota {dimensions = array<i32: 0>} : vector<512x512xi32>
    %iota3A_38 = tpu.iota {dimensions = array<i32: 1>} : vector<512x512xi32>
    %lt3A = arith.cmpi slt, %iota3A_38, %iota3A_37 : vector<512x512xi32>
    %convert_element_type3A_39 = arith.extui %lt3A : vector<512x512xi1> to vector<512x512xi32>
    %convert_element_type3A_40 = arith.sitofp %convert_element_type3A_39 : vector<512x512xi32> to vector<512x512xf32>
    %convert_element_type3A_41 = arith.truncf %convert_element_type3A_40 : vector<512x512xf32> to vector<512x512xbf16>
    %broadcast_in_dim3A_42 = arith.constant 0.000000e+00 : f32
    %broadcast_in_dim3A_43 = vector.broadcast %broadcast_in_dim3A_42 : f32 to vector<1x8xf32>
    %slice3A = vector.extract_strided_slice %add3A_36 {offsets = [0, 0], sizes = [512, 8], strides = [1, 1]} : vector<5120x8xf32> to vector<512x8xf32>
    %convert_element_type3A_44 = arith.truncf %slice3A : vector<512x8xf32> to vector<512x8xbf16>
    %dot_general3A_45 = arith.constant dense<0.000000e+00> : vector<512x8xf32>
    %dot_general3A_46 = tpu.matmul %convert_element_type3A_41, %convert_element_type3A_44, %dot_general3A_45 {dimension_numbers = #tpu.dot_dimension_numbers<[1], [0], [0], [1], [0, 0, 1, 1], [], []>, transpose_lhs_hint = false} : vector<512x512xbf16>, vector<512x8xbf16>, vector<512x8xf32> -> vector<512x8xf32>
    %add3A_47 = vector.broadcast %broadcast_in_dim3A_43 : vector<1x8xf32> to vector<512x8xf32>
    %add3A_48 = arith.addf %dot_general3A_46, %add3A_47 : vector<512x8xf32>
    %reduce_sum3A = arith.constant dense<0.000000e+00> : vector<8xf32>
    %reduce_sum3A_49 = vector.multi_reduction <add>, %slice3A, %reduce_sum3A [0] : vector<512x8xf32> to vector<8xf32>
    %broadcast_in_dim3A_50 = vector.shape_cast %reduce_sum3A_49 : vector<8xf32> to vector<1x8xf32>
    %add3A_51 = arith.addf %broadcast_in_dim3A_43, %broadcast_in_dim3A_50 : vector<1x8xf32>
    %slice3A_52 = vector.extract_strided_slice %add3A_36 {offsets = [512, 0], sizes = [512, 8], strides = [1, 1]} : vector<5120x8xf32> to vector<512x8xf32>
    %convert_element_type3A_53 = arith.truncf %slice3A_52 : vector<512x8xf32> to vector<512x8xbf16>
    %dot_general3A_54 = arith.constant dense<0.000000e+00> : vector<512x8xf32>
    %dot_general3A_55 = tpu.matmul %convert_element_type3A_41, %convert_element_type3A_53, %dot_general3A_54 {dimension_numbers = #tpu.dot_dimension_numbers<[1], [0], [0], [1], [0, 0, 1, 1], [], []>, transpose_lhs_hint = false} : vector<512x512xbf16>, vector<512x8xbf16>, vector<512x8xf32> -> vector<512x8xf32>
    %add3A_56 = vector.broadcast %add3A_51 : vector<1x8xf32> to vector<512x8xf32>
    %add3A_57 = arith.addf %dot_general3A_55, %add3A_56 : vector<512x8xf32>
    %reduce_sum3A_58 = arith.constant dense<0.000000e+00> : vector<8xf32>
    %reduce_sum3A_59 = vector.multi_reduction <add>, %slice3A_52, %reduce_sum3A_58 [0] : vector<512x8xf32> to vector<8xf32>
    %broadcast_in_dim3A_60 = vector.shape_cast %reduce_sum3A_59 : vector<8xf32> to vector<1x8xf32>
    %add3A_61 = arith.addf %add3A_51, %broadcast_in_dim3A_60 : vector<1x8xf32>
    %slice3A_62 = vector.extract_strided_slice %add3A_36 {offsets = [1024, 0], sizes = [512, 8], strides = [1, 1]} : vector<5120x8xf32> to vector<512x8xf32>
    %convert_element_type3A_63 = arith.truncf %slice3A_62 : vector<512x8xf32> to vector<512x8xbf16>
    %dot_general3A_64 = arith.constant dense<0.000000e+00> : vector<512x8xf32>
    %dot_general3A_65 = tpu.matmul %convert_element_type3A_41, %convert_element_type3A_63, %dot_general3A_64 {dimension_numbers = #tpu.dot_dimension_numbers<[1], [0], [0], [1], [0, 0, 1, 1], [], []>, transpose_lhs_hint = false} : vector<512x512xbf16>, vector<512x8xbf16>, vector<512x8xf32> -> vector<512x8xf32>
    %add3A_66 = vector.broadcast %add3A_61 : vector<1x8xf32> to vector<512x8xf32>
    %add3A_67 = arith.addf %dot_general3A_65, %add3A_66 : vector<512x8xf32>
    %reduce_sum3A_68 = arith.constant dense<0.000000e+00> : vector<8xf32>
    %reduce_sum3A_69 = vector.multi_reduction <add>, %slice3A_62, %reduce_sum3A_68 [0] : vector<512x8xf32> to vector<8xf32>
    %broadcast_in_dim3A_70 = vector.shape_cast %reduce_sum3A_69 : vector<8xf32> to vector<1x8xf32>
    %add3A_71 = arith.addf %add3A_61, %broadcast_in_dim3A_70 : vector<1x8xf32>
    %slice3A_72 = vector.extract_strided_slice %add3A_36 {offsets = [1536, 0], sizes = [512, 8], strides = [1, 1]} : vector<5120x8xf32> to vector<512x8xf32>
    %convert_element_type3A_73 = arith.truncf %slice3A_72 : vector<512x8xf32> to vector<512x8xbf16>
    %dot_general3A_74 = arith.constant dense<0.000000e+00> : vector<512x8xf32>
    %dot_general3A_75 = tpu.matmul %convert_element_type3A_41, %convert_element_type3A_73, %dot_general3A_74 {dimension_numbers = #tpu.dot_dimension_numbers<[1], [0], [0], [1], [0, 0, 1, 1], [], []>, transpose_lhs_hint = false} : vector<512x512xbf16>, vector<512x8xbf16>, vector<512x8xf32> -> vector<512x8xf32>
    %add3A_76 = vector.broadcast %add3A_71 : vector<1x8xf32> to vector<512x8xf32>
    %add3A_77 = arith.addf %dot_general3A_75, %add3A_76 : vector<512x8xf32>
    %reduce_sum3A_78 = arith.constant dense<0.000000e+00> : vector<8xf32>
    %reduce_sum3A_79 = vector.multi_reduction <add>, %slice3A_72, %reduce_sum3A_78 [0] : vector<512x8xf32> to vector<8xf32>
    %broadcast_in_dim3A_80 = vector.shape_cast %reduce_sum3A_79 : vector<8xf32> to vector<1x8xf32>
    %add3A_81 = arith.addf %add3A_71, %broadcast_in_dim3A_80 : vector<1x8xf32>
    %slice3A_82 = vector.extract_strided_slice %add3A_36 {offsets = [2048, 0], sizes = [512, 8], strides = [1, 1]} : vector<5120x8xf32> to vector<512x8xf32>
    %convert_element_type3A_83 = arith.truncf %slice3A_82 : vector<512x8xf32> to vector<512x8xbf16>
    %dot_general3A_84 = arith.constant dense<0.000000e+00> : vector<512x8xf32>
    %dot_general3A_85 = tpu.matmul %convert_element_type3A_41, %convert_element_type3A_83, %dot_general3A_84 {dimension_numbers = #tpu.dot_dimension_numbers<[1], [0], [0], [1], [0, 0, 1, 1], [], []>, transpose_lhs_hint = false} : vector<512x512xbf16>, vector<512x8xbf16>, vector<512x8xf32> -> vector<512x8xf32>
    %add3A_86 = vector.broadcast %add3A_81 : vector<1x8xf32> to vector<512x8xf32>
    %add3A_87 = arith.addf %dot_general3A_85, %add3A_86 : vector<512x8xf32>
    %reduce_sum3A_88 = arith.constant dense<0.000000e+00> : vector<8xf32>
    %reduce_sum3A_89 = vector.multi_reduction <add>, %slice3A_82, %reduce_sum3A_88 [0] : vector<512x8xf32> to vector<8xf32>
    %broadcast_in_dim3A_90 = vector.shape_cast %reduce_sum3A_89 : vector<8xf32> to vector<1x8xf32>
    %add3A_91 = arith.addf %add3A_81, %broadcast_in_dim3A_90 : vector<1x8xf32>
    %slice3A_92 = vector.extract_strided_slice %add3A_36 {offsets = [2560, 0], sizes = [512, 8], strides = [1, 1]} : vector<5120x8xf32> to vector<512x8xf32>
    %convert_element_type3A_93 = arith.truncf %slice3A_92 : vector<512x8xf32> to vector<512x8xbf16>
    %dot_general3A_94 = arith.constant dense<0.000000e+00> : vector<512x8xf32>
    %dot_general3A_95 = tpu.matmul %convert_element_type3A_41, %convert_element_type3A_93, %dot_general3A_94 {dimension_numbers = #tpu.dot_dimension_numbers<[1], [0], [0], [1], [0, 0, 1, 1], [], []>, transpose_lhs_hint = false} : vector<512x512xbf16>, vector<512x8xbf16>, vector<512x8xf32> -> vector<512x8xf32>
    %add3A_96 = vector.broadcast %add3A_91 : vector<1x8xf32> to vector<512x8xf32>
    %add3A_97 = arith.addf %dot_general3A_95, %add3A_96 : vector<512x8xf32>
    %reduce_sum3A_98 = arith.constant dense<0.000000e+00> : vector<8xf32>
    %reduce_sum3A_99 = vector.multi_reduction <add>, %slice3A_92, %reduce_sum3A_98 [0] : vector<512x8xf32> to vector<8xf32>
    %broadcast_in_dim3A_100 = vector.shape_cast %reduce_sum3A_99 : vector<8xf32> to vector<1x8xf32>
    %add3A_101 = arith.addf %add3A_91, %broadcast_in_dim3A_100 : vector<1x8xf32>
    %slice3A_102 = vector.extract_strided_slice %add3A_36 {offsets = [3072, 0], sizes = [512, 8], strides = [1, 1]} : vector<5120x8xf32> to vector<512x8xf32>
    %convert_element_type3A_103 = arith.truncf %slice3A_102 : vector<512x8xf32> to vector<512x8xbf16>
    %dot_general3A_104 = arith.constant dense<0.000000e+00> : vector<512x8xf32>
    %dot_general3A_105 = tpu.matmul %convert_element_type3A_41, %convert_element_type3A_103, %dot_general3A_104 {dimension_numbers = #tpu.dot_dimension_numbers<[1], [0], [0], [1], [0, 0, 1, 1], [], []>, transpose_lhs_hint = false} : vector<512x512xbf16>, vector<512x8xbf16>, vector<512x8xf32> -> vector<512x8xf32>
    %add3A_106 = vector.broadcast %add3A_101 : vector<1x8xf32> to vector<512x8xf32>
    %add3A_107 = arith.addf %dot_general3A_105, %add3A_106 : vector<512x8xf32>
    %reduce_sum3A_108 = arith.constant dense<0.000000e+00> : vector<8xf32>
    %reduce_sum3A_109 = vector.multi_reduction <add>, %slice3A_102, %reduce_sum3A_108 [0] : vector<512x8xf32> to vector<8xf32>
    %broadcast_in_dim3A_110 = vector.shape_cast %reduce_sum3A_109 : vector<8xf32> to vector<1x8xf32>
    %add3A_111 = arith.addf %add3A_101, %broadcast_in_dim3A_110 : vector<1x8xf32>
    %slice3A_112 = vector.extract_strided_slice %add3A_36 {offsets = [3584, 0], sizes = [512, 8], strides = [1, 1]} : vector<5120x8xf32> to vector<512x8xf32>
    %convert_element_type3A_113 = arith.truncf %slice3A_112 : vector<512x8xf32> to vector<512x8xbf16>
    %dot_general3A_114 = arith.constant dense<0.000000e+00> : vector<512x8xf32>
    %dot_general3A_115 = tpu.matmul %convert_element_type3A_41, %convert_element_type3A_113, %dot_general3A_114 {dimension_numbers = #tpu.dot_dimension_numbers<[1], [0], [0], [1], [0, 0, 1, 1], [], []>, transpose_lhs_hint = false} : vector<512x512xbf16>, vector<512x8xbf16>, vector<512x8xf32> -> vector<512x8xf32>
    %add3A_116 = vector.broadcast %add3A_111 : vector<1x8xf32> to vector<512x8xf32>
    %add3A_117 = arith.addf %dot_general3A_115, %add3A_116 : vector<512x8xf32>
    %reduce_sum3A_118 = arith.constant dense<0.000000e+00> : vector<8xf32>
    %reduce_sum3A_119 = vector.multi_reduction <add>, %slice3A_112, %reduce_sum3A_118 [0] : vector<512x8xf32> to vector<8xf32>
    %broadcast_in_dim3A_120 = vector.shape_cast %reduce_sum3A_119 : vector<8xf32> to vector<1x8xf32>
    %add3A_121 = arith.addf %add3A_111, %broadcast_in_dim3A_120 : vector<1x8xf32>
    %slice3A_122 = vector.extract_strided_slice %add3A_36 {offsets = [4096, 0], sizes = [512, 8], strides = [1, 1]} : vector<5120x8xf32> to vector<512x8xf32>
    %convert_element_type3A_123 = arith.truncf %slice3A_122 : vector<512x8xf32> to vector<512x8xbf16>
    %dot_general3A_124 = arith.constant dense<0.000000e+00> : vector<512x8xf32>
    %dot_general3A_125 = tpu.matmul %convert_element_type3A_41, %convert_element_type3A_123, %dot_general3A_124 {dimension_numbers = #tpu.dot_dimension_numbers<[1], [0], [0], [1], [0, 0, 1, 1], [], []>, transpose_lhs_hint = false} : vector<512x512xbf16>, vector<512x8xbf16>, vector<512x8xf32> -> vector<512x8xf32>
    %add3A_126 = vector.broadcast %add3A_121 : vector<1x8xf32> to vector<512x8xf32>
    %add3A_127 = arith.addf %dot_general3A_125, %add3A_126 : vector<512x8xf32>
    %reduce_sum3A_128 = arith.constant dense<0.000000e+00> : vector<8xf32>
    %reduce_sum3A_129 = vector.multi_reduction <add>, %slice3A_122, %reduce_sum3A_128 [0] : vector<512x8xf32> to vector<8xf32>
    %broadcast_in_dim3A_130 = vector.shape_cast %reduce_sum3A_129 : vector<8xf32> to vector<1x8xf32>
    %add3A_131 = arith.addf %add3A_121, %broadcast_in_dim3A_130 : vector<1x8xf32>
    %slice3A_132 = vector.extract_strided_slice %add3A_36 {offsets = [4608, 0], sizes = [512, 8], strides = [1, 1]} : vector<5120x8xf32> to vector<512x8xf32>
    %convert_element_type3A_133 = arith.truncf %slice3A_132 : vector<512x8xf32> to vector<512x8xbf16>
    %dot_general3A_134 = arith.constant dense<0.000000e+00> : vector<512x8xf32>
    %dot_general3A_135 = tpu.matmul %convert_element_type3A_41, %convert_element_type3A_133, %dot_general3A_134 {dimension_numbers = #tpu.dot_dimension_numbers<[1], [0], [0], [1], [0, 0, 1, 1], [], []>, transpose_lhs_hint = false} : vector<512x512xbf16>, vector<512x8xbf16>, vector<512x8xf32> -> vector<512x8xf32>
    %add3A_136 = vector.broadcast %add3A_131 : vector<1x8xf32> to vector<512x8xf32>
    %add3A_137 = arith.addf %dot_general3A_135, %add3A_136 : vector<512x8xf32>
    %reduce_sum3A_138 = arith.constant dense<0.000000e+00> : vector<8xf32>
    %reduce_sum3A_139 = vector.multi_reduction <add>, %slice3A_132, %reduce_sum3A_138 [0] : vector<512x8xf32> to vector<8xf32>
    %broadcast_in_dim3A_140 = vector.shape_cast %reduce_sum3A_139 : vector<8xf32> to vector<1x8xf32>
    %add3A_141 = arith.addf %add3A_131, %broadcast_in_dim3A_140 : vector<1x8xf32>
    %concatenate3A = tpu.concatenate %add3A_48, %add3A_57, %add3A_67, %add3A_77, %add3A_87, %add3A_97, %add3A_107, %add3A_117, %add3A_127, %add3A_137 in 0 : vector<512x8xf32>, vector<512x8xf32>, vector<512x8xf32>, vector<512x8xf32>, vector<512x8xf32>, vector<512x8xf32>, vector<512x8xf32>, vector<512x8xf32>, vector<512x8xf32>, vector<512x8xf32> -> vector<5120x8xf32>
    %jit3A_142 = arith.constant 0.000000e+00 : f32
    %broadcast_in_dim3A_143 = vector.broadcast %jit3A_142 : f32 to vector<5120x8xf32>
    %select_n3A_144 = arith.select %eq3A_12, %concatenate3A, %broadcast_in_dim3A_143 : vector<5120x8xi1>, vector<5120x8xf32>
    %reduce_sum3A_145 = arith.constant dense<0.000000e+00> : vector<5120xf32>
    %reduce_sum3A_146 = vector.multi_reduction <add>, %select_n3A_144, %reduce_sum3A_145 [1] : vector<5120x8xf32> to vector<5120xf32>
    %broadcast_in_dim3A_147 = vector.shape_cast %reduce_sum3A_146 : vector<5120xf32> to vector<5120x1xf32>
    %jit3A_148 = arith.constant 0.000000e+00 : f32
    %broadcast_in_dim3A_149 = vector.broadcast %jit3A_148 : f32 to vector<5120x8xf32>
    %select_n3A_150 = arith.select %eq3A_28, %concatenate3A, %broadcast_in_dim3A_149 : vector<5120x8xi1>, vector<5120x8xf32>
    %reduce_sum3A_151 = arith.constant dense<0.000000e+00> : vector<5120xf32>
    %reduce_sum3A_152 = vector.multi_reduction <add>, %select_n3A_150, %reduce_sum3A_151 [1] : vector<5120x8xf32> to vector<5120xf32>
    %broadcast_in_dim3A_153 = vector.shape_cast %reduce_sum3A_152 : vector<5120xf32> to vector<5120x1xf32>
    %get3A_154 = arith.constant 0 : index
    %get3A_155 = arith.constant 0 : index
    %get3A_156 = vector.load %arg1[%get3A_154, %get3A_155] : memref<5120x256xf32, #tpu.memory_space<vmem>>, vector<5120x256xf32>
    %get3A_157 = arith.constant 0 : index
    %get3A_158 = arith.constant 0 : index
    %get3A_159 = vector.load %arg3[%get3A_157, %get3A_158] : memref<256x8xf32, #tpu.memory_space<vmem>>, vector<256x8xf32>
    %dot_general3A_160 = arith.constant dense<0.000000e+00> : vector<5120x8xf32>
    %dot_general3A_161 = tpu.matmul %get3A_156, %get3A_159, %dot_general3A_160 {dimension_numbers = #tpu.dot_dimension_numbers<[1], [0], [0], [1], [0, 0, 1, 1], [], []>, transpose_lhs_hint = false} : vector<5120x256xf32>, vector<256x8xf32>, vector<5120x8xf32> -> vector<5120x8xf32>
    %iota3A_162 = tpu.iota {dimensions = array<i32: 1>} : vector<5120x8xi32>
    %reduce_max3A_163 = arith.constant dense<0xFF800000> : vector<5120xf32>
    %reduce_max3A_164 = vector.multi_reduction <maximumf>, %dot_general3A_161, %reduce_max3A_163 [1] : vector<5120x8xf32> to vector<5120xf32>
    %broadcast_in_dim3A_165 = vector.shape_cast %reduce_max3A_164 : vector<5120xf32> to vector<5120x1xf32>
    %eq3A_166 = vector.broadcast %broadcast_in_dim3A_165 : vector<5120x1xf32> to vector<5120x8xf32>
    %eq3A_167 = arith.cmpf oeq, %dot_general3A_161, %eq3A_166 : vector<5120x8xf32>
    %jit3A_168 = arith.constant 8 : i32
    %broadcast_in_dim3A_169 = vector.broadcast %jit3A_168 : i32 to vector<5120x8xi32>
    %select_n3A_170 = arith.select %eq3A_167, %iota3A_162, %broadcast_in_dim3A_169 : vector<5120x8xi1>, vector<5120x8xi32>
    %reduce_min3A_171 = arith.constant dense<2147483647> : vector<5120xi32>
    %reduce_min3A_172 = vector.multi_reduction <minsi>, %select_n3A_170, %reduce_min3A_171 [1] : vector<5120x8xi32> to vector<5120xi32>
    %broadcast_in_dim3A_173 = vector.shape_cast %reduce_min3A_172 : vector<5120xi32> to vector<5120x1xi32>
    %eq3A_174 = vector.broadcast %broadcast_in_dim3A_173 : vector<5120x1xi32> to vector<5120x8xi32>
    %eq3A_175 = arith.cmpi eq, %iota3A_162, %eq3A_174 : vector<5120x8xi32>
    %jit3A_176 = arith.constant 0xFF800000 : f32
    %broadcast_in_dim3A_177 = vector.broadcast %jit3A_176 : f32 to vector<5120x8xf32>
    %select_n3A_178 = arith.select %eq3A_175, %broadcast_in_dim3A_177, %dot_general3A_161 : vector<5120x8xi1>, vector<5120x8xf32>
    %reduce_max3A_179 = arith.constant dense<0xFF800000> : vector<5120xf32>
    %reduce_max3A_180 = vector.multi_reduction <maximumf>, %select_n3A_178, %reduce_max3A_179 [1] : vector<5120x8xf32> to vector<5120xf32>
    %broadcast_in_dim3A_181 = vector.shape_cast %reduce_max3A_180 : vector<5120xf32> to vector<5120x1xf32>
    %eq3A_182 = vector.broadcast %broadcast_in_dim3A_181 : vector<5120x1xf32> to vector<5120x8xf32>
    %eq3A_183 = arith.cmpf oeq, %select_n3A_178, %eq3A_182 : vector<5120x8xf32>
    %jit3A_184 = arith.constant 8 : i32
    %broadcast_in_dim3A_185 = vector.broadcast %jit3A_184 : i32 to vector<5120x8xi32>
    %select_n3A_186 = arith.select %eq3A_183, %iota3A_162, %broadcast_in_dim3A_185 : vector<5120x8xi1>, vector<5120x8xi32>
    %reduce_min3A_187 = arith.constant dense<2147483647> : vector<5120xi32>
    %reduce_min3A_188 = vector.multi_reduction <minsi>, %select_n3A_186, %reduce_min3A_187 [1] : vector<5120x8xi32> to vector<5120xi32>
    %broadcast_in_dim3A_189 = vector.shape_cast %reduce_min3A_188 : vector<5120xi32> to vector<5120x1xi32>
    %eq3A_190 = vector.broadcast %broadcast_in_dim3A_189 : vector<5120x1xi32> to vector<5120x8xi32>
    %eq3A_191 = arith.cmpi eq, %iota3A_162, %eq3A_190 : vector<5120x8xi32>
    %sub3A_192 = arith.subf %broadcast_in_dim3A_181, %broadcast_in_dim3A_165 : vector<5120x1xf32>
    %exp3A_193 = math.exp %sub3A_192 : vector<5120x1xf32>
    %add3A_194 = arith.constant 1.000000e+00 : f32
    %add3A_195 = vector.broadcast %add3A_194 : f32 to vector<5120x1xf32>
    %add3A_196 = arith.addf %add3A_195, %exp3A_193 : vector<5120x1xf32>
    %div3A_197 = arith.constant 1.000000e+00 : f32
    %div3A_198 = vector.broadcast %div3A_197 : f32 to vector<5120x1xf32>
    %div3A_199 = arith.divf %div3A_198, %add3A_196 : vector<5120x1xf32>
    %mul3A_200 = arith.mulf %exp3A_193, %div3A_199 : vector<5120x1xf32>
    %convert_element_type3A_201 = arith.extui %eq3A_175 : vector<5120x8xi1> to vector<5120x8xi32>
    %convert_element_type3A_202 = arith.sitofp %convert_element_type3A_201 : vector<5120x8xi32> to vector<5120x8xf32>
    %convert_element_type3A_203 = arith.extui %eq3A_191 : vector<5120x8xi1> to vector<5120x8xi32>
    %convert_element_type3A_204 = arith.sitofp %convert_element_type3A_203 : vector<5120x8xi32> to vector<5120x8xf32>
    %add3A_205 = arith.addf %convert_element_type3A_202, %convert_element_type3A_204 : vector<5120x8xf32>
    %iota3A_206 = tpu.iota {dimensions = array<i32: 0>} : vector<512x512xi32>
    %iota3A_207 = tpu.iota {dimensions = array<i32: 1>} : vector<512x512xi32>
    %lt3A_208 = arith.cmpi slt, %iota3A_207, %iota3A_206 : vector<512x512xi32>
    %convert_element_type3A_209 = arith.extui %lt3A_208 : vector<512x512xi1> to vector<512x512xi32>
    %convert_element_type3A_210 = arith.sitofp %convert_element_type3A_209 : vector<512x512xi32> to vector<512x512xf32>
    %convert_element_type3A_211 = arith.truncf %convert_element_type3A_210 : vector<512x512xf32> to vector<512x512xbf16>
    %broadcast_in_dim3A_212 = arith.constant 0.000000e+00 : f32
    %broadcast_in_dim3A_213 = vector.broadcast %broadcast_in_dim3A_212 : f32 to vector<1x8xf32>
    %slice3A_214 = vector.extract_strided_slice %add3A_205 {offsets = [0, 0], sizes = [512, 8], strides = [1, 1]} : vector<5120x8xf32> to vector<512x8xf32>
    %convert_element_type3A_215 = arith.truncf %slice3A_214 : vector<512x8xf32> to vector<512x8xbf16>
    %dot_general3A_216 = arith.constant dense<0.000000e+00> : vector<512x8xf32>
    %dot_general3A_217 = tpu.matmul %convert_element_type3A_211, %convert_element_type3A_215, %dot_general3A_216 {dimension_numbers = #tpu.dot_dimension_numbers<[1], [0], [0], [1], [0, 0, 1, 1], [], []>, transpose_lhs_hint = false} : vector<512x512xbf16>, vector<512x8xbf16>, vector<512x8xf32> -> vector<512x8xf32>
    %add3A_218 = vector.broadcast %broadcast_in_dim3A_213 : vector<1x8xf32> to vector<512x8xf32>
    %add3A_219 = arith.addf %dot_general3A_217, %add3A_218 : vector<512x8xf32>
    %reduce_sum3A_220 = arith.constant dense<0.000000e+00> : vector<8xf32>
    %reduce_sum3A_221 = vector.multi_reduction <add>, %slice3A_214, %reduce_sum3A_220 [0] : vector<512x8xf32> to vector<8xf32>
    %broadcast_in_dim3A_222 = vector.shape_cast %reduce_sum3A_221 : vector<8xf32> to vector<1x8xf32>
    %add3A_223 = arith.addf %broadcast_in_dim3A_213, %broadcast_in_dim3A_222 : vector<1x8xf32>
    %slice3A_224 = vector.extract_strided_slice %add3A_205 {offsets = [512, 0], sizes = [512, 8], strides = [1, 1]} : vector<5120x8xf32> to vector<512x8xf32>
    %convert_element_type3A_225 = arith.truncf %slice3A_224 : vector<512x8xf32> to vector<512x8xbf16>
    %dot_general3A_226 = arith.constant dense<0.000000e+00> : vector<512x8xf32>
    %dot_general3A_227 = tpu.matmul %convert_element_type3A_211, %convert_element_type3A_225, %dot_general3A_226 {dimension_numbers = #tpu.dot_dimension_numbers<[1], [0], [0], [1], [0, 0, 1, 1], [], []>, transpose_lhs_hint = false} : vector<512x512xbf16>, vector<512x8xbf16>, vector<512x8xf32> -> vector<512x8xf32>
    %add3A_228 = vector.broadcast %add3A_223 : vector<1x8xf32> to vector<512x8xf32>
    %add3A_229 = arith.addf %dot_general3A_227, %add3A_228 : vector<512x8xf32>
    %reduce_sum3A_230 = arith.constant dense<0.000000e+00> : vector<8xf32>
    %reduce_sum3A_231 = vector.multi_reduction <add>, %slice3A_224, %reduce_sum3A_230 [0] : vector<512x8xf32> to vector<8xf32>
    %broadcast_in_dim3A_232 = vector.shape_cast %reduce_sum3A_231 : vector<8xf32> to vector<1x8xf32>
    %add3A_233 = arith.addf %add3A_223, %broadcast_in_dim3A_232 : vector<1x8xf32>
    %slice3A_234 = vector.extract_strided_slice %add3A_205 {offsets = [1024, 0], sizes = [512, 8], strides = [1, 1]} : vector<5120x8xf32> to vector<512x8xf32>
    %convert_element_type3A_235 = arith.truncf %slice3A_234 : vector<512x8xf32> to vector<512x8xbf16>
    %dot_general3A_236 = arith.constant dense<0.000000e+00> : vector<512x8xf32>
    %dot_general3A_237 = tpu.matmul %convert_element_type3A_211, %convert_element_type3A_235, %dot_general3A_236 {dimension_numbers = #tpu.dot_dimension_numbers<[1], [0], [0], [1], [0, 0, 1, 1], [], []>, transpose_lhs_hint = false} : vector<512x512xbf16>, vector<512x8xbf16>, vector<512x8xf32> -> vector<512x8xf32>
    %add3A_238 = vector.broadcast %add3A_233 : vector<1x8xf32> to vector<512x8xf32>
    %add3A_239 = arith.addf %dot_general3A_237, %add3A_238 : vector<512x8xf32>
    %reduce_sum3A_240 = arith.constant dense<0.000000e+00> : vector<8xf32>
    %reduce_sum3A_241 = vector.multi_reduction <add>, %slice3A_234, %reduce_sum3A_240 [0] : vector<512x8xf32> to vector<8xf32>
    %broadcast_in_dim3A_242 = vector.shape_cast %reduce_sum3A_241 : vector<8xf32> to vector<1x8xf32>
    %add3A_243 = arith.addf %add3A_233, %broadcast_in_dim3A_242 : vector<1x8xf32>
    %slice3A_244 = vector.extract_strided_slice %add3A_205 {offsets = [1536, 0], sizes = [512, 8], strides = [1, 1]} : vector<5120x8xf32> to vector<512x8xf32>
    %convert_element_type3A_245 = arith.truncf %slice3A_244 : vector<512x8xf32> to vector<512x8xbf16>
    %dot_general3A_246 = arith.constant dense<0.000000e+00> : vector<512x8xf32>
    %dot_general3A_247 = tpu.matmul %convert_element_type3A_211, %convert_element_type3A_245, %dot_general3A_246 {dimension_numbers = #tpu.dot_dimension_numbers<[1], [0], [0], [1], [0, 0, 1, 1], [], []>, transpose_lhs_hint = false} : vector<512x512xbf16>, vector<512x8xbf16>, vector<512x8xf32> -> vector<512x8xf32>
    %add3A_248 = vector.broadcast %add3A_243 : vector<1x8xf32> to vector<512x8xf32>
    %add3A_249 = arith.addf %dot_general3A_247, %add3A_248 : vector<512x8xf32>
    %reduce_sum3A_250 = arith.constant dense<0.000000e+00> : vector<8xf32>
    %reduce_sum3A_251 = vector.multi_reduction <add>, %slice3A_244, %reduce_sum3A_250 [0] : vector<512x8xf32> to vector<8xf32>
    %broadcast_in_dim3A_252 = vector.shape_cast %reduce_sum3A_251 : vector<8xf32> to vector<1x8xf32>
    %add3A_253 = arith.addf %add3A_243, %broadcast_in_dim3A_252 : vector<1x8xf32>
    %slice3A_254 = vector.extract_strided_slice %add3A_205 {offsets = [2048, 0], sizes = [512, 8], strides = [1, 1]} : vector<5120x8xf32> to vector<512x8xf32>
    %convert_element_type3A_255 = arith.truncf %slice3A_254 : vector<512x8xf32> to vector<512x8xbf16>
    %dot_general3A_256 = arith.constant dense<0.000000e+00> : vector<512x8xf32>
    %dot_general3A_257 = tpu.matmul %convert_element_type3A_211, %convert_element_type3A_255, %dot_general3A_256 {dimension_numbers = #tpu.dot_dimension_numbers<[1], [0], [0], [1], [0, 0, 1, 1], [], []>, transpose_lhs_hint = false} : vector<512x512xbf16>, vector<512x8xbf16>, vector<512x8xf32> -> vector<512x8xf32>
    %add3A_258 = vector.broadcast %add3A_253 : vector<1x8xf32> to vector<512x8xf32>
    %add3A_259 = arith.addf %dot_general3A_257, %add3A_258 : vector<512x8xf32>
    %reduce_sum3A_260 = arith.constant dense<0.000000e+00> : vector<8xf32>
    %reduce_sum3A_261 = vector.multi_reduction <add>, %slice3A_254, %reduce_sum3A_260 [0] : vector<512x8xf32> to vector<8xf32>
    %broadcast_in_dim3A_262 = vector.shape_cast %reduce_sum3A_261 : vector<8xf32> to vector<1x8xf32>
    %add3A_263 = arith.addf %add3A_253, %broadcast_in_dim3A_262 : vector<1x8xf32>
    %slice3A_264 = vector.extract_strided_slice %add3A_205 {offsets = [2560, 0], sizes = [512, 8], strides = [1, 1]} : vector<5120x8xf32> to vector<512x8xf32>
    %convert_element_type3A_265 = arith.truncf %slice3A_264 : vector<512x8xf32> to vector<512x8xbf16>
    %dot_general3A_266 = arith.constant dense<0.000000e+00> : vector<512x8xf32>
    %dot_general3A_267 = tpu.matmul %convert_element_type3A_211, %convert_element_type3A_265, %dot_general3A_266 {dimension_numbers = #tpu.dot_dimension_numbers<[1], [0], [0], [1], [0, 0, 1, 1], [], []>, transpose_lhs_hint = false} : vector<512x512xbf16>, vector<512x8xbf16>, vector<512x8xf32> -> vector<512x8xf32>
    %add3A_268 = vector.broadcast %add3A_263 : vector<1x8xf32> to vector<512x8xf32>
    %add3A_269 = arith.addf %dot_general3A_267, %add3A_268 : vector<512x8xf32>
    %reduce_sum3A_270 = arith.constant dense<0.000000e+00> : vector<8xf32>
    %reduce_sum3A_271 = vector.multi_reduction <add>, %slice3A_264, %reduce_sum3A_270 [0] : vector<512x8xf32> to vector<8xf32>
    %broadcast_in_dim3A_272 = vector.shape_cast %reduce_sum3A_271 : vector<8xf32> to vector<1x8xf32>
    %add3A_273 = arith.addf %add3A_263, %broadcast_in_dim3A_272 : vector<1x8xf32>
    %slice3A_274 = vector.extract_strided_slice %add3A_205 {offsets = [3072, 0], sizes = [512, 8], strides = [1, 1]} : vector<5120x8xf32> to vector<512x8xf32>
    %convert_element_type3A_275 = arith.truncf %slice3A_274 : vector<512x8xf32> to vector<512x8xbf16>
    %dot_general3A_276 = arith.constant dense<0.000000e+00> : vector<512x8xf32>
    %dot_general3A_277 = tpu.matmul %convert_element_type3A_211, %convert_element_type3A_275, %dot_general3A_276 {dimension_numbers = #tpu.dot_dimension_numbers<[1], [0], [0], [1], [0, 0, 1, 1], [], []>, transpose_lhs_hint = false} : vector<512x512xbf16>, vector<512x8xbf16>, vector<512x8xf32> -> vector<512x8xf32>
    %add3A_278 = vector.broadcast %add3A_273 : vector<1x8xf32> to vector<512x8xf32>
    %add3A_279 = arith.addf %dot_general3A_277, %add3A_278 : vector<512x8xf32>
    %reduce_sum3A_280 = arith.constant dense<0.000000e+00> : vector<8xf32>
    %reduce_sum3A_281 = vector.multi_reduction <add>, %slice3A_274, %reduce_sum3A_280 [0] : vector<512x8xf32> to vector<8xf32>
    %broadcast_in_dim3A_282 = vector.shape_cast %reduce_sum3A_281 : vector<8xf32> to vector<1x8xf32>
    %add3A_283 = arith.addf %add3A_273, %broadcast_in_dim3A_282 : vector<1x8xf32>
    %slice3A_284 = vector.extract_strided_slice %add3A_205 {offsets = [3584, 0], sizes = [512, 8], strides = [1, 1]} : vector<5120x8xf32> to vector<512x8xf32>
    %convert_element_type3A_285 = arith.truncf %slice3A_284 : vector<512x8xf32> to vector<512x8xbf16>
    %dot_general3A_286 = arith.constant dense<0.000000e+00> : vector<512x8xf32>
    %dot_general3A_287 = tpu.matmul %convert_element_type3A_211, %convert_element_type3A_285, %dot_general3A_286 {dimension_numbers = #tpu.dot_dimension_numbers<[1], [0], [0], [1], [0, 0, 1, 1], [], []>, transpose_lhs_hint = false} : vector<512x512xbf16>, vector<512x8xbf16>, vector<512x8xf32> -> vector<512x8xf32>
    %add3A_288 = vector.broadcast %add3A_283 : vector<1x8xf32> to vector<512x8xf32>
    %add3A_289 = arith.addf %dot_general3A_287, %add3A_288 : vector<512x8xf32>
    %reduce_sum3A_290 = arith.constant dense<0.000000e+00> : vector<8xf32>
    %reduce_sum3A_291 = vector.multi_reduction <add>, %slice3A_284, %reduce_sum3A_290 [0] : vector<512x8xf32> to vector<8xf32>
    %broadcast_in_dim3A_292 = vector.shape_cast %reduce_sum3A_291 : vector<8xf32> to vector<1x8xf32>
    %add3A_293 = arith.addf %add3A_283, %broadcast_in_dim3A_292 : vector<1x8xf32>
    %slice3A_294 = vector.extract_strided_slice %add3A_205 {offsets = [4096, 0], sizes = [512, 8], strides = [1, 1]} : vector<5120x8xf32> to vector<512x8xf32>
    %convert_element_type3A_295 = arith.truncf %slice3A_294 : vector<512x8xf32> to vector<512x8xbf16>
    %dot_general3A_296 = arith.constant dense<0.000000e+00> : vector<512x8xf32>
    %dot_general3A_297 = tpu.matmul %convert_element_type3A_211, %convert_element_type3A_295, %dot_general3A_296 {dimension_numbers = #tpu.dot_dimension_numbers<[1], [0], [0], [1], [0, 0, 1, 1], [], []>, transpose_lhs_hint = false} : vector<512x512xbf16>, vector<512x8xbf16>, vector<512x8xf32> -> vector<512x8xf32>
    %add3A_298 = vector.broadcast %add3A_293 : vector<1x8xf32> to vector<512x8xf32>
    %add3A_299 = arith.addf %dot_general3A_297, %add3A_298 : vector<512x8xf32>
    %reduce_sum3A_300 = arith.constant dense<0.000000e+00> : vector<8xf32>
    %reduce_sum3A_301 = vector.multi_reduction <add>, %slice3A_294, %reduce_sum3A_300 [0] : vector<512x8xf32> to vector<8xf32>
    %broadcast_in_dim3A_302 = vector.shape_cast %reduce_sum3A_301 : vector<8xf32> to vector<1x8xf32>
    %add3A_303 = arith.addf %add3A_293, %broadcast_in_dim3A_302 : vector<1x8xf32>
    %slice3A_304 = vector.extract_strided_slice %add3A_205 {offsets = [4608, 0], sizes = [512, 8], strides = [1, 1]} : vector<5120x8xf32> to vector<512x8xf32>
    %convert_element_type3A_305 = arith.truncf %slice3A_304 : vector<512x8xf32> to vector<512x8xbf16>
    %dot_general3A_306 = arith.constant dense<0.000000e+00> : vector<512x8xf32>
    %dot_general3A_307 = tpu.matmul %convert_element_type3A_211, %convert_element_type3A_305, %dot_general3A_306 {dimension_numbers = #tpu.dot_dimension_numbers<[1], [0], [0], [1], [0, 0, 1, 1], [], []>, transpose_lhs_hint = false} : vector<512x512xbf16>, vector<512x8xbf16>, vector<512x8xf32> -> vector<512x8xf32>
    %add3A_308 = vector.broadcast %add3A_303 : vector<1x8xf32> to vector<512x8xf32>
    %add3A_309 = arith.addf %dot_general3A_307, %add3A_308 : vector<512x8xf32>
    %reduce_sum3A_310 = arith.constant dense<0.000000e+00> : vector<8xf32>
    %reduce_sum3A_311 = vector.multi_reduction <add>, %slice3A_304, %reduce_sum3A_310 [0] : vector<512x8xf32> to vector<8xf32>
    %broadcast_in_dim3A_312 = vector.shape_cast %reduce_sum3A_311 : vector<8xf32> to vector<1x8xf32>
    %add3A_313 = arith.addf %add3A_303, %broadcast_in_dim3A_312 : vector<1x8xf32>
    %concatenate3A_314 = tpu.concatenate %add3A_219, %add3A_229, %add3A_239, %add3A_249, %add3A_259, %add3A_269, %add3A_279, %add3A_289, %add3A_299, %add3A_309 in 0 : vector<512x8xf32>, vector<512x8xf32>, vector<512x8xf32>, vector<512x8xf32>, vector<512x8xf32>, vector<512x8xf32>, vector<512x8xf32>, vector<512x8xf32>, vector<512x8xf32>, vector<512x8xf32> -> vector<5120x8xf32>
    %jit3A_315 = arith.constant 0.000000e+00 : f32
    %broadcast_in_dim3A_316 = vector.broadcast %jit3A_315 : f32 to vector<5120x8xf32>
    %select_n3A_317 = arith.select %eq3A_175, %concatenate3A_314, %broadcast_in_dim3A_316 : vector<5120x8xi1>, vector<5120x8xf32>
    %reduce_sum3A_318 = arith.constant dense<0.000000e+00> : vector<5120xf32>
    %reduce_sum3A_319 = vector.multi_reduction <add>, %select_n3A_317, %reduce_sum3A_318 [1] : vector<5120x8xf32> to vector<5120xf32>
    %broadcast_in_dim3A_320 = vector.shape_cast %reduce_sum3A_319 : vector<5120xf32> to vector<5120x1xf32>
    %jit3A_321 = arith.constant 0.000000e+00 : f32
    %broadcast_in_dim3A_322 = vector.broadcast %jit3A_321 : f32 to vector<5120x8xf32>
    %select_n3A_323 = arith.select %eq3A_191, %concatenate3A_314, %broadcast_in_dim3A_322 : vector<5120x8xi1>, vector<5120x8xf32>
    %reduce_sum3A_324 = arith.constant dense<0.000000e+00> : vector<5120xf32>
    %reduce_sum3A_325 = vector.multi_reduction <add>, %select_n3A_323, %reduce_sum3A_324 [1] : vector<5120x8xf32> to vector<5120xf32>
    %broadcast_in_dim3A_326 = vector.shape_cast %reduce_sum3A_325 : vector<5120xf32> to vector<5120x1xf32>
    %concatenate3A_327 = tpu.concatenate %add3A_141, %add3A_313 in 1 : vector<1x8xf32>, vector<1x8xf32> -> vector<1x16xf32>
    %convert_element_type3A_328 = arith.fptosi %concatenate3A_327 : vector<1x16xf32> to vector<1x16xi32>
    %add3A_329 = arith.constant 511 : i32
    %add3A_330 = vector.broadcast %add3A_329 : i32 to vector<1x16xi32>
    %add3A_331 = arith.addi %convert_element_type3A_328, %add3A_330 : vector<1x16xi32>
    %jit3A_332 = arith.constant 512 : i32
    %div3A_333 = vector.broadcast %jit3A_332 : i32 to vector<1x16xi32>
    %div3A_334 = arith.divsi %add3A_331, %div3A_333 : vector<1x16xi32>
    %sign3A = arith.constant 0 : i32
    %sign3A_335 = vector.broadcast %sign3A : i32 to vector<1x16xi32>
    %sign3A_336 = arith.cmpi sgt, %add3A_331, %sign3A_335 : vector<1x16xi32>
    %sign3A_337 = arith.extui %sign3A_336 : vector<1x16xi1> to vector<1x16xi32>
    %sign3A_338 = arith.constant 0 : i32
    %sign3A_339 = vector.broadcast %sign3A_338 : i32 to vector<1x16xi32>
    %sign3A_340 = arith.cmpi slt, %add3A_331, %sign3A_339 : vector<1x16xi32>
    %sign3A_341 = arith.extui %sign3A_340 : vector<1x16xi1> to vector<1x16xi32>
    %sign3A_342 = arith.subi %sign3A_337, %sign3A_341 : vector<1x16xi32>
    %sign3A_343 = arith.constant 0 : i32
    %sign3A_344 = arith.cmpi sgt, %jit3A_332, %sign3A_343 : i32
    %sign3A_345 = arith.extui %sign3A_344 : i1 to i32
    %sign3A_346 = arith.constant 0 : i32
    %sign3A_347 = arith.cmpi slt, %jit3A_332, %sign3A_346 : i32
    %sign3A_348 = arith.extui %sign3A_347 : i1 to i32
    %sign3A_349 = arith.subi %sign3A_345, %sign3A_348 : i32
    %ne3A = vector.broadcast %sign3A_349 : i32 to vector<1x16xi32>
    %ne3A_350 = arith.cmpi ne, %sign3A_342, %ne3A : vector<1x16xi32>
    %rem3A = vector.broadcast %jit3A_332 : i32 to vector<1x16xi32>
    %rem3A_351 = arith.remsi %add3A_331, %rem3A : vector<1x16xi32>
    %ne3A_352 = arith.constant 0 : i32
    %ne3A_353 = vector.broadcast %ne3A_352 : i32 to vector<1x16xi32>
    %ne3A_354 = arith.cmpi ne, %rem3A_351, %ne3A_353 : vector<1x16xi32>
    %and3A = arith.andi %ne3A_350, %ne3A_354 : vector<1x16xi1>
    %sub3A_355 = arith.constant 1 : i32
    %sub3A_356 = vector.broadcast %sub3A_355 : i32 to vector<1x16xi32>
    %sub3A_357 = arith.subi %div3A_334, %sub3A_356 : vector<1x16xi32>
    %select_n3A_358 = arith.select %and3A, %sub3A_357, %div3A_334 : vector<1x16xi1>, vector<1x16xi32>
    %mul3A_359 = arith.constant 512 : i32
    %mul3A_360 = vector.broadcast %mul3A_359 : i32 to vector<1x16xi32>
    %mul3A_361 = arith.muli %select_n3A_358, %mul3A_360 : vector<1x16xi32>
    %broadcast_in_dim3A_362 = arith.constant 0 : i32
    %broadcast_in_dim3A_363 = vector.broadcast %broadcast_in_dim3A_362 : i32 to vector<1x1xi32>
    %slice3A_364 = vector.extract_strided_slice %mul3A_361 {offsets = [0, 0], sizes = [1, 15], strides = [1, 1]} : vector<1x16xi32> to vector<1x15xi32>
    %concatenate3A_365 = tpu.concatenate %broadcast_in_dim3A_363, %slice3A_364 in 1 : vector<1x1xi32>, vector<1x15xi32> -> vector<1x16xi32>
    %add3A_366 = arith.addi %mul3A_361, %concatenate3A_365 : vector<1x16xi32>
    %broadcast_in_dim3A_367 = arith.constant 0 : i32
    %broadcast_in_dim3A_368 = vector.broadcast %broadcast_in_dim3A_367 : i32 to vector<1x2xi32>
    %slice3A_369 = vector.extract_strided_slice %add3A_366 {offsets = [0, 0], sizes = [1, 14], strides = [1, 1]} : vector<1x16xi32> to vector<1x14xi32>
    %concatenate3A_370 = tpu.concatenate %broadcast_in_dim3A_368, %slice3A_369 in 1 : vector<1x2xi32>, vector<1x14xi32> -> vector<1x16xi32>
    %add3A_371 = arith.addi %add3A_366, %concatenate3A_370 : vector<1x16xi32>
    %broadcast_in_dim3A_372 = arith.constant 0 : i32
    %broadcast_in_dim3A_373 = vector.broadcast %broadcast_in_dim3A_372 : i32 to vector<1x4xi32>
    %slice3A_374 = vector.extract_strided_slice %add3A_371 {offsets = [0, 0], sizes = [1, 12], strides = [1, 1]} : vector<1x16xi32> to vector<1x12xi32>
    %concatenate3A_375 = tpu.concatenate %broadcast_in_dim3A_373, %slice3A_374 in 1 : vector<1x4xi32>, vector<1x12xi32> -> vector<1x16xi32>
    %add3A_376 = arith.addi %add3A_371, %concatenate3A_375 : vector<1x16xi32>
    %broadcast_in_dim3A_377 = arith.constant 0 : i32
    %broadcast_in_dim3A_378 = vector.broadcast %broadcast_in_dim3A_377 : i32 to vector<1x8xi32>
    %slice3A_379 = vector.extract_strided_slice %add3A_376 {offsets = [0, 0], sizes = [1, 8], strides = [1, 1]} : vector<1x16xi32> to vector<1x8xi32>
    %concatenate3A_380 = tpu.concatenate %broadcast_in_dim3A_378, %slice3A_379 in 1 : vector<1x8xi32>, vector<1x8xi32> -> vector<1x16xi32>
    %add3A_381 = arith.addi %add3A_376, %concatenate3A_380 : vector<1x16xi32>
    %sub3A_382 = arith.subi %add3A_381, %mul3A_361 : vector<1x16xi32>
    %slice3A_383 = vector.extract_strided_slice %sub3A_382 {offsets = [0, 0], sizes = [1, 8], strides = [1, 1]} : vector<1x16xi32> to vector<1x8xi32>
    %slice3A_384 = vector.extract_strided_slice %sub3A_382 {offsets = [0, 8], sizes = [1, 8], strides = [1, 1]} : vector<1x16xi32> to vector<1x8xi32>
    %convert_element_type3A_385 = arith.sitofp %slice3A_383 : vector<1x8xi32> to vector<1x8xf32>
    %broadcast_in_dim3A_386 = vector.shape_cast %convert_element_type3A_385 : vector<1x8xf32> to vector<1x8xf32>
    %broadcast_in_dim3A_387 = vector.broadcast %broadcast_in_dim3A_386 : vector<1x8xf32> to vector<5120x8xf32>
    %jit3A_388 = arith.constant 0.000000e+00 : f32
    %broadcast_in_dim3A_389 = vector.broadcast %jit3A_388 : f32 to vector<5120x8xf32>
    %select_n3A_390 = arith.select %eq3A_12, %broadcast_in_dim3A_387, %broadcast_in_dim3A_389 : vector<5120x8xi1>, vector<5120x8xf32>
    %reduce_sum3A_391 = arith.constant dense<0.000000e+00> : vector<5120xf32>
    %reduce_sum3A_392 = vector.multi_reduction <add>, %select_n3A_390, %reduce_sum3A_391 [1] : vector<5120x8xf32> to vector<5120xf32>
    %broadcast_in_dim3A_393 = vector.shape_cast %reduce_sum3A_392 : vector<5120xf32> to vector<5120x1xf32>
    %add3A_394 = arith.addf %broadcast_in_dim3A_393, %broadcast_in_dim3A_147 : vector<5120x1xf32>
    %convert_element_type3A_395 = arith.fptosi %add3A_394 : vector<5120x1xf32> to vector<5120x1xi32>
    %swap3A = arith.constant 0 : index
    %swap3A_396 = arith.constant 0 : index
    %swap3A_397 = vector.load %arg4[%swap3A, %swap3A_396] : memref<20480x1xi32, #tpu.memory_space<vmem>>, vector<5120x1xi32>
    tpu.vector_store %arg4[%swap3A, %swap3A_396], %convert_element_type3A_395 {strides = array<i32>} : memref<20480x1xi32, #tpu.memory_space<vmem>>, vector<5120x1xi32>,
    %convert_element_type3A_398 = arith.sitofp %slice3A_383 : vector<1x8xi32> to vector<1x8xf32>
    %broadcast_in_dim3A_399 = vector.shape_cast %convert_element_type3A_398 : vector<1x8xf32> to vector<1x8xf32>
    %broadcast_in_dim3A_400 = vector.broadcast %broadcast_in_dim3A_399 : vector<1x8xf32> to vector<5120x8xf32>
    %jit3A_401 = arith.constant 0.000000e+00 : f32
    %broadcast_in_dim3A_402 = vector.broadcast %jit3A_401 : f32 to vector<5120x8xf32>
    %select_n3A_403 = arith.select %eq3A_28, %broadcast_in_dim3A_400, %broadcast_in_dim3A_402 : vector<5120x8xi1>, vector<5120x8xf32>
    %reduce_sum3A_404 = arith.constant dense<0.000000e+00> : vector<5120xf32>
    %reduce_sum3A_405 = vector.multi_reduction <add>, %select_n3A_403, %reduce_sum3A_404 [1] : vector<5120x8xf32> to vector<5120xf32>
    %broadcast_in_dim3A_406 = vector.shape_cast %reduce_sum3A_405 : vector<5120xf32> to vector<5120x1xf32>
    %add3A_407 = arith.addf %broadcast_in_dim3A_406, %broadcast_in_dim3A_153 : vector<5120x1xf32>
    %convert_element_type3A_408 = arith.fptosi %add3A_407 : vector<5120x1xf32> to vector<5120x1xi32>
    %swap3A_409 = arith.constant 5120 : index
    %swap3A_410 = arith.constant 0 : index
    %swap3A_411 = vector.load %arg4[%swap3A_409, %swap3A_410] : memref<20480x1xi32, #tpu.memory_space<vmem>>, vector<5120x1xi32>
    tpu.vector_store %arg4[%swap3A_409, %swap3A_410], %convert_element_type3A_408 {strides = array<i32>} : memref<20480x1xi32, #tpu.memory_space<vmem>>, vector<5120x1xi32>,
    %convert_element_type3A_412 = arith.sitofp %slice3A_384 : vector<1x8xi32> to vector<1x8xf32>
    %broadcast_in_dim3A_413 = vector.shape_cast %convert_element_type3A_412 : vector<1x8xf32> to vector<1x8xf32>
    %broadcast_in_dim3A_414 = vector.broadcast %broadcast_in_dim3A_413 : vector<1x8xf32> to vector<5120x8xf32>
    %jit3A_415 = arith.constant 0.000000e+00 : f32
    %broadcast_in_dim3A_416 = vector.broadcast %jit3A_415 : f32 to vector<5120x8xf32>
    %select_n3A_417 = arith.select %eq3A_175, %broadcast_in_dim3A_414, %broadcast_in_dim3A_416 : vector<5120x8xi1>, vector<5120x8xf32>
    %reduce_sum3A_418 = arith.constant dense<0.000000e+00> : vector<5120xf32>
    %reduce_sum3A_419 = vector.multi_reduction <add>, %select_n3A_417, %reduce_sum3A_418 [1] : vector<5120x8xf32> to vector<5120xf32>
    %broadcast_in_dim3A_420 = vector.shape_cast %reduce_sum3A_419 : vector<5120xf32> to vector<5120x1xf32>
    %add3A_421 = arith.addf %broadcast_in_dim3A_420, %broadcast_in_dim3A_320 : vector<5120x1xf32>
    %convert_element_type3A_422 = arith.fptosi %add3A_421 : vector<5120x1xf32> to vector<5120x1xi32>
    %swap3A_423 = arith.constant 10240 : index
    %swap3A_424 = arith.constant 0 : index
    %swap3A_425 = vector.load %arg4[%swap3A_423, %swap3A_424] : memref<20480x1xi32, #tpu.memory_space<vmem>>, vector<5120x1xi32>
    tpu.vector_store %arg4[%swap3A_423, %swap3A_424], %convert_element_type3A_422 {strides = array<i32>} : memref<20480x1xi32, #tpu.memory_space<vmem>>, vector<5120x1xi32>,
    %convert_element_type3A_426 = arith.sitofp %slice3A_384 : vector<1x8xi32> to vector<1x8xf32>
    %broadcast_in_dim3A_427 = vector.shape_cast %convert_element_type3A_426 : vector<1x8xf32> to vector<1x8xf32>
    %broadcast_in_dim3A_428 = vector.broadcast %broadcast_in_dim3A_427 : vector<1x8xf32> to vector<5120x8xf32>
    %jit3A_429 = arith.constant 0.000000e+00 : f32
    %broadcast_in_dim3A_430 = vector.broadcast %jit3A_429 : f32 to vector<5120x8xf32>
    %select_n3A_431 = arith.select %eq3A_191, %broadcast_in_dim3A_428, %broadcast_in_dim3A_430 : vector<5120x8xi1>, vector<5120x8xf32>
    %reduce_sum3A_432 = arith.constant dense<0.000000e+00> : vector<5120xf32>
    %reduce_sum3A_433 = vector.multi_reduction <add>, %select_n3A_431, %reduce_sum3A_432 [1] : vector<5120x8xf32> to vector<5120xf32>
    %broadcast_in_dim3A_434 = vector.shape_cast %reduce_sum3A_433 : vector<5120xf32> to vector<5120x1xf32>
    %add3A_435 = arith.addf %broadcast_in_dim3A_434, %broadcast_in_dim3A_326 : vector<5120x1xf32>
    %convert_element_type3A_436 = arith.fptosi %add3A_435 : vector<5120x1xf32> to vector<5120x1xi32>
    %swap3A_437 = arith.constant 15360 : index
    %swap3A_438 = arith.constant 0 : index
    %swap3A_439 = vector.load %arg4[%swap3A_437, %swap3A_438] : memref<20480x1xi32, #tpu.memory_space<vmem>>, vector<5120x1xi32>
    tpu.vector_store %arg4[%swap3A_437, %swap3A_438], %convert_element_type3A_436 {strides = array<i32>} : memref<20480x1xi32, #tpu.memory_space<vmem>>, vector<5120x1xi32>,
    %swap3A_440 = arith.constant 0 : index
    %swap3A_441 = arith.constant 0 : index
    %swap3A_442 = vector.load %arg5[%swap3A_440, %swap3A_441] : memref<20480x1xf32, #tpu.memory_space<vmem>>, vector<5120x1xf32>
    tpu.vector_store %arg5[%swap3A_440, %swap3A_441], %div3A_32 {strides = array<i32>} : memref<20480x1xf32, #tpu.memory_space<vmem>>, vector<5120x1xf32>,
    %swap3A_443 = arith.constant 5120 : index
    %swap3A_444 = arith.constant 0 : index
    %swap3A_445 = vector.load %arg5[%swap3A_443, %swap3A_444] : memref<20480x1xf32, #tpu.memory_space<vmem>>, vector<5120x1xf32>
    tpu.vector_store %arg5[%swap3A_443, %swap3A_444], %mul3A {strides = array<i32>} : memref<20480x1xf32, #tpu.memory_space<vmem>>, vector<5120x1xf32>,
    %swap3A_446 = arith.constant 10240 : index
    %swap3A_447 = arith.constant 0 : index
    %swap3A_448 = vector.load %arg5[%swap3A_446, %swap3A_447] : memref<20480x1xf32, #tpu.memory_space<vmem>>, vector<5120x1xf32>
    tpu.vector_store %arg5[%swap3A_446, %swap3A_447], %div3A_199 {strides = array<i32>} : memref<20480x1xf32, #tpu.memory_space<vmem>>, vector<5120x1xf32>,
    %swap3A_449 = arith.constant 15360 : index
    %swap3A_450 = arith.constant 0 : index
    %swap3A_451 = vector.load %arg5[%swap3A_449, %swap3A_450] : memref<20480x1xf32, #tpu.memory_space<vmem>>, vector<5120x1xf32>
    tpu.vector_store %arg5[%swap3A_449, %swap3A_450], %mul3A_200 {strides = array<i32>} : memref<20480x1xf32, #tpu.memory_space<vmem>>, vector<5120x1xf32>,
    %jit3A_452 = arith.constant 512 : i32
    %div3A_453 = vector.broadcast %jit3A_452 : i32 to vector<1x16xi32>
    %div3A_454 = arith.divsi %sub3A_382, %div3A_453 : vector<1x16xi32>
    %sign3A_455 = arith.constant 0 : i32
    %sign3A_456 = vector.broadcast %sign3A_455 : i32 to vector<1x16xi32>
    %sign3A_457 = arith.cmpi sgt, %sub3A_382, %sign3A_456 : vector<1x16xi32>
    %sign3A_458 = arith.extui %sign3A_457 : vector<1x16xi1> to vector<1x16xi32>
    %sign3A_459 = arith.constant 0 : i32
    %sign3A_460 = vector.broadcast %sign3A_459 : i32 to vector<1x16xi32>
    %sign3A_461 = arith.cmpi slt, %sub3A_382, %sign3A_460 : vector<1x16xi32>
    %sign3A_462 = arith.extui %sign3A_461 : vector<1x16xi1> to vector<1x16xi32>
    %sign3A_463 = arith.subi %sign3A_458, %sign3A_462 : vector<1x16xi32>
    %sign3A_464 = arith.constant 0 : i32
    %sign3A_465 = arith.cmpi sgt, %jit3A_452, %sign3A_464 : i32
    %sign3A_466 = arith.extui %sign3A_465 : i1 to i32
    %sign3A_467 = arith.constant 0 : i32
    %sign3A_468 = arith.cmpi slt, %jit3A_452, %sign3A_467 : i32
    %sign3A_469 = arith.extui %sign3A_468 : i1 to i32
    %sign3A_470 = arith.subi %sign3A_466, %sign3A_469 : i32
    %ne3A_471 = vector.broadcast %sign3A_470 : i32 to vector<1x16xi32>
    %ne3A_472 = arith.cmpi ne, %sign3A_463, %ne3A_471 : vector<1x16xi32>
    %rem3A_473 = vector.broadcast %jit3A_452 : i32 to vector<1x16xi32>
    %rem3A_474 = arith.remsi %sub3A_382, %rem3A_473 : vector<1x16xi32>
    %ne3A_475 = arith.constant 0 : i32
    %ne3A_476 = vector.broadcast %ne3A_475 : i32 to vector<1x16xi32>
    %ne3A_477 = arith.cmpi ne, %rem3A_474, %ne3A_476 : vector<1x16xi32>
    %and3A_478 = arith.andi %ne3A_472, %ne3A_477 : vector<1x16xi1>
    %sub3A_479 = arith.constant 1 : i32
    %sub3A_480 = vector.broadcast %sub3A_479 : i32 to vector<1x16xi32>
    %sub3A_481 = arith.subi %div3A_454, %sub3A_480 : vector<1x16xi32>
    %select_n3A_482 = arith.select %and3A_478, %sub3A_481, %div3A_454 : vector<1x16xi1>, vector<1x16xi32>
    %iota3A_483 = tpu.iota {dimensions = array<i32: 1>} : vector<1x56xi32>
    %broadcast_in_dim3A_484 = arith.constant -1 : i32
    %broadcast_in_dim3A_485 = vector.broadcast %broadcast_in_dim3A_484 : i32 to vector<1x56xi32>
    %slice3A_486 = vector.extract_strided_slice %select_n3A_482 {offsets = [0, 0], sizes = [1, 1], strides = [1, 1]} : vector<1x16xi32> to vector<1x1xi32>
    %ge3A = vector.broadcast %slice3A_486 : vector<1x1xi32> to vector<1x56xi32>
    %ge3A_487 = arith.cmpi sge, %iota3A_483, %ge3A : vector<1x56xi32>
    %convert_element_type3A_488 = arith.extui %ge3A_487 : vector<1x56xi1> to vector<1x56xi32>
    %add3A_489 = arith.addi %broadcast_in_dim3A_485, %convert_element_type3A_488 : vector<1x56xi32>
    %slice3A_490 = vector.extract_strided_slice %select_n3A_482 {offsets = [0, 1], sizes = [1, 1], strides = [1, 1]} : vector<1x16xi32> to vector<1x1xi32>
    %ge3A_491 = vector.broadcast %slice3A_490 : vector<1x1xi32> to vector<1x56xi32>
    %ge3A_492 = arith.cmpi sge, %iota3A_483, %ge3A_491 : vector<1x56xi32>
    %convert_element_type3A_493 = arith.extui %ge3A_492 : vector<1x56xi1> to vector<1x56xi32>
    %add3A_494 = arith.addi %add3A_489, %convert_element_type3A_493 : vector<1x56xi32>
    %slice3A_495 = vector.extract_strided_slice %select_n3A_482 {offsets = [0, 2], sizes = [1, 1], strides = [1, 1]} : vector<1x16xi32> to vector<1x1xi32>
    %ge3A_496 = vector.broadcast %slice3A_495 : vector<1x1xi32> to vector<1x56xi32>
    %ge3A_497 = arith.cmpi sge, %iota3A_483, %ge3A_496 : vector<1x56xi32>
    %convert_element_type3A_498 = arith.extui %ge3A_497 : vector<1x56xi1> to vector<1x56xi32>
    %add3A_499 = arith.addi %add3A_494, %convert_element_type3A_498 : vector<1x56xi32>
    %slice3A_500 = vector.extract_strided_slice %select_n3A_482 {offsets = [0, 3], sizes = [1, 1], strides = [1, 1]} : vector<1x16xi32> to vector<1x1xi32>
    %ge3A_501 = vector.broadcast %slice3A_500 : vector<1x1xi32> to vector<1x56xi32>
    %ge3A_502 = arith.cmpi sge, %iota3A_483, %ge3A_501 : vector<1x56xi32>
    %convert_element_type3A_503 = arith.extui %ge3A_502 : vector<1x56xi1> to vector<1x56xi32>
    %add3A_504 = arith.addi %add3A_499, %convert_element_type3A_503 : vector<1x56xi32>
    %slice3A_505 = vector.extract_strided_slice %select_n3A_482 {offsets = [0, 4], sizes = [1, 1], strides = [1, 1]} : vector<1x16xi32> to vector<1x1xi32>
    %ge3A_506 = vector.broadcast %slice3A_505 : vector<1x1xi32> to vector<1x56xi32>
    %ge3A_507 = arith.cmpi sge, %iota3A_483, %ge3A_506 : vector<1x56xi32>
    %convert_element_type3A_508 = arith.extui %ge3A_507 : vector<1x56xi1> to vector<1x56xi32>
    %add3A_509 = arith.addi %add3A_504, %convert_element_type3A_508 : vector<1x56xi32>
    %slice3A_510 = vector.extract_strided_slice %select_n3A_482 {offsets = [0, 5], sizes = [1, 1], strides = [1, 1]} : vector<1x16xi32> to vector<1x1xi32>
    %ge3A_511 = vector.broadcast %slice3A_510 : vector<1x1xi32> to vector<1x56xi32>
    %ge3A_512 = arith.cmpi sge, %iota3A_483, %ge3A_511 : vector<1x56xi32>
    %convert_element_type3A_513 = arith.extui %ge3A_512 : vector<1x56xi1> to vector<1x56xi32>
    %add3A_514 = arith.addi %add3A_509, %convert_element_type3A_513 : vector<1x56xi32>
    %slice3A_515 = vector.extract_strided_slice %select_n3A_482 {offsets = [0, 6], sizes = [1, 1], strides = [1, 1]} : vector<1x16xi32> to vector<1x1xi32>
    %ge3A_516 = vector.broadcast %slice3A_515 : vector<1x1xi32> to vector<1x56xi32>
    %ge3A_517 = arith.cmpi sge, %iota3A_483, %ge3A_516 : vector<1x56xi32>
    %convert_element_type3A_518 = arith.extui %ge3A_517 : vector<1x56xi1> to vector<1x56xi32>
    %add3A_519 = arith.addi %add3A_514, %convert_element_type3A_518 : vector<1x56xi32>
    %slice3A_520 = vector.extract_strided_slice %select_n3A_482 {offsets = [0, 7], sizes = [1, 1], strides = [1, 1]} : vector<1x16xi32> to vector<1x1xi32>
    %ge3A_521 = vector.broadcast %slice3A_520 : vector<1x1xi32> to vector<1x56xi32>
    %ge3A_522 = arith.cmpi sge, %iota3A_483, %ge3A_521 : vector<1x56xi32>
    %convert_element_type3A_523 = arith.extui %ge3A_522 : vector<1x56xi1> to vector<1x56xi32>
    %add3A_524 = arith.addi %add3A_519, %convert_element_type3A_523 : vector<1x56xi32>
    %slice3A_525 = vector.extract_strided_slice %select_n3A_482 {offsets = [0, 8], sizes = [1, 1], strides = [1, 1]} : vector<1x16xi32> to vector<1x1xi32>
    %ge3A_526 = vector.broadcast %slice3A_525 : vector<1x1xi32> to vector<1x56xi32>
    %ge3A_527 = arith.cmpi sge, %iota3A_483, %ge3A_526 : vector<1x56xi32>
    %convert_element_type3A_528 = arith.extui %ge3A_527 : vector<1x56xi1> to vector<1x56xi32>
    %add3A_529 = arith.addi %add3A_524, %convert_element_type3A_528 : vector<1x56xi32>
    %slice3A_530 = vector.extract_strided_slice %select_n3A_482 {offsets = [0, 9], sizes = [1, 1], strides = [1, 1]} : vector<1x16xi32> to vector<1x1xi32>
    %ge3A_531 = vector.broadcast %slice3A_530 : vector<1x1xi32> to vector<1x56xi32>
    %ge3A_532 = arith.cmpi sge, %iota3A_483, %ge3A_531 : vector<1x56xi32>
    %convert_element_type3A_533 = arith.extui %ge3A_532 : vector<1x56xi1> to vector<1x56xi32>
    %add3A_534 = arith.addi %add3A_529, %convert_element_type3A_533 : vector<1x56xi32>
    %slice3A_535 = vector.extract_strided_slice %select_n3A_482 {offsets = [0, 10], sizes = [1, 1], strides = [1, 1]} : vector<1x16xi32> to vector<1x1xi32>
    %ge3A_536 = vector.broadcast %slice3A_535 : vector<1x1xi32> to vector<1x56xi32>
    %ge3A_537 = arith.cmpi sge, %iota3A_483, %ge3A_536 : vector<1x56xi32>
    %convert_element_type3A_538 = arith.extui %ge3A_537 : vector<1x56xi1> to vector<1x56xi32>
    %add3A_539 = arith.addi %add3A_534, %convert_element_type3A_538 : vector<1x56xi32>
    %slice3A_540 = vector.extract_strided_slice %select_n3A_482 {offsets = [0, 11], sizes = [1, 1], strides = [1, 1]} : vector<1x16xi32> to vector<1x1xi32>
    %ge3A_541 = vector.broadcast %slice3A_540 : vector<1x1xi32> to vector<1x56xi32>
    %ge3A_542 = arith.cmpi sge, %iota3A_483, %ge3A_541 : vector<1x56xi32>
    %convert_element_type3A_543 = arith.extui %ge3A_542 : vector<1x56xi1> to vector<1x56xi32>
    %add3A_544 = arith.addi %add3A_539, %convert_element_type3A_543 : vector<1x56xi32>
    %slice3A_545 = vector.extract_strided_slice %select_n3A_482 {offsets = [0, 12], sizes = [1, 1], strides = [1, 1]} : vector<1x16xi32> to vector<1x1xi32>
    %ge3A_546 = vector.broadcast %slice3A_545 : vector<1x1xi32> to vector<1x56xi32>
    %ge3A_547 = arith.cmpi sge, %iota3A_483, %ge3A_546 : vector<1x56xi32>
    %convert_element_type3A_548 = arith.extui %ge3A_547 : vector<1x56xi1> to vector<1x56xi32>
    %add3A_549 = arith.addi %add3A_544, %convert_element_type3A_548 : vector<1x56xi32>
    %slice3A_550 = vector.extract_strided_slice %select_n3A_482 {offsets = [0, 13], sizes = [1, 1], strides = [1, 1]} : vector<1x16xi32> to vector<1x1xi32>
    %ge3A_551 = vector.broadcast %slice3A_550 : vector<1x1xi32> to vector<1x56xi32>
    %ge3A_552 = arith.cmpi sge, %iota3A_483, %ge3A_551 : vector<1x56xi32>
    %convert_element_type3A_553 = arith.extui %ge3A_552 : vector<1x56xi1> to vector<1x56xi32>
    %add3A_554 = arith.addi %add3A_549, %convert_element_type3A_553 : vector<1x56xi32>
    %slice3A_555 = vector.extract_strided_slice %select_n3A_482 {offsets = [0, 14], sizes = [1, 1], strides = [1, 1]} : vector<1x16xi32> to vector<1x1xi32>
    %ge3A_556 = vector.broadcast %slice3A_555 : vector<1x1xi32> to vector<1x56xi32>
    %ge3A_557 = arith.cmpi sge, %iota3A_483, %ge3A_556 : vector<1x56xi32>
    %convert_element_type3A_558 = arith.extui %ge3A_557 : vector<1x56xi1> to vector<1x56xi32>
    %add3A_559 = arith.addi %add3A_554, %convert_element_type3A_558 : vector<1x56xi32>
    %slice3A_560 = vector.extract_strided_slice %select_n3A_482 {offsets = [0, 15], sizes = [1, 1], strides = [1, 1]} : vector<1x16xi32> to vector<1x1xi32>
    %ge3A_561 = vector.broadcast %slice3A_560 : vector<1x1xi32> to vector<1x56xi32>
    %ge3A_562 = arith.cmpi sge, %iota3A_483, %ge3A_561 : vector<1x56xi32>
    %convert_element_type3A_563 = arith.extui %ge3A_562 : vector<1x56xi1> to vector<1x56xi32>
    %add3A_564 = arith.addi %add3A_559, %convert_element_type3A_563 : vector<1x56xi32>
    %swap3A_565 = arith.constant 0 : index
    %swap3A_566 = arith.constant 0 : index
    %swap3A_567 = vector.load %arg6[%swap3A_565, %swap3A_566] : memref<1x56xi32, #tpu.memory_space<vmem>>, vector<1x56xi32>
    tpu.vector_store %arg6[%swap3A_565, %swap3A_566], %add3A_564 {strides = array<i32>} : memref<1x56xi32, #tpu.memory_space<vmem>>, vector<1x56xi32>,
    return
  }
}

module attributes {stable_mosaic.version = 14 : i64} {
  func.func @_ffn_body(%arg0: i32, %arg1: memref<1x56xi32, #tpu.memory_space<smem>>, %arg2: memref<512x256xf32, #tpu.memory_space<vmem>>, %arg3: memref<16x256x512xbf16, #tpu.memory_space<vmem>>, %arg4: memref<16x512x256xbf16, #tpu.memory_space<vmem>>, %arg5: memref<512x256xf32, #tpu.memory_space<vmem>>) attributes {dimension_semantics = [#tpu.dimension_semantics<arbitrary>], iteration_bounds = array<i64: 56>, scalar_prefetch = 1 : i64, scratch_operands = 0 : i64, tpu.core_type = #tpu.core_type<tc>, window_params = [{transform_indices = @transform_0, window_bounds = array<i64: 512, 256>}, {pipeline_mode = #tpu.pipeline_mode<synchronous>, transform_indices = @transform_1, window_bounds = array<i64: 16, 256, 512>}, {pipeline_mode = #tpu.pipeline_mode<synchronous>, transform_indices = @transform_2, window_bounds = array<i64: 16, 512, 256>}, {transform_indices = @transform_3, window_bounds = array<i64: 512, 256>}]} {
    %get3A = arith.constant 0 : index
    %get3A_0 = arith.index_cast %arg0 : i32 to index
    %get3A_1 = memref.load %arg1[%get3A, %get3A_0] : memref<1x56xi32, #tpu.memory_space<smem>>
    %get3A_2 = arith.constant 0 : index
    %get3A_3 = arith.constant 0 : index
    %get3A_4 = vector.load %arg2[%get3A_2, %get3A_3] : memref<512x256xf32, #tpu.memory_space<vmem>>, vector<512x256xf32>
    %convert_element_type3A = arith.truncf %get3A_4 : vector<512x256xf32> to vector<512x256xbf16>
    %get3A_5 = arith.index_cast %get3A_1 : i32 to index
    %get3A_6 = arith.constant 0 : index
    %get3A_7 = arith.constant 0 : index
    %get3A_8 = vector.load %arg3[%get3A_5, %get3A_6, %get3A_7] : memref<16x256x512xbf16, #tpu.memory_space<vmem>>, vector<1x256x512xbf16>
    %get3A_9 = vector.shape_cast %get3A_8 : vector<1x256x512xbf16> to vector<256x512xbf16>
    %dot_general3A = arith.constant dense<0.000000e+00> : vector<512x512xf32>
    %dot_general3A_10 = tpu.matmul %convert_element_type3A, %get3A_9, %dot_general3A {dimension_numbers = #tpu.dot_dimension_numbers<[1], [0], [0], [1], [0, 0, 1, 1], [], []>, transpose_lhs_hint = false} : vector<512x256xbf16>, vector<256x512xbf16>, vector<512x512xf32> -> vector<512x512xf32>
    %convert_element_type3A_11 = arith.truncf %dot_general3A_10 : vector<512x512xf32> to vector<512x512xbf16>
    %integer_pow3A = arith.mulf %convert_element_type3A_11, %convert_element_type3A_11 : vector<512x512xbf16>
    %integer_pow3A_12 = arith.mulf %convert_element_type3A_11, %integer_pow3A : vector<512x512xbf16>
    %mul3A = arith.constant 4.467770e-02 : bf16
    %mul3A_13 = vector.broadcast %mul3A : bf16 to vector<512x512xbf16>
    %mul3A_14 = arith.mulf %mul3A_13, %integer_pow3A_12 : vector<512x512xbf16>
    %add3A = arith.addf %convert_element_type3A_11, %mul3A_14 : vector<512x512xbf16>
    %mul3A_15 = arith.constant 7.968750e-01 : bf16
    %mul3A_16 = vector.broadcast %mul3A_15 : bf16 to vector<512x512xbf16>
    %mul3A_17 = arith.mulf %mul3A_16, %add3A : vector<512x512xbf16>
    %tanh3A = math.tanh %mul3A_17 : vector<512x512xbf16>
    %add3A_18 = arith.constant 1.000000e+00 : bf16
    %add3A_19 = vector.broadcast %add3A_18 : bf16 to vector<512x512xbf16>
    %add3A_20 = arith.addf %add3A_19, %tanh3A : vector<512x512xbf16>
    %mul3A_21 = arith.constant 5.000000e-01 : bf16
    %mul3A_22 = vector.broadcast %mul3A_21 : bf16 to vector<512x512xbf16>
    %mul3A_23 = arith.mulf %mul3A_22, %add3A_20 : vector<512x512xbf16>
    %mul3A_24 = arith.mulf %convert_element_type3A_11, %mul3A_23 : vector<512x512xbf16>
    %get3A_25 = arith.index_cast %get3A_1 : i32 to index
    %get3A_26 = arith.constant 0 : index
    %get3A_27 = arith.constant 0 : index
    %get3A_28 = vector.load %arg4[%get3A_25, %get3A_26, %get3A_27] : memref<16x512x256xbf16, #tpu.memory_space<vmem>>, vector<1x512x256xbf16>
    %get3A_29 = vector.shape_cast %get3A_28 : vector<1x512x256xbf16> to vector<512x256xbf16>
    %dot_general3A_30 = arith.constant dense<0.000000e+00> : vector<512x256xf32>
    %dot_general3A_31 = tpu.matmul %mul3A_24, %get3A_29, %dot_general3A_30 {dimension_numbers = #tpu.dot_dimension_numbers<[1], [0], [0], [1], [0, 0, 1, 1], [], []>, transpose_lhs_hint = false} : vector<512x512xbf16>, vector<512x256xbf16>, vector<512x256xf32> -> vector<512x256xf32>
    %swap3A = arith.constant 0 : index
    %swap3A_32 = arith.constant 0 : index
    %swap3A_33 = vector.load %arg5[%swap3A, %swap3A_32] : memref<512x256xf32, #tpu.memory_space<vmem>>, vector<512x256xf32>
    tpu.vector_store %arg5[%swap3A, %swap3A_32], %dot_general3A_31 {strides = array<i32>} : memref<512x256xf32, #tpu.memory_space<vmem>>, vector<512x256xf32>,
    return
  }
  func.func @transform_0(%arg0: i32, %arg1: memref<1x56xi32, #tpu.memory_space<smem>>) -> (i32, i32) {
    %c0_i32 = arith.constant 0 : i32
    %c0_i32_0 = arith.constant 0 : i32
    return %arg0, %c0_i32 : i32, i32
  }
  func.func @transform_1(%arg0: i32, %arg1: memref<1x56xi32, #tpu.memory_space<smem>>) -> (i32, i32, i32) {
    %c0_i32 = arith.constant 0 : i32
    %c0_i32_0 = arith.constant 0 : i32
    %c0_i32_1 = arith.constant 0 : i32
    %c0_i32_2 = arith.constant 0 : i32
    return %c0_i32, %c0_i32_0, %c0_i32_1 : i32, i32, i32
  }
  func.func @transform_2(%arg0: i32, %arg1: memref<1x56xi32, #tpu.memory_space<smem>>) -> (i32, i32, i32) {
    %c0_i32 = arith.constant 0 : i32
    %c0_i32_0 = arith.constant 0 : i32
    %c0_i32_1 = arith.constant 0 : i32
    %c0_i32_2 = arith.constant 0 : i32
    return %c0_i32, %c0_i32_0, %c0_i32_1 : i32, i32, i32
  }
  func.func @transform_3(%arg0: i32, %arg1: memref<1x56xi32, #tpu.memory_space<smem>>) -> (i32, i32) {
    %c0_i32 = arith.constant 0 : i32
    %c0_i32_0 = arith.constant 0 : i32
    return %arg0, %c0_i32 : i32, i32
  }
}

module attributes {stable_mosaic.version = 14 : i64} {
  func.func @_loss_body(%arg0: i32, %arg1: memref<256x256xf32, #tpu.memory_space<vmem>>, %arg2: memref<256x5x256xf32, #tpu.memory_space<vmem>>, %arg3: memref<1x1280x256xf32, #tpu.memory_space<vmem>>, %arg4: memref<1x1280x256xf32, #tpu.memory_space<vmem>>, %arg5: memref<1x1280x256xf32, #tpu.memory_space<vmem>>, %arg6: memref<1x1280x256xf32, #tpu.memory_space<vmem>>, %arg7: memref<1x1280x1xf32, #tpu.memory_space<vmem>>, %arg8: memref<1x1280x1xf32, #tpu.memory_space<vmem>>, %arg9: memref<1x1280x1xf32, #tpu.memory_space<vmem>>, %arg10: memref<1x1280x1xf32, #tpu.memory_space<vmem>>, %arg11: memref<1x1xf32, #tpu.memory_space<vmem>>) attributes {dimension_semantics = [#tpu.dimension_semantics<arbitrary>], iteration_bounds = array<i64: 4>, scalar_prefetch = 0 : i64, scratch_operands = 0 : i64, tpu.core_type = #tpu.core_type<tc>, window_params = [{transform_indices = @transform_0, window_bounds = array<i64: 256, 256>}, {transform_indices = @transform_1, window_bounds = array<i64: 256, 5, 256>}, {transform_indices = @transform_2, window_bounds = array<i64: 1, 1280, 256>}, {transform_indices = @transform_3, window_bounds = array<i64: 1, 1280, 256>}, {transform_indices = @transform_4, window_bounds = array<i64: 1, 1280, 256>}, {transform_indices = @transform_5, window_bounds = array<i64: 1, 1280, 256>}, {transform_indices = @transform_6, window_bounds = array<i64: 1, 1280, 1>}, {transform_indices = @transform_7, window_bounds = array<i64: 1, 1280, 1>}, {transform_indices = @transform_8, window_bounds = array<i64: 1, 1280, 1>}, {transform_indices = @transform_9, window_bounds = array<i64: 1, 1280, 1>}, {pipeline_mode = #tpu.pipeline_mode<synchronous>, transform_indices = @transform_10, window_bounds = array<i64: 1, 1>}]} {
    %eq3A = arith.constant 0 : i32
    %eq3A_0 = arith.cmpi eq, %arg0, %eq3A : i32
    %convert_element_type3A = arith.extui %eq3A_0 : i1 to i32
    %cond3A = arith.constant 0 : i32
    %cond3A_1 = arith.cmpi ne, %convert_element_type3A, %cond3A : i32
    scf.if %cond3A_1 {
      %broadcast_in_dim3A_287 = arith.constant 0.000000e+00 : f32
      %broadcast_in_dim3A_288 = vector.broadcast %broadcast_in_dim3A_287 : f32 to vector<1x1xf32>
      %swap3A_289 = arith.constant 0 : index
      %swap3A_290 = arith.constant 0 : index
      %swap3A_291 = vector.load %arg11[%swap3A_289, %swap3A_290] : memref<1x1xf32, #tpu.memory_space<vmem>>, vector<1x1xf32>
      tpu.vector_store %arg11[%swap3A_289, %swap3A_290], %broadcast_in_dim3A_288 {strides = array<i32>} : memref<1x1xf32, #tpu.memory_space<vmem>>, vector<1x1xf32>,
    } else {
    }
    %get3A = arith.constant 0 : index
    %get3A_2 = arith.constant 0 : index
    %get3A_3 = arith.constant 0 : index
    %get3A_4 = vector.load %arg7[%get3A, %get3A_2, %get3A_3] : memref<1x1280x1xf32, #tpu.memory_space<vmem>>, vector<1x1280x1xf32>
    %get3A_5 = vector.shape_cast %get3A_4 : vector<1x1280x1xf32> to vector<1280x1xf32>
    %get3A_6 = arith.constant 0 : index
    %get3A_7 = arith.constant 0 : index
    %get3A_8 = arith.constant 0 : index
    %get3A_9 = vector.load %arg3[%get3A_6, %get3A_7, %get3A_8] : memref<1x1280x256xf32, #tpu.memory_space<vmem>>, vector<1x1280x256xf32>
    %get3A_10 = vector.shape_cast %get3A_9 : vector<1x1280x256xf32> to vector<1280x256xf32>
    %mul3A = vector.broadcast %get3A_5 : vector<1280x1xf32> to vector<1280x256xf32>
    %mul3A_11 = arith.mulf %mul3A, %get3A_10 : vector<1280x256xf32>
    %get3A_12 = arith.constant 0 : index
    %get3A_13 = arith.constant 0 : index
    %get3A_14 = arith.constant 0 : index
    %get3A_15 = vector.load %arg8[%get3A_12, %get3A_13, %get3A_14] : memref<1x1280x1xf32, #tpu.memory_space<vmem>>, vector<1x1280x1xf32>
    %get3A_16 = vector.shape_cast %get3A_15 : vector<1x1280x1xf32> to vector<1280x1xf32>
    %get3A_17 = arith.constant 0 : index
    %get3A_18 = arith.constant 0 : index
    %get3A_19 = arith.constant 0 : index
    %get3A_20 = vector.load %arg4[%get3A_17, %get3A_18, %get3A_19] : memref<1x1280x256xf32, #tpu.memory_space<vmem>>, vector<1x1280x256xf32>
    %get3A_21 = vector.shape_cast %get3A_20 : vector<1x1280x256xf32> to vector<1280x256xf32>
    %mul3A_22 = vector.broadcast %get3A_16 : vector<1280x1xf32> to vector<1280x256xf32>
    %mul3A_23 = arith.mulf %mul3A_22, %get3A_21 : vector<1280x256xf32>
    %add3A = arith.addf %mul3A_11, %mul3A_23 : vector<1280x256xf32>
    %reshape3A = vector.shape_cast %add3A : vector<1280x256xf32> to vector<256x5x256xf32>
    %get3A_24 = arith.constant 0 : index
    %get3A_25 = arith.constant 0 : index
    %get3A_26 = arith.constant 0 : index
    %get3A_27 = vector.load %arg9[%get3A_24, %get3A_25, %get3A_26] : memref<1x1280x1xf32, #tpu.memory_space<vmem>>, vector<1x1280x1xf32>
    %get3A_28 = vector.shape_cast %get3A_27 : vector<1x1280x1xf32> to vector<1280x1xf32>
    %get3A_29 = arith.constant 0 : index
    %get3A_30 = arith.constant 0 : index
    %get3A_31 = arith.constant 0 : index
    %get3A_32 = vector.load %arg5[%get3A_29, %get3A_30, %get3A_31] : memref<1x1280x256xf32, #tpu.memory_space<vmem>>, vector<1x1280x256xf32>
    %get3A_33 = vector.shape_cast %get3A_32 : vector<1x1280x256xf32> to vector<1280x256xf32>
    %mul3A_34 = vector.broadcast %get3A_28 : vector<1280x1xf32> to vector<1280x256xf32>
    %mul3A_35 = arith.mulf %mul3A_34, %get3A_33 : vector<1280x256xf32>
    %get3A_36 = arith.constant 0 : index
    %get3A_37 = arith.constant 0 : index
    %get3A_38 = arith.constant 0 : index
    %get3A_39 = vector.load %arg10[%get3A_36, %get3A_37, %get3A_38] : memref<1x1280x1xf32, #tpu.memory_space<vmem>>, vector<1x1280x1xf32>
    %get3A_40 = vector.shape_cast %get3A_39 : vector<1x1280x1xf32> to vector<1280x1xf32>
    %get3A_41 = arith.constant 0 : index
    %get3A_42 = arith.constant 0 : index
    %get3A_43 = arith.constant 0 : index
    %get3A_44 = vector.load %arg6[%get3A_41, %get3A_42, %get3A_43] : memref<1x1280x256xf32, #tpu.memory_space<vmem>>, vector<1x1280x256xf32>
    %get3A_45 = vector.shape_cast %get3A_44 : vector<1x1280x256xf32> to vector<1280x256xf32>
    %mul3A_46 = vector.broadcast %get3A_40 : vector<1280x1xf32> to vector<1280x256xf32>
    %mul3A_47 = arith.mulf %mul3A_46, %get3A_45 : vector<1280x256xf32>
    %add3A_48 = arith.addf %mul3A_35, %mul3A_47 : vector<1280x256xf32>
    %reshape3A_49 = vector.shape_cast %add3A_48 : vector<1280x256xf32> to vector<256x5x256xf32>
    %get3A_50 = arith.constant 0 : index
    %get3A_51 = arith.constant 0 : index
    %get3A_52 = arith.constant 0 : index
    %get3A_53 = vector.load %arg2[%get3A_50, %get3A_51, %get3A_52] : memref<256x5x256xf32, #tpu.memory_space<vmem>>, vector<256x5x256xf32>
    %get3A_54 = arith.constant 0 : index
    %get3A_55 = arith.constant 0 : index
    %get3A_56 = vector.load %arg1[%get3A_54, %get3A_55] : memref<256x256xf32, #tpu.memory_space<vmem>>, vector<256x256xf32>
    %broadcast_in_dim3A = vector.shape_cast %get3A_56 : vector<256x256xf32> to vector<256x1x256xf32>
    %slice3A = vector.extract_strided_slice %get3A_53 {offsets = [0, 0, 0], sizes = [256, 1, 256], strides = [1, 1, 1]} : vector<256x5x256xf32> to vector<256x1x256xf32>
    %slice3A_57 = vector.extract_strided_slice %reshape3A_49 {offsets = [0, 0, 0], sizes = [256, 1, 256], strides = [1, 1, 1]} : vector<256x5x256xf32> to vector<256x1x256xf32>
    %slice3A_58 = vector.extract_strided_slice %reshape3A {offsets = [0, 0, 0], sizes = [256, 1, 256], strides = [1, 1, 1]} : vector<256x5x256xf32> to vector<256x1x256xf32>
    %concatenate3A = tpu.concatenate %broadcast_in_dim3A, %slice3A, %slice3A_57, %slice3A_58 in 1 : vector<256x1x256xf32>, vector<256x1x256xf32>, vector<256x1x256xf32>, vector<256x1x256xf32> -> vector<256x4x256xf32>
    %slice3A_59 = vector.extract_strided_slice %get3A_53 {offsets = [0, 1, 0], sizes = [256, 4, 256], strides = [1, 1, 1]} : vector<256x5x256xf32> to vector<256x4x256xf32>
    %slice3A_60 = vector.extract_strided_slice %reshape3A_49 {offsets = [0, 1, 0], sizes = [256, 4, 256], strides = [1, 1, 1]} : vector<256x5x256xf32> to vector<256x4x256xf32>
    %slice3A_61 = vector.extract_strided_slice %reshape3A {offsets = [0, 1, 0], sizes = [256, 4, 256], strides = [1, 1, 1]} : vector<256x5x256xf32> to vector<256x4x256xf32>
    %concatenate3A_62 = tpu.concatenate %slice3A_59, %slice3A_60, %slice3A_61 in 1 : vector<256x4x256xf32>, vector<256x4x256xf32>, vector<256x4x256xf32> -> vector<256x12x256xf32>
    %mul3A_63 = arith.mulf %concatenate3A, %concatenate3A : vector<256x4x256xf32>
    %reduce_sum3A = arith.constant dense<0.000000e+00> : vector<256x4xf32>
    %reduce_sum3A_64 = vector.multi_reduction <add>, %mul3A_63, %reduce_sum3A [2] : vector<256x4x256xf32> to vector<256x4xf32>
    %broadcast_in_dim3A_65 = vector.shape_cast %reduce_sum3A_64 : vector<256x4xf32> to vector<256x4x1xf32>
    %sqrt3A = math.sqrt %broadcast_in_dim3A_65 : vector<256x4x1xf32>
    %max3A = arith.constant 9.99999996E-13 : f32
    %max3A_66 = vector.broadcast %max3A : f32 to vector<256x4x1xf32>
    %max3A_67 = arith.maximumf %sqrt3A, %max3A_66 : vector<256x4x1xf32>
    %div3A = vector.broadcast %max3A_67 : vector<256x4x1xf32> to vector<256x4x256xf32>
    %div3A_68 = arith.divf %concatenate3A, %div3A : vector<256x4x256xf32>
    %mul3A_69 = arith.mulf %concatenate3A_62, %concatenate3A_62 : vector<256x12x256xf32>
    %reduce_sum3A_70 = arith.constant dense<0.000000e+00> : vector<256x12xf32>
    %reduce_sum3A_71 = vector.multi_reduction <add>, %mul3A_69, %reduce_sum3A_70 [2] : vector<256x12x256xf32> to vector<256x12xf32>
    %broadcast_in_dim3A_72 = vector.shape_cast %reduce_sum3A_71 : vector<256x12xf32> to vector<256x12x1xf32>
    %sqrt3A_73 = math.sqrt %broadcast_in_dim3A_72 : vector<256x12x1xf32>
    %max3A_74 = arith.constant 9.99999996E-13 : f32
    %max3A_75 = vector.broadcast %max3A_74 : f32 to vector<256x12x1xf32>
    %max3A_76 = arith.maximumf %sqrt3A_73, %max3A_75 : vector<256x12x1xf32>
    %div3A_77 = vector.broadcast %max3A_76 : vector<256x12x1xf32> to vector<256x12x256xf32>
    %div3A_78 = arith.divf %concatenate3A_62, %div3A_77 : vector<256x12x256xf32>
    %concatenate3A_79 = tpu.concatenate %div3A_68, %div3A_78 in 1 : vector<256x4x256xf32>, vector<256x12x256xf32> -> vector<256x16x256xf32>
    %iota3A = tpu.iota {dimensions = array<i32: 1>} : vector<256x4xi32>
    %broadcast_in_dim3A_80 = arith.constant 0.000000e+00 : f32
    %broadcast_in_dim3A_81 = vector.broadcast %broadcast_in_dim3A_80 : f32 to vector<256x4xf32>
    %broadcast_in_dim3A_82 = arith.constant 0.000000e+00 : f32
    %broadcast_in_dim3A_83 = vector.broadcast %broadcast_in_dim3A_82 : f32 to vector<256x4xf32>
    %slice3A_84 = vector.extract_strided_slice %concatenate3A_79 {offsets = [0, 0, 0], sizes = [256, 1, 256], strides = [1, 1, 1]} : vector<256x16x256xf32> to vector<256x1x256xf32>
    %mul3A_85 = vector.broadcast %slice3A_84 : vector<256x1x256xf32> to vector<256x4x256xf32>
    %mul3A_86 = arith.mulf %div3A_68, %mul3A_85 : vector<256x4x256xf32>
    %reduce_sum3A_87 = arith.constant dense<0.000000e+00> : vector<256x4xf32>
    %reduce_sum3A_88 = vector.multi_reduction <add>, %mul3A_86, %reduce_sum3A_87 [2] : vector<256x4x256xf32> to vector<256x4xf32>
    %div3A_89 = arith.constant 7.000000e-02 : f32
    %div3A_90 = vector.broadcast %div3A_89 : f32 to vector<256x4xf32>
    %div3A_91 = arith.divf %reduce_sum3A_88, %div3A_90 : vector<256x4xf32>
    %exp3A = math.exp %div3A_91 : vector<256x4xf32>
    %eq3A_92 = arith.constant 0 : i32
    %eq3A_93 = vector.broadcast %eq3A_92 : i32 to vector<256x4xi32>
    %eq3A_94 = arith.cmpi eq, %iota3A, %eq3A_93 : vector<256x4xi32>
    %jit3A = arith.constant 0.000000e+00 : f32
    %broadcast_in_dim3A_95 = vector.broadcast %jit3A : f32 to vector<256x4xf32>
    %select_n3A = arith.select %eq3A_94, %broadcast_in_dim3A_95, %exp3A : vector<256x4xi1>, vector<256x4xf32>
    %add3A_96 = arith.addf %broadcast_in_dim3A_81, %select_n3A : vector<256x4xf32>
    %slice3A_97 = vector.extract_strided_slice %concatenate3A_79 {offsets = [0, 1, 0], sizes = [256, 1, 256], strides = [1, 1, 1]} : vector<256x16x256xf32> to vector<256x1x256xf32>
    %mul3A_98 = vector.broadcast %slice3A_97 : vector<256x1x256xf32> to vector<256x4x256xf32>
    %mul3A_99 = arith.mulf %div3A_68, %mul3A_98 : vector<256x4x256xf32>
    %reduce_sum3A_100 = arith.constant dense<0.000000e+00> : vector<256x4xf32>
    %reduce_sum3A_101 = vector.multi_reduction <add>, %mul3A_99, %reduce_sum3A_100 [2] : vector<256x4x256xf32> to vector<256x4xf32>
    %div3A_102 = arith.constant 7.000000e-02 : f32
    %div3A_103 = vector.broadcast %div3A_102 : f32 to vector<256x4xf32>
    %div3A_104 = arith.divf %reduce_sum3A_101, %div3A_103 : vector<256x4xf32>
    %exp3A_105 = math.exp %div3A_104 : vector<256x4xf32>
    %eq3A_106 = arith.constant 1 : i32
    %eq3A_107 = vector.broadcast %eq3A_106 : i32 to vector<256x4xi32>
    %eq3A_108 = arith.cmpi eq, %iota3A, %eq3A_107 : vector<256x4xi32>
    %jit3A_109 = arith.constant 0.000000e+00 : f32
    %broadcast_in_dim3A_110 = vector.broadcast %jit3A_109 : f32 to vector<256x4xf32>
    %select_n3A_111 = arith.select %eq3A_108, %broadcast_in_dim3A_110, %exp3A_105 : vector<256x4xi1>, vector<256x4xf32>
    %add3A_112 = arith.addf %add3A_96, %select_n3A_111 : vector<256x4xf32>
    %slice3A_113 = vector.extract_strided_slice %concatenate3A_79 {offsets = [0, 2, 0], sizes = [256, 1, 256], strides = [1, 1, 1]} : vector<256x16x256xf32> to vector<256x1x256xf32>
    %mul3A_114 = vector.broadcast %slice3A_113 : vector<256x1x256xf32> to vector<256x4x256xf32>
    %mul3A_115 = arith.mulf %div3A_68, %mul3A_114 : vector<256x4x256xf32>
    %reduce_sum3A_116 = arith.constant dense<0.000000e+00> : vector<256x4xf32>
    %reduce_sum3A_117 = vector.multi_reduction <add>, %mul3A_115, %reduce_sum3A_116 [2] : vector<256x4x256xf32> to vector<256x4xf32>
    %div3A_118 = arith.constant 7.000000e-02 : f32
    %div3A_119 = vector.broadcast %div3A_118 : f32 to vector<256x4xf32>
    %div3A_120 = arith.divf %reduce_sum3A_117, %div3A_119 : vector<256x4xf32>
    %exp3A_121 = math.exp %div3A_120 : vector<256x4xf32>
    %eq3A_122 = arith.constant 2 : i32
    %eq3A_123 = vector.broadcast %eq3A_122 : i32 to vector<256x4xi32>
    %eq3A_124 = arith.cmpi eq, %iota3A, %eq3A_123 : vector<256x4xi32>
    %jit3A_125 = arith.constant 0.000000e+00 : f32
    %broadcast_in_dim3A_126 = vector.broadcast %jit3A_125 : f32 to vector<256x4xf32>
    %select_n3A_127 = arith.select %eq3A_124, %broadcast_in_dim3A_126, %exp3A_121 : vector<256x4xi1>, vector<256x4xf32>
    %add3A_128 = arith.addf %add3A_112, %select_n3A_127 : vector<256x4xf32>
    %slice3A_129 = vector.extract_strided_slice %concatenate3A_79 {offsets = [0, 3, 0], sizes = [256, 1, 256], strides = [1, 1, 1]} : vector<256x16x256xf32> to vector<256x1x256xf32>
    %mul3A_130 = vector.broadcast %slice3A_129 : vector<256x1x256xf32> to vector<256x4x256xf32>
    %mul3A_131 = arith.mulf %div3A_68, %mul3A_130 : vector<256x4x256xf32>
    %reduce_sum3A_132 = arith.constant dense<0.000000e+00> : vector<256x4xf32>
    %reduce_sum3A_133 = vector.multi_reduction <add>, %mul3A_131, %reduce_sum3A_132 [2] : vector<256x4x256xf32> to vector<256x4xf32>
    %div3A_134 = arith.constant 7.000000e-02 : f32
    %div3A_135 = vector.broadcast %div3A_134 : f32 to vector<256x4xf32>
    %div3A_136 = arith.divf %reduce_sum3A_133, %div3A_135 : vector<256x4xf32>
    %exp3A_137 = math.exp %div3A_136 : vector<256x4xf32>
    %eq3A_138 = arith.constant 3 : i32
    %eq3A_139 = vector.broadcast %eq3A_138 : i32 to vector<256x4xi32>
    %eq3A_140 = arith.cmpi eq, %iota3A, %eq3A_139 : vector<256x4xi32>
    %jit3A_141 = arith.constant 0.000000e+00 : f32
    %broadcast_in_dim3A_142 = vector.broadcast %jit3A_141 : f32 to vector<256x4xf32>
    %select_n3A_143 = arith.select %eq3A_140, %broadcast_in_dim3A_142, %exp3A_137 : vector<256x4xi1>, vector<256x4xf32>
    %add3A_144 = arith.addf %add3A_128, %select_n3A_143 : vector<256x4xf32>
    %slice3A_145 = vector.extract_strided_slice %concatenate3A_79 {offsets = [0, 4, 0], sizes = [256, 1, 256], strides = [1, 1, 1]} : vector<256x16x256xf32> to vector<256x1x256xf32>
    %mul3A_146 = vector.broadcast %slice3A_145 : vector<256x1x256xf32> to vector<256x4x256xf32>
    %mul3A_147 = arith.mulf %div3A_68, %mul3A_146 : vector<256x4x256xf32>
    %reduce_sum3A_148 = arith.constant dense<0.000000e+00> : vector<256x4xf32>
    %reduce_sum3A_149 = vector.multi_reduction <add>, %mul3A_147, %reduce_sum3A_148 [2] : vector<256x4x256xf32> to vector<256x4xf32>
    %div3A_150 = arith.constant 7.000000e-02 : f32
    %div3A_151 = vector.broadcast %div3A_150 : f32 to vector<256x4xf32>
    %div3A_152 = arith.divf %reduce_sum3A_149, %div3A_151 : vector<256x4xf32>
    %exp3A_153 = math.exp %div3A_152 : vector<256x4xf32>
    %add3A_154 = arith.addf %broadcast_in_dim3A_83, %exp3A_153 : vector<256x4xf32>
    %slice3A_155 = vector.extract_strided_slice %concatenate3A_79 {offsets = [0, 5, 0], sizes = [256, 1, 256], strides = [1, 1, 1]} : vector<256x16x256xf32> to vector<256x1x256xf32>
    %mul3A_156 = vector.broadcast %slice3A_155 : vector<256x1x256xf32> to vector<256x4x256xf32>
    %mul3A_157 = arith.mulf %div3A_68, %mul3A_156 : vector<256x4x256xf32>
    %reduce_sum3A_158 = arith.constant dense<0.000000e+00> : vector<256x4xf32>
    %reduce_sum3A_159 = vector.multi_reduction <add>, %mul3A_157, %reduce_sum3A_158 [2] : vector<256x4x256xf32> to vector<256x4xf32>
    %div3A_160 = arith.constant 7.000000e-02 : f32
    %div3A_161 = vector.broadcast %div3A_160 : f32 to vector<256x4xf32>
    %div3A_162 = arith.divf %reduce_sum3A_159, %div3A_161 : vector<256x4xf32>
    %exp3A_163 = math.exp %div3A_162 : vector<256x4xf32>
    %add3A_164 = arith.addf %add3A_154, %exp3A_163 : vector<256x4xf32>
    %slice3A_165 = vector.extract_strided_slice %concatenate3A_79 {offsets = [0, 6, 0], sizes = [256, 1, 256], strides = [1, 1, 1]} : vector<256x16x256xf32> to vector<256x1x256xf32>
    %mul3A_166 = vector.broadcast %slice3A_165 : vector<256x1x256xf32> to vector<256x4x256xf32>
    %mul3A_167 = arith.mulf %div3A_68, %mul3A_166 : vector<256x4x256xf32>
    %reduce_sum3A_168 = arith.constant dense<0.000000e+00> : vector<256x4xf32>
    %reduce_sum3A_169 = vector.multi_reduction <add>, %mul3A_167, %reduce_sum3A_168 [2] : vector<256x4x256xf32> to vector<256x4xf32>
    %div3A_170 = arith.constant 7.000000e-02 : f32
    %div3A_171 = vector.broadcast %div3A_170 : f32 to vector<256x4xf32>
    %div3A_172 = arith.divf %reduce_sum3A_169, %div3A_171 : vector<256x4xf32>
    %exp3A_173 = math.exp %div3A_172 : vector<256x4xf32>
    %add3A_174 = arith.addf %add3A_164, %exp3A_173 : vector<256x4xf32>
    %slice3A_175 = vector.extract_strided_slice %concatenate3A_79 {offsets = [0, 7, 0], sizes = [256, 1, 256], strides = [1, 1, 1]} : vector<256x16x256xf32> to vector<256x1x256xf32>
    %mul3A_176 = vector.broadcast %slice3A_175 : vector<256x1x256xf32> to vector<256x4x256xf32>
    %mul3A_177 = arith.mulf %div3A_68, %mul3A_176 : vector<256x4x256xf32>
    %reduce_sum3A_178 = arith.constant dense<0.000000e+00> : vector<256x4xf32>
    %reduce_sum3A_179 = vector.multi_reduction <add>, %mul3A_177, %reduce_sum3A_178 [2] : vector<256x4x256xf32> to vector<256x4xf32>
    %div3A_180 = arith.constant 7.000000e-02 : f32
    %div3A_181 = vector.broadcast %div3A_180 : f32 to vector<256x4xf32>
    %div3A_182 = arith.divf %reduce_sum3A_179, %div3A_181 : vector<256x4xf32>
    %exp3A_183 = math.exp %div3A_182 : vector<256x4xf32>
    %add3A_184 = arith.addf %add3A_174, %exp3A_183 : vector<256x4xf32>
    %slice3A_185 = vector.extract_strided_slice %concatenate3A_79 {offsets = [0, 8, 0], sizes = [256, 1, 256], strides = [1, 1, 1]} : vector<256x16x256xf32> to vector<256x1x256xf32>
    %mul3A_186 = vector.broadcast %slice3A_185 : vector<256x1x256xf32> to vector<256x4x256xf32>
    %mul3A_187 = arith.mulf %div3A_68, %mul3A_186 : vector<256x4x256xf32>
    %reduce_sum3A_188 = arith.constant dense<0.000000e+00> : vector<256x4xf32>
    %reduce_sum3A_189 = vector.multi_reduction <add>, %mul3A_187, %reduce_sum3A_188 [2] : vector<256x4x256xf32> to vector<256x4xf32>
    %div3A_190 = arith.constant 7.000000e-02 : f32
    %div3A_191 = vector.broadcast %div3A_190 : f32 to vector<256x4xf32>
    %div3A_192 = arith.divf %reduce_sum3A_189, %div3A_191 : vector<256x4xf32>
    %exp3A_193 = math.exp %div3A_192 : vector<256x4xf32>
    %add3A_194 = arith.addf %add3A_184, %exp3A_193 : vector<256x4xf32>
    %slice3A_195 = vector.extract_strided_slice %concatenate3A_79 {offsets = [0, 9, 0], sizes = [256, 1, 256], strides = [1, 1, 1]} : vector<256x16x256xf32> to vector<256x1x256xf32>
    %mul3A_196 = vector.broadcast %slice3A_195 : vector<256x1x256xf32> to vector<256x4x256xf32>
    %mul3A_197 = arith.mulf %div3A_68, %mul3A_196 : vector<256x4x256xf32>
    %reduce_sum3A_198 = arith.constant dense<0.000000e+00> : vector<256x4xf32>
    %reduce_sum3A_199 = vector.multi_reduction <add>, %mul3A_197, %reduce_sum3A_198 [2] : vector<256x4x256xf32> to vector<256x4xf32>
    %div3A_200 = arith.constant 7.000000e-02 : f32
    %div3A_201 = vector.broadcast %div3A_200 : f32 to vector<256x4xf32>
    %div3A_202 = arith.divf %reduce_sum3A_199, %div3A_201 : vector<256x4xf32>
    %exp3A_203 = math.exp %div3A_202 : vector<256x4xf32>
    %add3A_204 = arith.addf %add3A_194, %exp3A_203 : vector<256x4xf32>
    %slice3A_205 = vector.extract_strided_slice %concatenate3A_79 {offsets = [0, 10, 0], sizes = [256, 1, 256], strides = [1, 1, 1]} : vector<256x16x256xf32> to vector<256x1x256xf32>
    %mul3A_206 = vector.broadcast %slice3A_205 : vector<256x1x256xf32> to vector<256x4x256xf32>
    %mul3A_207 = arith.mulf %div3A_68, %mul3A_206 : vector<256x4x256xf32>
    %reduce_sum3A_208 = arith.constant dense<0.000000e+00> : vector<256x4xf32>
    %reduce_sum3A_209 = vector.multi_reduction <add>, %mul3A_207, %reduce_sum3A_208 [2] : vector<256x4x256xf32> to vector<256x4xf32>
    %div3A_210 = arith.constant 7.000000e-02 : f32
    %div3A_211 = vector.broadcast %div3A_210 : f32 to vector<256x4xf32>
    %div3A_212 = arith.divf %reduce_sum3A_209, %div3A_211 : vector<256x4xf32>
    %exp3A_213 = math.exp %div3A_212 : vector<256x4xf32>
    %add3A_214 = arith.addf %add3A_204, %exp3A_213 : vector<256x4xf32>
    %slice3A_215 = vector.extract_strided_slice %concatenate3A_79 {offsets = [0, 11, 0], sizes = [256, 1, 256], strides = [1, 1, 1]} : vector<256x16x256xf32> to vector<256x1x256xf32>
    %mul3A_216 = vector.broadcast %slice3A_215 : vector<256x1x256xf32> to vector<256x4x256xf32>
    %mul3A_217 = arith.mulf %div3A_68, %mul3A_216 : vector<256x4x256xf32>
    %reduce_sum3A_218 = arith.constant dense<0.000000e+00> : vector<256x4xf32>
    %reduce_sum3A_219 = vector.multi_reduction <add>, %mul3A_217, %reduce_sum3A_218 [2] : vector<256x4x256xf32> to vector<256x4xf32>
    %div3A_220 = arith.constant 7.000000e-02 : f32
    %div3A_221 = vector.broadcast %div3A_220 : f32 to vector<256x4xf32>
    %div3A_222 = arith.divf %reduce_sum3A_219, %div3A_221 : vector<256x4xf32>
    %exp3A_223 = math.exp %div3A_222 : vector<256x4xf32>
    %add3A_224 = arith.addf %add3A_214, %exp3A_223 : vector<256x4xf32>
    %slice3A_225 = vector.extract_strided_slice %concatenate3A_79 {offsets = [0, 12, 0], sizes = [256, 1, 256], strides = [1, 1, 1]} : vector<256x16x256xf32> to vector<256x1x256xf32>
    %mul3A_226 = vector.broadcast %slice3A_225 : vector<256x1x256xf32> to vector<256x4x256xf32>
    %mul3A_227 = arith.mulf %div3A_68, %mul3A_226 : vector<256x4x256xf32>
    %reduce_sum3A_228 = arith.constant dense<0.000000e+00> : vector<256x4xf32>
    %reduce_sum3A_229 = vector.multi_reduction <add>, %mul3A_227, %reduce_sum3A_228 [2] : vector<256x4x256xf32> to vector<256x4xf32>
    %div3A_230 = arith.constant 7.000000e-02 : f32
    %div3A_231 = vector.broadcast %div3A_230 : f32 to vector<256x4xf32>
    %div3A_232 = arith.divf %reduce_sum3A_229, %div3A_231 : vector<256x4xf32>
    %exp3A_233 = math.exp %div3A_232 : vector<256x4xf32>
    %add3A_234 = arith.addf %add3A_224, %exp3A_233 : vector<256x4xf32>
    %slice3A_235 = vector.extract_strided_slice %concatenate3A_79 {offsets = [0, 13, 0], sizes = [256, 1, 256], strides = [1, 1, 1]} : vector<256x16x256xf32> to vector<256x1x256xf32>
    %mul3A_236 = vector.broadcast %slice3A_235 : vector<256x1x256xf32> to vector<256x4x256xf32>
    %mul3A_237 = arith.mulf %div3A_68, %mul3A_236 : vector<256x4x256xf32>
    %reduce_sum3A_238 = arith.constant dense<0.000000e+00> : vector<256x4xf32>
    %reduce_sum3A_239 = vector.multi_reduction <add>, %mul3A_237, %reduce_sum3A_238 [2] : vector<256x4x256xf32> to vector<256x4xf32>
    %div3A_240 = arith.constant 7.000000e-02 : f32
    %div3A_241 = vector.broadcast %div3A_240 : f32 to vector<256x4xf32>
    %div3A_242 = arith.divf %reduce_sum3A_239, %div3A_241 : vector<256x4xf32>
    %exp3A_243 = math.exp %div3A_242 : vector<256x4xf32>
    %add3A_244 = arith.addf %add3A_234, %exp3A_243 : vector<256x4xf32>
    %slice3A_245 = vector.extract_strided_slice %concatenate3A_79 {offsets = [0, 14, 0], sizes = [256, 1, 256], strides = [1, 1, 1]} : vector<256x16x256xf32> to vector<256x1x256xf32>
    %mul3A_246 = vector.broadcast %slice3A_245 : vector<256x1x256xf32> to vector<256x4x256xf32>
    %mul3A_247 = arith.mulf %div3A_68, %mul3A_246 : vector<256x4x256xf32>
    %reduce_sum3A_248 = arith.constant dense<0.000000e+00> : vector<256x4xf32>
    %reduce_sum3A_249 = vector.multi_reduction <add>, %mul3A_247, %reduce_sum3A_248 [2] : vector<256x4x256xf32> to vector<256x4xf32>
    %div3A_250 = arith.constant 7.000000e-02 : f32
    %div3A_251 = vector.broadcast %div3A_250 : f32 to vector<256x4xf32>
    %div3A_252 = arith.divf %reduce_sum3A_249, %div3A_251 : vector<256x4xf32>
    %exp3A_253 = math.exp %div3A_252 : vector<256x4xf32>
    %add3A_254 = arith.addf %add3A_244, %exp3A_253 : vector<256x4xf32>
    %slice3A_255 = vector.extract_strided_slice %concatenate3A_79 {offsets = [0, 15, 0], sizes = [256, 1, 256], strides = [1, 1, 1]} : vector<256x16x256xf32> to vector<256x1x256xf32>
    %mul3A_256 = vector.broadcast %slice3A_255 : vector<256x1x256xf32> to vector<256x4x256xf32>
    %mul3A_257 = arith.mulf %div3A_68, %mul3A_256 : vector<256x4x256xf32>
    %reduce_sum3A_258 = arith.constant dense<0.000000e+00> : vector<256x4xf32>
    %reduce_sum3A_259 = vector.multi_reduction <add>, %mul3A_257, %reduce_sum3A_258 [2] : vector<256x4x256xf32> to vector<256x4xf32>
    %div3A_260 = arith.constant 7.000000e-02 : f32
    %div3A_261 = vector.broadcast %div3A_260 : f32 to vector<256x4xf32>
    %div3A_262 = arith.divf %reduce_sum3A_259, %div3A_261 : vector<256x4xf32>
    %exp3A_263 = math.exp %div3A_262 : vector<256x4xf32>
    %add3A_264 = arith.addf %add3A_254, %exp3A_263 : vector<256x4xf32>
    %add3A_265 = arith.addf %add3A_144, %add3A_264 : vector<256x4xf32>
    %add3A_266 = arith.constant 9.99999993E-9 : f32
    %add3A_267 = vector.broadcast %add3A_266 : f32 to vector<256x4xf32>
    %add3A_268 = arith.addf %add3A_265, %add3A_267 : vector<256x4xf32>
    %div3A_269 = arith.divf %add3A_144, %add3A_268 : vector<256x4xf32>
    %ne3A = arith.cmpf one, %div3A_269, %div3A_269 : vector<256x4xf32>
    %jit3A_270 = arith.constant 0.000000e+00 : f32
    %broadcast_in_dim3A_271 = vector.broadcast %jit3A_270 : f32 to vector<256x4xf32>
    %select_n3A_272 = arith.select %ne3A, %broadcast_in_dim3A_271, %div3A_269 : vector<256x4xi1>, vector<256x4xf32>
    %get3A_273 = arith.constant 0 : index
    %get3A_274 = arith.constant 0 : index
    %get3A_275 = vector.load %arg11[%get3A_273, %get3A_274] : memref<1x1xf32, #tpu.memory_space<vmem>>, vector<1x1xf32>
    %log3A = math.log %select_n3A_272 : vector<256x4xf32>
    %reduce_sum3A_276 = vector.shape_cast %log3A : vector<256x4xf32> to vector<1x256x4xf32>
    %reduce_sum3A_277 = arith.constant dense<0.000000e+00> : vector<1xf32>
    %reduce_sum3A_278 = vector.multi_reduction <add>, %reduce_sum3A_276, %reduce_sum3A_277 [1, 2] : vector<1x256x4xf32> to vector<1xf32>
    %reduce_sum3A_279 = vector.shape_cast %reduce_sum3A_278 : vector<1xf32> to vector<1x1x1xf32>
    %reduce_sum3A_280 = vector.extract %reduce_sum3A_279[0, 0, 0] : f32 from vector<1x1x1xf32>
    %reshape3A_281 = vector.broadcast %reduce_sum3A_280 : f32 to vector<1x1xf32>
    %neg3A = arith.constant 0.000000e+00 : f32
    %neg3A_282 = vector.broadcast %neg3A : f32 to vector<1x1xf32>
    %neg3A_283 = arith.subf %neg3A_282, %reshape3A_281 : vector<1x1xf32>
    %add3A_284 = arith.addf %get3A_275, %neg3A_283 : vector<1x1xf32>
    %swap3A = arith.constant 0 : index
    %swap3A_285 = arith.constant 0 : index
    %swap3A_286 = vector.load %arg11[%swap3A, %swap3A_285] : memref<1x1xf32, #tpu.memory_space<vmem>>, vector<1x1xf32>
    tpu.vector_store %arg11[%swap3A, %swap3A_285], %add3A_284 {strides = array<i32>} : memref<1x1xf32, #tpu.memory_space<vmem>>, vector<1x1xf32>,
    return
  }
  func.func @transform_0(%arg0: i32) -> (i32, i32) {
    %c0_i32 = arith.constant 0 : i32
    %c0_i32_0 = arith.constant 0 : i32
    return %arg0, %c0_i32 : i32, i32
  }
  func.func @transform_1(%arg0: i32) -> (i32, i32, i32) {
    %c0_i32 = arith.constant 0 : i32
    %c0_i32_0 = arith.constant 0 : i32
    %c0_i32_1 = arith.constant 0 : i32
    return %arg0, %c0_i32, %c0_i32_0 : i32, i32, i32
  }
  func.func @transform_2(%arg0: i32) -> (i32, i32, i32) {
    %c0_i32 = arith.constant 0 : i32
    %c0_i32_0 = arith.constant 0 : i32
    %c0_i32_1 = arith.constant 0 : i32
    return %c0_i32, %arg0, %c0_i32_0 : i32, i32, i32
  }
  func.func @transform_3(%arg0: i32) -> (i32, i32, i32) {
    %c1_i32 = arith.constant 1 : i32
    %c0_i32 = arith.constant 0 : i32
    %c0_i32_0 = arith.constant 0 : i32
    return %c1_i32, %arg0, %c0_i32 : i32, i32, i32
  }
  func.func @transform_4(%arg0: i32) -> (i32, i32, i32) {
    %c2_i32 = arith.constant 2 : i32
    %c0_i32 = arith.constant 0 : i32
    %c0_i32_0 = arith.constant 0 : i32
    return %c2_i32, %arg0, %c0_i32 : i32, i32, i32
  }
  func.func @transform_5(%arg0: i32) -> (i32, i32, i32) {
    %c3_i32 = arith.constant 3 : i32
    %c0_i32 = arith.constant 0 : i32
    %c0_i32_0 = arith.constant 0 : i32
    return %c3_i32, %arg0, %c0_i32 : i32, i32, i32
  }
  func.func @transform_6(%arg0: i32) -> (i32, i32, i32) {
    %c0_i32 = arith.constant 0 : i32
    %c0_i32_0 = arith.constant 0 : i32
    %c0_i32_1 = arith.constant 0 : i32
    return %c0_i32, %arg0, %c0_i32_0 : i32, i32, i32
  }
  func.func @transform_7(%arg0: i32) -> (i32, i32, i32) {
    %c1_i32 = arith.constant 1 : i32
    %c0_i32 = arith.constant 0 : i32
    %c0_i32_0 = arith.constant 0 : i32
    return %c1_i32, %arg0, %c0_i32 : i32, i32, i32
  }
  func.func @transform_8(%arg0: i32) -> (i32, i32, i32) {
    %c2_i32 = arith.constant 2 : i32
    %c0_i32 = arith.constant 0 : i32
    %c0_i32_0 = arith.constant 0 : i32
    return %c2_i32, %arg0, %c0_i32 : i32, i32, i32
  }
  func.func @transform_9(%arg0: i32) -> (i32, i32, i32) {
    %c3_i32 = arith.constant 3 : i32
    %c0_i32 = arith.constant 0 : i32
    %c0_i32_0 = arith.constant 0 : i32
    return %c3_i32, %arg0, %c0_i32 : i32, i32, i32
  }
  func.func @transform_10(%arg0: i32) -> (i32, i32) {
    %c0_i32 = arith.constant 0 : i32
    %c0_i32_0 = arith.constant 0 : i32
    %c0_i32_1 = arith.constant 0 : i32
    return %c0_i32, %c0_i32_0 : i32, i32
  }
}

</mosaic_0001>

<sc_bundles>
// kernel: kernel.10.cloned.1.call-start
scs
__scs_entry_jumppad:
0x0: {  	(pc) =	sbr.rel $0x88, $3  }
0x1: {  	(tag) =	ssettag $0x0;
	lr =	simm.s32 $0x1  }
0x2: {  	[smem:$0x3F97] =	sst lr;
	_ =	strace $0xD0000000  }
0x3: {  	_ = 	snop  }
0x4: {  	_ = 	snop  }
0x5: {  	_ = 	snop  }
0x6: {  	_ = 	snop  }
0x7: {  	_ = 	snop  }
__scs_overlays_trampoline_lowered:
0x8: {  	[smem:$0x3FA6] =	sst s0  }
0x9: {  	[smem:$0x3FA7] =	sst s1  }
0xa: {  	[smem:$0x3FA8] =	sst s2  }
0xb: {  	[smem:$0x3FA9] =	sst s3  }
0xc: {  	[smem:$0x3FAA] =	sst s4  }
0xd: {  	[smem:$0x3FAB] =	sst s5  }
0xe: {  	[smem:$0x3FAC] =	sst s6  }
0xf: {  	[smem:$0x3FAD] =	sst s7  }
0x10: {  	[smem:$0x3FAE] =	sst s8  }
0x11: {  	[smem:$0x3FAF] =	sst s9;
	s0 =	simm.s32 @!p0 $0x0  }
0x12: {  	s1 =	sld [smem:$0x3F95];
	s0 =	simm.s32 @p0 $0x1  }
0x13: {  	[smem:$0x3FB0] =	sst s0;
	s0 =	simm.s32 @!p1 $0x0  }
0x14: {  	s2 =	sld [smem:$0x3F94];
	s0 =	simm.s32 @p1 $0x1  }
0x15: {  	[smem:$0x3FB1] =	sst s0;
	s0 =	simm.s32 @!p2 $0x0  }
0x16: {  	s3 =	sld [smem:$0x3FDB];
	s0 =	simm.s32 @p2 $0x1  }
0x17: {  	s4 =	simm.s32 $0x1BF5;
	[smem:$0x3FB3] =	sst s0  }
0x18: {  	s0 =	sld [smem:$0x3F96];
	_ =	swait.ge [sflag:s4], $0x0  }
0x19: {  	s7 =	sld [smem:$0x3F97]  }
0x1a: {  	s8 =	sadd.s32 $0xFFFFE003, lr  }
0x1b: {  	s9 =	sadd.s32 $0xFFFFFEF7, lr;
	s5 =	simm.s32 $0xFFFFFFFF;
	p2 =	slt.u32 s8, $0xFFFFF086  }
0x1c: {  	p1 =	slt.u32 s9, $0xF7A;
	s5 =	simm.s32 @!p2 $0x0  }
0x1d: {  	s5 =	simm.s32 @p1 $0x1;
	p0 =	seq.s32 s7, s2  }
0x1e: {  	s7 =	smul.u32 @!p0 $0xF7A, s2;
	p2 =	seq.s32 @!p0 s5, $0x0  }
0x1f: {  	s9 =	smul.u32 $0xF7A, s1;
	s8 =	simm.s32 @!p0 $0x1BF5;
	p2 =	por !p2, p0  }
0x20: {  	[sflag:s8] =	ssyncset.s32 @!p0 $0xFFFFF086;
	s6 =	sadd.s32 @!p0 s3, s7;
	s7 =	simm.s32 @!p0 $0x108  }
0x21: {  	s3 =	sadd.s32 s3, s9;
	s6 =	sadd.s32 @!p0 $0x88, s6;
	s7 =	simm.s32 @p2 $0x1082  }
0x22: {  	[simem:s7], [sflag:s8] =	dma.local @!p0 [hbm:s6], $0xF7A  }
0x23: {  	s9 =	sor.u32 $0xD0000000, s2;
	s6 =	simm.s32 $0x108;
	_ =	swait.ge @!p0 [sflag:s8], $0x0  }
0x24: {  	s3 =	sadd.s32 $0x88, s3;
	s6 =	simm.s32 @!p1 $0x1082;
	[sflag:s4] =	ssyncset.s32 $0xFFFFF086  }
0x25: {  	[simem:s6], [sflag:s4] =	dma.local [hbm:s3], $0xF7A  }
0x26: {  	[smem:$0x3F97] =	sst s1;
	(tag) =	ssettag s2;
	_ =	strace s9  }
0x27: {  	s1 =	sld [smem:$0x3FA7]  }
0x28: {  	s2 =	sld [smem:$0x3FA8]  }
0x29: {  	s4 =	sld [smem:$0x3FAA]  }
0x2a: {  	p0 =	seq.s32 s5, $0x0;
	s5 =	sld [smem:$0x3FAB]  }
0x2b: {  	s6 =	sld [smem:$0x3FAC]  }
0x2c: {  	s7 =	sld [smem:$0x3FAD]  }
0x2d: {  	s3 =	simm.s32 $0x108;
	s8 =	sld [smem:$0x3FAE]  }
0x2e: {  	s3 =	simm.s32 @!p0 $0x1082;
	s9 =	sld [smem:$0x3FAF]  }
0x2f: {  	lr =	sadd.s32 s0, s3;
	s0 =	sld [smem:$0x3FA6]  }
0x30: {  	s3 =	sld [smem:$0x3FA9]  }
0x31: {  	[smem:$0x3FB2] =	sst s10  }
0x32: {  	s10 =	sld [smem:$0x3FB0];
	_ =	sdelay $0x3  }
0x33: {  	p0 =	seq.s32 s10, $0x1;
	s10 =	sld [smem:$0x3FB2];
	_ =	sdelay $0x3  }
0x34: {  	[smem:$0x3FB2] =	sst s10  }
0x35: {  	s10 =	sld [smem:$0x3FB1];
	_ =	sdelay $0x3  }
0x36: {  	p1 =	seq.s32 s10, $0x1;
	s10 =	sld [smem:$0x3FB2];
	_ =	sdelay $0x3  }
0x37: {  	[smem:$0x3FB2] =	sst s10  }
0x38: {  	s10 =	sld [smem:$0x3FB3]  }
0x39: {  	_ = 	snop;
	(pc) =	sbr.ind lr, $3  }
0x3a: {  	_ = 	snop  }
0x3b: {  	_ = 	snop  }
0x3c: {  	p2 =	seq.s32 s10, $0x1;
	s10 =	sld [smem:$0x3FB2]  }
0x3d: {  	_ =	shalt  }
0x3e: {  	_ =	shalt  }
0x3f: {  	_ =	shalt  }
0x40: {  	_ =	shalt  }
0x41: {  	_ =	shalt  }
0x42: {  	_ =	shalt  }
0x43: {  	_ =	shalt  }
0x44: {  	_ =	shalt  }
0x45: {  	_ =	shalt  }
0x46: {  	_ =	shalt  }
0x47: {  	_ =	shalt  }
0x48: {  	_ =	shalt  }
0x49: {  	_ =	shalt  }
0x4a: {  	_ =	shalt  }
0x4b: {  	_ =	shalt  }
0x4c: {  	_ =	shalt  }
0x4d: {  	_ =	shalt  }
0x4e: {  	_ =	shalt  }
0x4f: {  	_ =	shalt  }
0x50: {  	_ =	shalt  }
0x51: {  	_ =	shalt  }
0x52: {  	_ =	shalt  }
0x53: {  	_ =	shalt  }
0x54: {  	_ =	shalt  }
0x55: {  	_ =	shalt  }
0x56: {  	_ =	shalt  }
0x57: {  	_ =	shalt  }
0x58: {  	_ =	shalt  }
0x59: {  	_ =	shalt  }
0x5a: {  	_ =	shalt  }
0x5b: {  	_ =	shalt  }
0x5c: {  	_ =	shalt  }
0x5d: {  	_ =	shalt  }
0x5e: {  	_ =	shalt  }
0x5f: {  	_ =	shalt  }
0x60: {  	_ =	shalt  }
0x61: {  	_ =	shalt  }
0x62: {  	_ =	shalt  }
0x63: {  	_ =	shalt  }
0x64: {  	_ =	shalt  }
0x65: {  	_ =	shalt  }
0x66: {  	_ =	shalt  }
0x67: {  	_ =	shalt  }
0x68: {  	_ =	shalt  }
0x69: {  	_ =	shalt  }
0x6a: {  	_ =	shalt  }
0x6b: {  	_ =	shalt  }
0x6c: {  	_ =	shalt  }
0x6d: {  	_ =	shalt  }
0x6e: {  	_ =	shalt  }
0x6f: {  	_ =	shalt  }
0x70: {  	_ =	shalt  }
0x71: {  	_ =	shalt  }
0x72: {  	_ =	shalt  }
0x73: {  	_ =	shalt  }
0x74: {  	_ =	shalt  }
0x75: {  	_ =	shalt  }
0x76: {  	_ =	shalt  }
0x77: {  	_ =	shalt  }
0x78: {  	_ =	shalt  }
0x79: {  	_ =	shalt  }
0x7a: {  	_ =	shalt  }
0x7b: {  	_ =	shalt  }
0x7c: {  	_ =	shalt  }
0x7d: {  	_ =	shalt  }
0x7e: {  	_ =	shalt  }
0x7f: {  	_ =	shalt  }
0x80: {  	_ =	shalt  }
0x81: {  	_ =	shalt  }
0x82: {  	_ =	shalt  }
0x83: {  	_ =	shalt  }
0x84: {  	_ =	shalt  }
0x85: {  	_ =	shalt  }
0x86: {  	_ =	shalt  }
0x87: {  	_ =	shalt  }
.Lfunc_end0:
.L_simem_size_0:
called_computation.1_lowered:
.L_overlay_start_0:
0x88: {  	s2 =	sld [smem:$0x3FD9]  }
0x89: {  	s3 =	sld [smem:$0x3FFE];
	_ =	sdelay $0x1  }
0x8a: {  	s1 =	srdreg.scid  }
0x8b: {  	s0 =	sand.u32 $0x1, s1  }
0x8c: {  	s16 =	sshll.u32 s0, $0xA;
	s2 =	sadd.s32 s3, s2  }
0x8d: {  	s2 =	sadd.s32 s2, s16  }
0x8e: {  	[smem:$0x3FBE] =	sst s2  }
0x8f: {  	_ = 	snop  }
0x90: {  	(tm) =	ssettm $0x1  }
0x91: {  	s17 =	sld [smem:$0x3FFB];
	_ =	sdelay $0x3  }
0x92: {  	_ =	strace s17  }
0x93: {  	s2 =	sld [smem:$0x3FFC];
	_ =	sdelay $0x3  }
0x94: {  	_ =	strace s2  }
0x95: {  	s2 =	sld [smem:$0x3FFD];
	_ =	sdelay $0x3  }
0x96: {  	_ =	strace s2  }
0x97: {  	_ =	strace $0x8FFFFFFF  }
0x98: {  	s18 =	sld [smem:$0x3FDB];
	_ =	sdelay $0x1  }
0x99: {  	s19 =	simm.s32 $_scs_section_size  }
0x9a: {  	s4 =	simm.s32 $_size__tile_overlayer_lowered;
	s5 =	simm.s32 $_tile_overlayer_lowered  }
0x9b: {  	s22 =	simm.s32 $0x1BFF;
	s21 =	sshll.u32 s5, $0x1;
	s2 =	sadd.s32 s19, s18  }
0x9c: {  	s6 =	simm.s32 $0x0;
	s20 =	sshll.u32 s4, $0x1;
	s4 =	sadd.s32 s21, s2  }
0x9d: {  	[timem:s6], [sflag:s22] =	dma.local [hbm:s4], s20  }
0x9e: {  	_ =	swait.ge [sflag:s22], s20  }
0x9f: {  	s3 =	ssub.s32 $0x0, s20;
	[sflag:s22] =	ssyncset.done $0x0  }
0xa0: {  	[sflag:s22] =	ssyncadd.s32 s3;
	_ =	sdelay $0x1  }
0xa1: {  	s23 =	simm.s32 $0x1B8B  }
0xa2: {  	_ =	swait.ge [sflag:s23], $0x1  }
0xa3: {  	[sflag:s23] =	ssyncset.done $0x0  }
0xa4: {  	s25 =	simm.s32 $0x1B8E;
	s24 =	sld [smem:$0x3FFE];
	[sflag:s23] =	ssyncadd.s32 $0xFFFFFFFF  }
0xa5: {  	s26 =	simm.s32 $execute0_lowered;
	[smem:$0x3FD2] =	sst s25  }
0xa6: {  	s4 =	sshll.u32 s26, $0x1;
	_ =	strace $0x80000049;
	[dreg:$0x1] =	wrdreg $0xFFFFFFFF  }
0xa7: {  	s28 =	simm.s32 $_size_execute0_lowered;
	s2 =	sadd.s32 s2, s4;
	[dreg:$0x0] =	wrdreg $0x0  }
0xa8: {  	s4 =	sshll.u32 s28, $0x1;
	[dreg:$0x2] =	wrdreg s2  }
0xa9: {  	[dreg:$0x3] =	wrdreg s4  }
0xaa: {  	[dreg:$0x4] =	wrdreg $0xC0  }
0xab: {  	_ =	task [dreg:s6], $0x5FFFF  }
0xac: {  	[dreg:$0x1] =	wrdreg $0xFFFFFFFF  }
0xad: {  	[dreg:$0x0] =	wrdreg $0x60  }
0xae: {  	[dreg:$0x2] =	wrdreg s24  }
0xaf: {  	[dreg:$0x3] =	wrdreg $0x9  }
0xb0: {  	_ =	task.clear_ibuf [dreg:s6], $0x4FFFF;
	_ =	strace $0x90000049  }
0xb1: {  	s29 =	simm.s32 $0x9;
	_ =	strace $0x8000004B  }
0xb2: {  	_ =	swait.ge [sflag:s29], $0x1  }
0xb3: {  	[sflag:s29] =	ssyncadd.s32 $0xFFFFFFFF  }
0xb4: {  	_ =	strace $0x9000004B  }
0xb5: {  	_ =	sfence  }
0xb6: {  	s30 =	sld [smem:$0x0];
	_ =	sdelay $0x2  }
0xb7: {  	s31 =	sshll.u32 s1, $0xD;
	s1 =	sshrl.u32 s1, $0x2  }
0xb8: {  	s3 =	sand.u32 $0x4000, s31;
	s1 =	sadd.s32 s1, s30  }
0xb9: {  	s0 =	sor.u32 s3, s0;
	s1 =	sshll.u32 s1, $0x11  }
0xba: {  	s0 =	sor.u32 s1, s0  }
0xbb: {  	s0 =	sadd.s32 $0x8F2B, s0  }
0xbc: {  	[sflag:s0] =	ssyncadd.remote.s32 $0x1  }
0xbd: {  	_ =	sfence.sel $0xFFFF  }
0xbe: {  	[dreg:$0x0] =	wrdreg $0xFFFFFFFF;
	(pc) =	sbr.abs _section_cstart, $3  }
0xbf: {  	[dreg:$0x1] =	wrdreg $0xFFFFFFFF  }
0xc0: {  	_ =	task.clear_ibuf [dreg:s6], $0x2FFFF;
	_ =	strace $0x9FFFFFFF  }
0xc1: {  	(tm) =	ssettm $0x7FFFFFFF  }
tec
execute0_lowered:
.L_overlay_start_1:
0x0: {  	(tag) =	ssettag $0x1  }
0x1: {  	s0 =	srdreg.scid;
	s2 =	stileid.u32  }
0x2: {  	s1 =	rddreg [dreg:$0x0];
	s20 =	simm.s32 $0x1;
	s22 =	simm.s32 $0x980  }
0x3: {  	s23 =	simm.s32 $0x1180;
	s24 =	simm.s32 $0x1980;
	s28 =	simm.s32 $0x3180  }
0x4: {  	s29 =	simm.s32 $0x3980;
	s30 =	simm.s32 $0x4180;
	s31 =	simm.s32 $0x4980  }
0x5: {  	s9 =	simm.s32 $0x7180;
	s10 =	simm.s32 $0x7980;
	s11 =	simm.s32 $0x8180  }
0x6: {  	s12 =	simm.s32 $0x8980;
	s13 =	simm.s32 $0x9180;
	s14 =	simm.s32 $0x9980  }
0x7: {  	s15 =	simm.s32 $0xA180;
	s16 =	simm.s32 $0xA980;
	s17 =	simm.s32 $0xB180  }
0x8: {  	s18 =	simm.s32 $0xB980;
	s19 =	simm.s32 $0xC180;
	s0 =	sand.u32 $0x1, s0  }
0x9: {  	s3 =	sshll.u32 s2, $0x1;
	s2 =	simm.s32 $0x0;
	s5 =	sadd.s32 $0xA3400, s1  }
0xa: {  	s6 =	sadd.s32 $0xA3E00, s1;
	s3 =	sor.u32 s0, s3;
	s0 =	ssub.s32 $0x2, s0  }
0xb: {  	[smem:$0x7FF] =	sst s2;
	s4 =	smul.u32 $0x280, s3;
	s8 =	sshrl.u32 s0, $0x1  }
0xc: {  	_ =	strace $0x8000004A;
	s3 =	smul.u32 $0x5000, s3;
	s0 =	ssub.s32 s0, s8  }
0xd: {  	s8 =	simm.s32 $0x6980;
	s7 =	sshrl.u32 s4, $0x3;
	s4 =	sadd.s32 $0x140, s4  }
0xe: {  	s3 =	sadd.s32 s6, s3;
	s7 =	sadd.s32 s5, s7;
	s25 =	sshrl.u32 s4, $0x3  }
0xf: {  	[dreg:$0x3] =	wrdreg s3;
	s4 =	sshll.u32 s4, $0x5;
	s3 =	sadd.s32 $0x183E00, s1  }
0x10: {  	s1 =	simm.s32 $0x5180;
	[dreg:$0x2] =	wrdreg s7;
	s26 =	sadd.s32 s5, s25  }
0x11: {  	v2 =	vlaneseq.u32;
	s4 =	sadd.s32 s6, s4;
	s5 =	simm.s32 $0x2;
	s25 =	simm.s32 $0x2180  }
0x12: {  	vm0 =	vmmov $0xffff;
	v1 =	vshrl.u32 v2, $0x3;
	s7 =	simm.s32 $0x6180;
	s6 =	simm.s32 $0xC980;
	[dreg:$0x4] =	wrdreg s26  }
0x13: {  	v0 =	vand.u32 $0x7, v2;
	v2 =	vor.u32 $0x8, v2;
	v1 =	vmul.u32 $0x8, v1;
	[dreg:$0x5] =	wrdreg s4;
	s4 =	smax.u32 s0, $0x1;
	s26 =	simm.s32 $0x2980  }
.LBB2_1:
0x14: {  	s21 =	rddreg [dreg:$0x2]  }
0x15: {  	[tilespmem:s2], [sflag:$0x2] =	stream.linear.gather [hbm4b:s21+s2], $0x140, $0x38;
	[tilespmem:$0x14180] =	vst v63  }
0x16: {  	_ =	swait.ge [sflag:s5], $0x140  }
0x17: {  	[sflag:s5] =	ssyncset.done $0x0  }
0x18: {  	[sflag:s5] =	ssyncadd.s32 $0xFFFFFEC0  }
0x19: {  	v3 =	vld [tilespmem:$0x0];
	_ =	sdelay $0x4  }
0x1a: {  	v4 =	vshll.u32 v3, $0x1  }
0x1b: {  	v3 =	vand.u32 $0x7, v3;
	v4 =	vand.u32 $0xFFFFFFF0, v4  }
0x1c: {  	v3 =	vor.u32 v3, v4  }
0x1d: {  	v4 =	vperm.xlane v3, v0;
	_ =	sdelay $0x1  }
0x1e: {  	v3 =	vperm.xlane v3, v2;
	v4 =	vadd.s32 v1, v4;
	_ =	sdelay $0x1  }
0x1f: {  	v3 =	vadd.s32 v1, v3;
	_ =	sdelay $0x1  }
0x20: {  	s0 =	simm.s32 $0x180  }
0x21: {  	[tilespmem:s0], [sflag:$0x1] =	stream.indirect_vreg.gather [hbm4b:s3+s2], $0x80, v4, vm0, $0xb8;
	[tilespmem:$0x14180] =	vst v63  }
0x22: {  	_ = 	snop  }
0x23: {  	[tilespmem:s22], [sflag:$0x1] =	stream.indirect_vreg.gather [hbm4b:s3+s2], $0x80, v3, vm0, $0xb8;
	[tilespmem:$0x14180] =	vst v63  }
0x24: {  	v3 =	vld [tilespmem:$0x10];
	_ =	sdelay $0x4  }
0x25: {  	v25 =	vshll.u32 v3, $0x1  }
0x26: {  	v3 =	vand.u32 $0x7, v3;
	v4 =	vand.u32 $0xFFFFFFF0, v25  }
0x27: {  	v3 =	vor.u32 v3, v4  }
0x28: {  	v4 =	vperm.xlane v3, v0;
	_ =	sdelay $0x1  }
0x29: {  	v3 =	vperm.xlane v3, v2;
	v4 =	vadd.s32 v1, v4;
	_ =	sdelay $0x1  }
0x2a: {  	v3 =	vadd.s32 v1, v3;
	_ =	sdelay $0x2  }
0x2b: {  	[tilespmem:s23], [sflag:$0x1] =	stream.indirect_vreg.gather [hbm4b:s3+s2], $0x80, v4, vm0, $0xb8;
	[tilespmem:$0x14180] =	vst v63  }
0x2c: {  	_ = 	snop  }
0x2d: {  	[tilespmem:s24], [sflag:$0x1] =	stream.indirect_vreg.gather [hbm4b:s3+s2], $0x80, v3, vm0, $0xb8;
	[tilespmem:$0x14180] =	vst v63  }
0x2e: {  	v3 =	vld [tilespmem:$0x20];
	_ =	sdelay $0x4  }
0x2f: {  	v26 =	vshll.u32 v3, $0x1  }
0x30: {  	v3 =	vand.u32 $0x7, v3;
	v4 =	vand.u32 $0xFFFFFFF0, v26  }
0x31: {  	v3 =	vor.u32 v3, v4  }
0x32: {  	v4 =	vperm.xlane v3, v0;
	_ =	sdelay $0x1  }
0x33: {  	v3 =	vperm.xlane v3, v2;
	v4 =	vadd.s32 v1, v4;
	_ =	sdelay $0x1  }
0x34: {  	v3 =	vadd.s32 v1, v3;
	_ =	sdelay $0x2  }
0x35: {  	[tilespmem:s25], [sflag:$0x1] =	stream.indirect_vreg.gather [hbm4b:s3+s2], $0x80, v4, vm0, $0xb8;
	[tilespmem:$0x14180] =	vst v63  }
0x36: {  	_ = 	snop  }
0x37: {  	[tilespmem:s26], [sflag:$0x1] =	stream.indirect_vreg.gather [hbm4b:s3+s2], $0x80, v3, vm0, $0xb8;
	[tilespmem:$0x14180] =	vst v63  }
0x38: {  	v3 =	vld [tilespmem:$0x30];
	_ =	sdelay $0x4  }
0x39: {  	v27 =	vshll.u32 v3, $0x1  }
0x3a: {  	v3 =	vand.u32 $0x7, v3;
	v4 =	vand.u32 $0xFFFFFFF0, v27  }
0x3b: {  	v3 =	vor.u32 v3, v4  }
0x3c: {  	v4 =	vperm.xlane v3, v0;
	_ =	sdelay $0x1  }
0x3d: {  	v3 =	vperm.xlane v3, v2;
	v4 =	vadd.s32 v1, v4;
	_ =	sdelay $0x1  }
0x3e: {  	v3 =	vadd.s32 v1, v3;
	_ =	sdelay $0x2  }
0x3f: {  	[tilespmem:s28], [sflag:$0x1] =	stream.indirect_vreg.gather [hbm4b:s3+s2], $0x80, v4, vm0, $0xb8;
	[tilespmem:$0x14180] =	vst v63  }
0x40: {  	_ = 	snop  }
0x41: {  	[tilespmem:s29], [sflag:$0x1] =	stream.indirect_vreg.gather [hbm4b:s3+s2], $0x80, v3, vm0, $0xb8;
	[tilespmem:$0x14180] =	vst v63  }
0x42: {  	v3 =	vld [tilespmem:$0x40];
	_ =	sdelay $0x4  }
0x43: {  	v28 =	vshll.u32 v3, $0x1  }
0x44: {  	v3 =	vand.u32 $0x7, v3;
	v4 =	vand.u32 $0xFFFFFFF0, v28  }
0x45: {  	v3 =	vor.u32 v3, v4  }
0x46: {  	v4 =	vperm.xlane v3, v0;
	_ =	sdelay $0x1  }
0x47: {  	v3 =	vperm.xlane v3, v2;
	v4 =	vadd.s32 v1, v4;
	_ =	sdelay $0x1  }
0x48: {  	v3 =	vadd.s32 v1, v3;
	_ =	sdelay $0x2  }
0x49: {  	[tilespmem:s30], [sflag:$0x1] =	stream.indirect_vreg.gather [hbm4b:s3+s2], $0x80, v4, vm0, $0xb8;
	[tilespmem:$0x14180] =	vst v63  }
0x4a: {  	_ = 	snop  }
0x4b: {  	[tilespmem:s31], [sflag:$0x1] =	stream.indirect_vreg.gather [hbm4b:s3+s2], $0x80, v3, vm0, $0xb8;
	[tilespmem:$0x14180] =	vst v63  }
0x4c: {  	v3 =	vld [tilespmem:$0x50];
	_ =	sdelay $0x4  }
0x4d: {  	v29 =	vshll.u32 v3, $0x1  }
0x4e: {  	v3 =	vand.u32 $0x7, v3;
	v4 =	vand.u32 $0xFFFFFFF0, v29  }
0x4f: {  	v3 =	vor.u32 v3, v4  }
0x50: {  	v4 =	vperm.xlane v3, v0;
	_ =	sdelay $0x1  }
0x51: {  	v3 =	vperm.xlane v3, v2;
	v4 =	vadd.s32 v1, v4;
	_ =	sdelay $0x1  }
0x52: {  	v3 =	vadd.s32 v1, v3;
	_ =	sdelay $0x2  }
0x53: {  	[tilespmem:s1], [sflag:$0x1] =	stream.indirect_vreg.gather [hbm4b:s3+s2], $0x80, v4, vm0, $0xb8;
	[tilespmem:$0x14180] =	vst v63  }
0x54: {  	s21 =	simm.s32 $0x5980  }
0x55: {  	[tilespmem:s21], [sflag:$0x1] =	stream.indirect_vreg.gather [hbm4b:s3+s2], $0x80, v3, vm0, $0xb8;
	[tilespmem:$0x14180] =	vst v63  }
0x56: {  	v3 =	vld [tilespmem:$0x60];
	_ =	sdelay $0x4  }
0x57: {  	v30 =	vshll.u32 v3, $0x1  }
0x58: {  	v3 =	vand.u32 $0x7, v3;
	v4 =	vand.u32 $0xFFFFFFF0, v30  }
0x59: {  	v3 =	vor.u32 v3, v4  }
0x5a: {  	v4 =	vperm.xlane v3, v0;
	_ =	sdelay $0x1  }
0x5b: {  	v3 =	vperm.xlane v3, v2;
	v4 =	vadd.s32 v1, v4;
	_ =	sdelay $0x1  }
0x5c: {  	v3 =	vadd.s32 v1, v3;
	_ =	sdelay $0x2  }
0x5d: {  	[tilespmem:s7], [sflag:$0x1] =	stream.indirect_vreg.gather [hbm4b:s3+s2], $0x80, v4, vm0, $0xb8;
	[tilespmem:$0x14180] =	vst v63  }
0x5e: {  	_ = 	snop  }
0x5f: {  	[tilespmem:s8], [sflag:$0x1] =	stream.indirect_vreg.gather [hbm4b:s3+s2], $0x80, v3, vm0, $0xb8;
	[tilespmem:$0x14180] =	vst v63  }
0x60: {  	v3 =	vld [tilespmem:$0x70];
	_ =	sdelay $0x4  }
0x61: {  	v31 =	vshll.u32 v3, $0x1  }
0x62: {  	v3 =	vand.u32 $0x7, v3;
	v4 =	vand.u32 $0xFFFFFFF0, v31  }
0x63: {  	v3 =	vor.u32 v3, v4  }
0x64: {  	v4 =	vperm.xlane v3, v0;
	_ =	sdelay $0x1  }
0x65: {  	v3 =	vperm.xlane v3, v2;
	v4 =	vadd.s32 v1, v4;
	_ =	sdelay $0x1  }
0x66: {  	v3 =	vadd.s32 v1, v3;
	_ =	sdelay $0x2  }
0x67: {  	[tilespmem:s9], [sflag:$0x1] =	stream.indirect_vreg.gather [hbm4b:s3+s2], $0x80, v4, vm0, $0xb8;
	[tilespmem:$0x14180] =	vst v63  }
0x68: {  	_ = 	snop  }
0x69: {  	[tilespmem:s10], [sflag:$0x1] =	stream.indirect_vreg.gather [hbm4b:s3+s2], $0x80, v3, vm0, $0xb8;
	[tilespmem:$0x14180] =	vst v63  }
0x6a: {  	v3 =	vld [tilespmem:$0x80];
	_ =	sdelay $0x4  }
0x6b: {  	v32 =	vshll.u32 v3, $0x1  }
0x6c: {  	v3 =	vand.u32 $0x7, v3;
	v4 =	vand.u32 $0xFFFFFFF0, v32  }
0x6d: {  	v3 =	vor.u32 v3, v4  }
0x6e: {  	v4 =	vperm.xlane v3, v0;
	_ =	sdelay $0x1  }
0x6f: {  	v3 =	vperm.xlane v3, v2;
	v4 =	vadd.s32 v1, v4;
	_ =	sdelay $0x1  }
0x70: {  	v3 =	vadd.s32 v1, v3;
	_ =	sdelay $0x2  }
0x71: {  	[tilespmem:s11], [sflag:$0x1] =	stream.indirect_vreg.gather [hbm4b:s3+s2], $0x80, v4, vm0, $0xb8;
	[tilespmem:$0x14180] =	vst v63  }
0x72: {  	_ = 	snop  }
0x73: {  	[tilespmem:s12], [sflag:$0x1] =	stream.indirect_vreg.gather [hbm4b:s3+s2], $0x80, v3, vm0, $0xb8;
	[tilespmem:$0x14180] =	vst v63  }
0x74: {  	v3 =	vld [tilespmem:$0x90];
	_ =	sdelay $0x4  }
0x75: {  	v33 =	vshll.u32 v3, $0x1  }
0x76: {  	v3 =	vand.u32 $0x7, v3;
	v4 =	vand.u32 $0xFFFFFFF0, v33  }
0x77: {  	v3 =	vor.u32 v3, v4  }
0x78: {  	v4 =	vperm.xlane v3, v0;
	_ =	sdelay $0x1  }
0x79: {  	v3 =	vperm.xlane v3, v2;
	v4 =	vadd.s32 v1, v4;
	_ =	sdelay $0x1  }
0x7a: {  	v3 =	vadd.s32 v1, v3;
	_ =	sdelay $0x2  }
0x7b: {  	[tilespmem:s13], [sflag:$0x1] =	stream.indirect_vreg.gather [hbm4b:s3+s2], $0x80, v4, vm0, $0xb8;
	[tilespmem:$0x14180] =	vst v63  }
0x7c: {  	_ = 	snop  }
0x7d: {  	[tilespmem:s14], [sflag:$0x1] =	stream.indirect_vreg.gather [hbm4b:s3+s2], $0x80, v3, vm0, $0xb8;
	[tilespmem:$0x14180] =	vst v63  }
0x7e: {  	v3 =	vld [tilespmem:$0xA0];
	_ =	sdelay $0x4  }
0x7f: {  	v34 =	vshll.u32 v3, $0x1  }
0x80: {  	v3 =	vand.u32 $0x7, v3;
	v4 =	vand.u32 $0xFFFFFFF0, v34  }
0x81: {  	v3 =	vor.u32 v3, v4  }
0x82: {  	v4 =	vperm.xlane v3, v0;
	_ =	sdelay $0x1  }
0x83: {  	v3 =	vperm.xlane v3, v2;
	v4 =	vadd.s32 v1, v4;
	_ =	sdelay $0x1  }
0x84: {  	v3 =	vadd.s32 v1, v3;
	_ =	sdelay $0x2  }
0x85: {  	[tilespmem:s15], [sflag:$0x1] =	stream.indirect_vreg.gather [hbm4b:s3+s2], $0x80, v4, vm0, $0xb8;
	[tilespmem:$0x14180] =	vst v63  }
0x86: {  	_ = 	snop  }
0x87: {  	[tilespmem:s16], [sflag:$0x1] =	stream.indirect_vreg.gather [hbm4b:s3+s2], $0x80, v3, vm0, $0xb8;
	[tilespmem:$0x14180] =	vst v63  }
0x88: {  	v3 =	vld [tilespmem:$0xB0];
	_ =	sdelay $0x4  }
0x89: {  	v35 =	vshll.u32 v3, $0x1  }
0x8a: {  	v3 =	vand.u32 $0x7, v3;
	v4 =	vand.u32 $0xFFFFFFF0, v35  }
0x8b: {  	v3 =	vor.u32 v3, v4  }
0x8c: {  	v4 =	vperm.xlane v3, v0;
	_ =	sdelay $0x1  }
0x8d: {  	v3 =	vperm.xlane v3, v2;
	v4 =	vadd.s32 v1, v4;
	_ =	sdelay $0x1  }
0x8e: {  	v3 =	vadd.s32 v1, v3;
	_ =	sdelay $0x2  }
0x8f: {  	[tilespmem:s17], [sflag:$0x1] =	stream.indirect_vreg.gather [hbm4b:s3+s2], $0x80, v4, vm0, $0xb8;
	[tilespmem:$0x14180] =	vst v63  }
0x90: {  	_ = 	snop  }
0x91: {  	[tilespmem:s18], [sflag:$0x1] =	stream.indirect_vreg.gather [hbm4b:s3+s2], $0x80, v3, vm0, $0xb8;
	[tilespmem:$0x14180] =	vst v63  }
0x92: {  	v3 =	vld [tilespmem:$0xC0];
	_ =	sdelay $0x4  }
0x93: {  	v36 =	vshll.u32 v3, $0x1  }
0x94: {  	v3 =	vand.u32 $0x7, v3;
	v4 =	vand.u32 $0xFFFFFFF0, v36  }
0x95: {  	v3 =	vor.u32 v3, v4  }
0x96: {  	v4 =	vperm.xlane v3, v0;
	_ =	sdelay $0x1  }
0x97: {  	v3 =	vperm.xlane v3, v2;
	v4 =	vadd.s32 v1, v4;
	_ =	sdelay $0x1  }
0x98: {  	v3 =	vadd.s32 v1, v3;
	_ =	sdelay $0x2  }
0x99: {  	[tilespmem:s19], [sflag:$0x1] =	stream.indirect_vreg.gather [hbm4b:s3+s2], $0x80, v4, vm0, $0xb8;
	[tilespmem:$0x14180] =	vst v63  }
0x9a: {  	_ = 	snop  }
0x9b: {  	[tilespmem:s6], [sflag:$0x1] =	stream.indirect_vreg.gather [hbm4b:s3+s2], $0x80, v3, vm0, $0xb8;
	[tilespmem:$0x14180] =	vst v63  }
0x9c: {  	v3 =	vld [tilespmem:$0xD0];
	_ =	sdelay $0x4  }
0x9d: {  	v37 =	vshll.u32 v3, $0x1  }
0x9e: {  	v3 =	vand.u32 $0x7, v3;
	v4 =	vand.u32 $0xFFFFFFF0, v37  }
0x9f: {  	v3 =	vor.u32 v3, v4  }
0xa0: {  	v4 =	vperm.xlane v3, v0;
	_ =	sdelay $0x1  }
0xa1: {  	v3 =	vperm.xlane v3, v2;
	v4 =	vadd.s32 v1, v4;
	_ =	sdelay $0x1  }
0xa2: {  	v3 =	vadd.s32 v1, v3;
	_ =	sdelay $0x1  }
0xa3: {  	s21 =	simm.s32 $0xD180  }
0xa4: {  	[tilespmem:s21], [sflag:$0x1] =	stream.indirect_vreg.gather [hbm4b:s3+s2], $0x80, v4, vm0, $0xb8;
	[tilespmem:$0x14180] =	vst v63  }
0xa5: {  	s21 =	simm.s32 $0xD980  }
0xa6: {  	[tilespmem:s21], [sflag:$0x1] =	stream.indirect_vreg.gather [hbm4b:s3+s2], $0x80, v3, vm0, $0xb8;
	[tilespmem:$0x14180] =	vst v63  }
0xa7: {  	v3 =	vld [tilespmem:$0xE0];
	_ =	sdelay $0x4  }
0xa8: {  	v38 =	vshll.u32 v3, $0x1  }
0xa9: {  	v3 =	vand.u32 $0x7, v3;
	v4 =	vand.u32 $0xFFFFFFF0, v38  }
0xaa: {  	v3 =	vor.u32 v3, v4  }
0xab: {  	v4 =	vperm.xlane v3, v0;
	_ =	sdelay $0x1  }
0xac: {  	v3 =	vperm.xlane v3, v2;
	v4 =	vadd.s32 v1, v4;
	_ =	sdelay $0x1  }
0xad: {  	v3 =	vadd.s32 v1, v3;
	_ =	sdelay $0x1  }
0xae: {  	s21 =	simm.s32 $0xE180  }
0xaf: {  	[tilespmem:s21], [sflag:$0x1] =	stream.indirect_vreg.gather [hbm4b:s3+s2], $0x80, v4, vm0, $0xb8;
	[tilespmem:$0x14180] =	vst v63  }
0xb0: {  	s21 =	simm.s32 $0xE980  }
0xb1: {  	[tilespmem:s21], [sflag:$0x1] =	stream.indirect_vreg.gather [hbm4b:s3+s2], $0x80, v3, vm0, $0xb8;
	[tilespmem:$0x14180] =	vst v63  }
0xb2: {  	v3 =	vld [tilespmem:$0xF0];
	_ =	sdelay $0x4  }
0xb3: {  	v39 =	vshll.u32 v3, $0x1  }
0xb4: {  	v3 =	vand.u32 $0x7, v3;
	v4 =	vand.u32 $0xFFFFFFF0, v39  }
0xb5: {  	v3 =	vor.u32 v3, v4  }
0xb6: {  	v4 =	vperm.xlane v3, v0;
	_ =	sdelay $0x1  }
0xb7: {  	v3 =	vperm.xlane v3, v2;
	v4 =	vadd.s32 v1, v4;
	_ =	sdelay $0x1  }
0xb8: {  	v3 =	vadd.s32 v1, v3;
	_ =	sdelay $0x1  }
0xb9: {  	s21 =	simm.s32 $0xF180  }
0xba: {  	[tilespmem:s21], [sflag:$0x1] =	stream.indirect_vreg.gather [hbm4b:s3+s2], $0x80, v4, vm0, $0xb8;
	[tilespmem:$0x14180] =	vst v63  }
0xbb: {  	s21 =	simm.s32 $0xF980  }
0xbc: {  	[tilespmem:s21], [sflag:$0x1] =	stream.indirect_vreg.gather [hbm4b:s3+s2], $0x80, v3, vm0, $0xb8;
	[tilespmem:$0x14180] =	vst v63  }
0xbd: {  	v3 =	vld [tilespmem:$0x100];
	_ =	sdelay $0x4  }
0xbe: {  	v40 =	vshll.u32 v3, $0x1  }
0xbf: {  	v3 =	vand.u32 $0x7, v3;
	v4 =	vand.u32 $0xFFFFFFF0, v40  }
0xc0: {  	v3 =	vor.u32 v3, v4  }
0xc1: {  	v4 =	vperm.xlane v3, v0;
	_ =	sdelay $0x1  }
0xc2: {  	v3 =	vperm.xlane v3, v2;
	v4 =	vadd.s32 v1, v4;
	_ =	sdelay $0x1  }
0xc3: {  	v3 =	vadd.s32 v1, v3;
	_ =	sdelay $0x1  }
0xc4: {  	s21 =	simm.s32 $0x10180  }
0xc5: {  	[tilespmem:s21], [sflag:$0x1] =	stream.indirect_vreg.gather [hbm4b:s3+s2], $0x80, v4, vm0, $0xb8;
	[tilespmem:$0x14180] =	vst v63  }
0xc6: {  	s21 =	simm.s32 $0x10980  }
0xc7: {  	[tilespmem:s21], [sflag:$0x1] =	stream.indirect_vreg.gather [hbm4b:s3+s2], $0x80, v3, vm0, $0xb8;
	[tilespmem:$0x14180] =	vst v63  }
0xc8: {  	v3 =	vld [tilespmem:$0x110];
	_ =	sdelay $0x4  }
0xc9: {  	v41 =	vshll.u32 v3, $0x1  }
0xca: {  	v3 =	vand.u32 $0x7, v3;
	v4 =	vand.u32 $0xFFFFFFF0, v41  }
0xcb: {  	v3 =	vor.u32 v3, v4  }
0xcc: {  	v4 =	vperm.xlane v3, v0;
	_ =	sdelay $0x1  }
0xcd: {  	v3 =	vperm.xlane v3, v2;
	v4 =	vadd.s32 v1, v4;
	_ =	sdelay $0x1  }
0xce: {  	v3 =	vadd.s32 v1, v3;
	_ =	sdelay $0x1  }
0xcf: {  	s21 =	simm.s32 $0x11180  }
0xd0: {  	[tilespmem:s21], [sflag:$0x1] =	stream.indirect_vreg.gather [hbm4b:s3+s2], $0x80, v4, vm0, $0xb8;
	[tilespmem:$0x14180] =	vst v63  }
0xd1: {  	s21 =	simm.s32 $0x11980  }
0xd2: {  	[tilespmem:s21], [sflag:$0x1] =	stream.indirect_vreg.gather [hbm4b:s3+s2], $0x80, v3, vm0, $0xb8;
	[tilespmem:$0x14180] =	vst v63  }
0xd3: {  	v3 =	vld [tilespmem:$0x120];
	_ =	sdelay $0x4  }
0xd4: {  	v42 =	vshll.u32 v3, $0x1  }
0xd5: {  	v3 =	vand.u32 $0x7, v3;
	v4 =	vand.u32 $0xFFFFFFF0, v42  }
0xd6: {  	v3 =	vor.u32 v3, v4  }
0xd7: {  	v4 =	vperm.xlane v3, v0;
	_ =	sdelay $0x1  }
0xd8: {  	v3 =	vperm.xlane v3, v2;
	v4 =	vadd.s32 v1, v4;
	_ =	sdelay $0x1  }
0xd9: {  	v3 =	vadd.s32 v1, v3;
	_ =	sdelay $0x1  }
0xda: {  	s21 =	simm.s32 $0x12180  }
0xdb: {  	[tilespmem:s21], [sflag:$0x1] =	stream.indirect_vreg.gather [hbm4b:s3+s2], $0x80, v4, vm0, $0xb8;
	[tilespmem:$0x14180] =	vst v63  }
0xdc: {  	s21 =	simm.s32 $0x12980  }
0xdd: {  	[tilespmem:s21], [sflag:$0x1] =	stream.indirect_vreg.gather [hbm4b:s3+s2], $0x80, v3, vm0, $0xb8;
	[tilespmem:$0x14180] =	vst v63  }
0xde: {  	v3 =	vld [tilespmem:$0x130];
	_ =	sdelay $0x4  }
0xdf: {  	v43 =	vshll.u32 v3, $0x1  }
0xe0: {  	v3 =	vand.u32 $0x7, v3;
	v4 =	vand.u32 $0xFFFFFFF0, v43  }
0xe1: {  	v3 =	vor.u32 v3, v4  }
0xe2: {  	v4 =	vperm.xlane v3, v0;
	_ =	sdelay $0x1  }
0xe3: {  	v3 =	vperm.xlane v3, v2;
	v4 =	vadd.s32 v1, v4;
	_ =	sdelay $0x1  }
0xe4: {  	v3 =	vadd.s32 v1, v3;
	_ =	sdelay $0x1  }
0xe5: {  	s21 =	simm.s32 $0x13180  }
0xe6: {  	[tilespmem:s21], [sflag:$0x1] =	stream.indirect_vreg.gather [hbm4b:s3+s2], $0x80, v4, vm0, $0xb8;
	[tilespmem:$0x14180] =	vst v63  }
0xe7: {  	s21 =	simm.s32 $0x13980  }
0xe8: {  	[tilespmem:s21], [sflag:$0x1] =	stream.indirect_vreg.gather [hbm4b:s3+s2], $0x80, v3, vm0, $0xb8;
	[tilespmem:$0x14180] =	vst v63  }
0xe9: {  	_ =	swait.ge [sflag:s20], $0x14000  }
0xea: {  	[sflag:s20] =	ssyncset.done $0x0  }
0xeb: {  	s0 =	simm.s32 $0x180;
	s21 =	rddreg [dreg:$0x3];
	[sflag:s20] =	ssyncadd.s32 $0xFFFEC000  }
0xec: {  	[hbm4b:s21+s2] =	stream.linear.scatter [tilespmem:s0], [sflag:$0x2], $0x14000, $0x38;
	[tilespmem:$0x14180] =	vst v63  }
0xed: {  	_ =	swait.ge [sflag:s5], $0x14000  }
0xee: {  	[sflag:s5] =	ssyncset.done $0x0  }
0xef: {  	s21 =	rddreg [dreg:$0x4];
	[sflag:s5] =	ssyncadd.s32 $0xFFFEC000  }
0xf0: {  	[tilespmem:s2], [sflag:$0x2] =	stream.linear.gather [hbm4b:s21+s2], $0x140, $0x38;
	[tilespmem:$0x14180] =	vst v63  }
0xf1: {  	_ =	swait.ge [sflag:s5], $0x140  }
0xf2: {  	[sflag:s5] =	ssyncset.done $0x0  }
0xf3: {  	[sflag:s5] =	ssyncadd.s32 $0xFFFFFEC0  }
0xf4: {  	v3 =	vld [tilespmem:$0x0];
	_ =	sdelay $0x4  }
0xf5: {  	v44 =	vshll.u32 v3, $0x1  }
0xf6: {  	v3 =	vand.u32 $0x7, v3;
	v4 =	vand.u32 $0xFFFFFFF0, v44  }
0xf7: {  	v3 =	vor.u32 v3, v4  }
0xf8: {  	v4 =	vperm.xlane v3, v0;
	_ =	sdelay $0x1  }
0xf9: {  	v3 =	vperm.xlane v3, v2;
	v4 =	vadd.s32 v1, v4;
	_ =	sdelay $0x1  }
0xfa: {  	v3 =	vadd.s32 v1, v3;
	_ =	sdelay $0x2  }
0xfb: {  	[tilespmem:s0], [sflag:$0x1] =	stream.indirect_vreg.gather [hbm4b:s3+s2], $0x80, v4, vm0, $0xb8;
	[tilespmem:$0x14180] =	vst v63  }
0xfc: {  	_ = 	snop  }
0xfd: {  	[tilespmem:s22], [sflag:$0x1] =	stream.indirect_vreg.gather [hbm4b:s3+s2], $0x80, v3, vm0, $0xb8;
	[tilespmem:$0x14180] =	vst v63  }
0xfe: {  	v3 =	vld [tilespmem:$0x10];
	_ =	sdelay $0x4  }
0xff: {  	v45 =	vshll.u32 v3, $0x1  }
0x100: {  	v3 =	vand.u32 $0x7, v3;
	v4 =	vand.u32 $0xFFFFFFF0, v45  }
0x101: {  	v3 =	vor.u32 v3, v4  }
0x102: {  	v4 =	vperm.xlane v3, v0;
	_ =	sdelay $0x1  }
0x103: {  	v3 =	vperm.xlane v3, v2;
	v4 =	vadd.s32 v1, v4;
	_ =	sdelay $0x1  }
0x104: {  	v3 =	vadd.s32 v1, v3;
	_ =	sdelay $0x2  }
0x105: {  	[tilespmem:s23], [sflag:$0x1] =	stream.indirect_vreg.gather [hbm4b:s3+s2], $0x80, v4, vm0, $0xb8;
	[tilespmem:$0x14180] =	vst v63  }
0x106: {  	_ = 	snop  }
0x107: {  	[tilespmem:s24], [sflag:$0x1] =	stream.indirect_vreg.gather [hbm4b:s3+s2], $0x80, v3, vm0, $0xb8;
	[tilespmem:$0x14180] =	vst v63  }
0x108: {  	v3 =	vld [tilespmem:$0x20];
	_ =	sdelay $0x4  }
0x109: {  	v46 =	vshll.u32 v3, $0x1  }
0x10a: {  	v3 =	vand.u32 $0x7, v3;
	v4 =	vand.u32 $0xFFFFFFF0, v46  }
0x10b: {  	v3 =	vor.u32 v3, v4  }
0x10c: {  	v4 =	vperm.xlane v3, v0;
	_ =	sdelay $0x1  }
0x10d: {  	v3 =	vperm.xlane v3, v2;
	v4 =	vadd.s32 v1, v4;
	_ =	sdelay $0x1  }
0x10e: {  	v3 =	vadd.s32 v1, v3;
	_ =	sdelay $0x2  }
0x10f: {  	[tilespmem:s25], [sflag:$0x1] =	stream.indirect_vreg.gather [hbm4b:s3+s2], $0x80, v4, vm0, $0xb8;
	[tilespmem:$0x14180] =	vst v63  }
0x110: {  	_ = 	snop  }
0x111: {  	[tilespmem:s26], [sflag:$0x1] =	stream.indirect_vreg.gather [hbm4b:s3+s2], $0x80, v3, vm0, $0xb8;
	[tilespmem:$0x14180] =	vst v63  }
0x112: {  	v3 =	vld [tilespmem:$0x30];
	_ =	sdelay $0x4  }
0x113: {  	v47 =	vshll.u32 v3, $0x1  }
0x114: {  	v3 =	vand.u32 $0x7, v3;
	v4 =	vand.u32 $0xFFFFFFF0, v47  }
0x115: {  	v3 =	vor.u32 v3, v4  }
0x116: {  	v4 =	vperm.xlane v3, v0;
	_ =	sdelay $0x1  }
0x117: {  	v3 =	vperm.xlane v3, v2;
	v4 =	vadd.s32 v1, v4;
	_ =	sdelay $0x1  }
0x118: {  	v3 =	vadd.s32 v1, v3;
	_ =	sdelay $0x2  }
0x119: {  	[tilespmem:s28], [sflag:$0x1] =	stream.indirect_vreg.gather [hbm4b:s3+s2], $0x80, v4, vm0, $0xb8;
	[tilespmem:$0x14180] =	vst v63  }
0x11a: {  	_ = 	snop  }
0x11b: {  	[tilespmem:s29], [sflag:$0x1] =	stream.indirect_vreg.gather [hbm4b:s3+s2], $0x80, v3, vm0, $0xb8;
	[tilespmem:$0x14180] =	vst v63  }
0x11c: {  	v3 =	vld [tilespmem:$0x40];
	_ =	sdelay $0x4  }
0x11d: {  	v48 =	vshll.u32 v3, $0x1  }
0x11e: {  	v3 =	vand.u32 $0x7, v3;
	v4 =	vand.u32 $0xFFFFFFF0, v48  }
0x11f: {  	v3 =	vor.u32 v3, v4  }
0x120: {  	v4 =	vperm.xlane v3, v0;
	_ =	sdelay $0x1  }
0x121: {  	v3 =	vperm.xlane v3, v2;
	v4 =	vadd.s32 v1, v4;
	_ =	sdelay $0x1  }
0x122: {  	v3 =	vadd.s32 v1, v3;
	_ =	sdelay $0x2  }
0x123: {  	[tilespmem:s30], [sflag:$0x1] =	stream.indirect_vreg.gather [hbm4b:s3+s2], $0x80, v4, vm0, $0xb8;
	[tilespmem:$0x14180] =	vst v63  }
0x124: {  	_ = 	snop  }
0x125: {  	[tilespmem:s31], [sflag:$0x1] =	stream.indirect_vreg.gather [hbm4b:s3+s2], $0x80, v3, vm0, $0xb8;
	[tilespmem:$0x14180] =	vst v63  }
0x126: {  	v3 =	vld [tilespmem:$0x50];
	_ =	sdelay $0x4  }
0x127: {  	v49 =	vshll.u32 v3, $0x1  }
0x128: {  	v3 =	vand.u32 $0x7, v3;
	v4 =	vand.u32 $0xFFFFFFF0, v49  }
0x129: {  	v3 =	vor.u32 v3, v4  }
0x12a: {  	v4 =	vperm.xlane v3, v0;
	_ =	sdelay $0x1  }
0x12b: {  	v3 =	vperm.xlane v3, v2;
	v4 =	vadd.s32 v1, v4;
	_ =	sdelay $0x1  }
0x12c: {  	v3 =	vadd.s32 v1, v3;
	_ =	sdelay $0x2  }
0x12d: {  	[tilespmem:s1], [sflag:$0x1] =	stream.indirect_vreg.gather [hbm4b:s3+s2], $0x80, v4, vm0, $0xb8;
	[tilespmem:$0x14180] =	vst v63  }
0x12e: {  	s21 =	simm.s32 $0x5980  }
0x12f: {  	[tilespmem:s21], [sflag:$0x1] =	stream.indirect_vreg.gather [hbm4b:s3+s2], $0x80, v3, vm0, $0xb8;
	[tilespmem:$0x14180] =	vst v63  }
0x130: {  	v3 =	vld [tilespmem:$0x60];
	_ =	sdelay $0x4  }
0x131: {  	v50 =	vshll.u32 v3, $0x1  }
0x132: {  	v3 =	vand.u32 $0x7, v3;
	v4 =	vand.u32 $0xFFFFFFF0, v50  }
0x133: {  	v3 =	vor.u32 v3, v4  }
0x134: {  	v4 =	vperm.xlane v3, v0;
	_ =	sdelay $0x1  }
0x135: {  	v3 =	vperm.xlane v3, v2;
	v4 =	vadd.s32 v1, v4;
	_ =	sdelay $0x1  }
0x136: {  	v3 =	vadd.s32 v1, v3;
	_ =	sdelay $0x2  }
0x137: {  	[tilespmem:s7], [sflag:$0x1] =	stream.indirect_vreg.gather [hbm4b:s3+s2], $0x80, v4, vm0, $0xb8;
	[tilespmem:$0x14180] =	vst v63  }
0x138: {  	_ = 	snop  }
0x139: {  	[tilespmem:s8], [sflag:$0x1] =	stream.indirect_vreg.gather [hbm4b:s3+s2], $0x80, v3, vm0, $0xb8;
	[tilespmem:$0x14180] =	vst v63  }
0x13a: {  	v3 =	vld [tilespmem:$0x70];
	_ =	sdelay $0x4  }
0x13b: {  	v51 =	vshll.u32 v3, $0x1  }
0x13c: {  	v3 =	vand.u32 $0x7, v3;
	v4 =	vand.u32 $0xFFFFFFF0, v51  }
0x13d: {  	v3 =	vor.u32 v3, v4  }
0x13e: {  	v4 =	vperm.xlane v3, v0;
	_ =	sdelay $0x1  }
0x13f: {  	v3 =	vperm.xlane v3, v2;
	v4 =	vadd.s32 v1, v4;
	_ =	sdelay $0x1  }
0x140: {  	v3 =	vadd.s32 v1, v3;
	_ =	sdelay $0x2  }
0x141: {  	[tilespmem:s9], [sflag:$0x1] =	stream.indirect_vreg.gather [hbm4b:s3+s2], $0x80, v4, vm0, $0xb8;
	[tilespmem:$0x14180] =	vst v63  }
0x142: {  	_ = 	snop  }
0x143: {  	[tilespmem:s10], [sflag:$0x1] =	stream.indirect_vreg.gather [hbm4b:s3+s2], $0x80, v3, vm0, $0xb8;
	[tilespmem:$0x14180] =	vst v63  }
0x144: {  	v3 =	vld [tilespmem:$0x80];
	_ =	sdelay $0x4  }
0x145: {  	v52 =	vshll.u32 v3, $0x1  }
0x146: {  	v3 =	vand.u32 $0x7, v3;
	v4 =	vand.u32 $0xFFFFFFF0, v52  }
0x147: {  	v3 =	vor.u32 v3, v4  }
0x148: {  	v4 =	vperm.xlane v3, v0;
	_ =	sdelay $0x1  }
0x149: {  	v3 =	vperm.xlane v3, v2;
	v4 =	vadd.s32 v1, v4;
	_ =	sdelay $0x1  }
0x14a: {  	v3 =	vadd.s32 v1, v3;
	_ =	sdelay $0x2  }
0x14b: {  	[tilespmem:s11], [sflag:$0x1] =	stream.indirect_vreg.gather [hbm4b:s3+s2], $0x80, v4, vm0, $0xb8;
	[tilespmem:$0x14180] =	vst v63  }
0x14c: {  	_ = 	snop  }
0x14d: {  	[tilespmem:s12], [sflag:$0x1] =	stream.indirect_vreg.gather [hbm4b:s3+s2], $0x80, v3, vm0, $0xb8;
	[tilespmem:$0x14180] =	vst v63  }
0x14e: {  	v3 =	vld [tilespmem:$0x90];
	_ =	sdelay $0x4  }
0x14f: {  	v53 =	vshll.u32 v3, $0x1  }
0x150: {  	v3 =	vand.u32 $0x7, v3;
	v4 =	vand.u32 $0xFFFFFFF0, v53  }
0x151: {  	v3 =	vor.u32 v3, v4  }
0x152: {  	v4 =	vperm.xlane v3, v0;
	_ =	sdelay $0x1  }
0x153: {  	v3 =	vperm.xlane v3, v2;
	v4 =	vadd.s32 v1, v4;
	_ =	sdelay $0x1  }
0x154: {  	v3 =	vadd.s32 v1, v3;
	_ =	sdelay $0x2  }
0x155: {  	[tilespmem:s13], [sflag:$0x1] =	stream.indirect_vreg.gather [hbm4b:s3+s2], $0x80, v4, vm0, $0xb8;
	[tilespmem:$0x14180] =	vst v63  }
0x156: {  	_ = 	snop  }
0x157: {  	[tilespmem:s14], [sflag:$0x1] =	stream.indirect_vreg.gather [hbm4b:s3+s2], $0x80, v3, vm0, $0xb8;
	[tilespmem:$0x14180] =	vst v63  }
0x158: {  	v3 =	vld [tilespmem:$0xA0];
	_ =	sdelay $0x4  }
0x159: {  	v54 =	vshll.u32 v3, $0x1  }
0x15a: {  	v3 =	vand.u32 $0x7, v3;
	v4 =	vand.u32 $0xFFFFFFF0, v54  }
0x15b: {  	v3 =	vor.u32 v3, v4  }
0x15c: {  	v4 =	vperm.xlane v3, v0;
	_ =	sdelay $0x1  }
0x15d: {  	v3 =	vperm.xlane v3, v2;
	v4 =	vadd.s32 v1, v4;
	_ =	sdelay $0x1  }
0x15e: {  	v3 =	vadd.s32 v1, v3;
	_ =	sdelay $0x2  }
0x15f: {  	[tilespmem:s15], [sflag:$0x1] =	stream.indirect_vreg.gather [hbm4b:s3+s2], $0x80, v4, vm0, $0xb8;
	[tilespmem:$0x14180] =	vst v63  }
0x160: {  	_ = 	snop  }
0x161: {  	[tilespmem:s16], [sflag:$0x1] =	stream.indirect_vreg.gather [hbm4b:s3+s2], $0x80, v3, vm0, $0xb8;
	[tilespmem:$0x14180] =	vst v63  }
0x162: {  	v3 =	vld [tilespmem:$0xB0];
	_ =	sdelay $0x4  }
0x163: {  	v55 =	vshll.u32 v3, $0x1  }
0x164: {  	v3 =	vand.u32 $0x7, v3;
	v4 =	vand.u32 $0xFFFFFFF0, v55  }
0x165: {  	v3 =	vor.u32 v3, v4  }
0x166: {  	v4 =	vperm.xlane v3, v0;
	_ =	sdelay $0x1  }
0x167: {  	v3 =	vperm.xlane v3, v2;
	v4 =	vadd.s32 v1, v4;
	_ =	sdelay $0x1  }
0x168: {  	v3 =	vadd.s32 v1, v3;
	_ =	sdelay $0x2  }
0x169: {  	[tilespmem:s17], [sflag:$0x1] =	stream.indirect_vreg.gather [hbm4b:s3+s2], $0x80, v4, vm0, $0xb8;
	[tilespmem:$0x14180] =	vst v63  }
0x16a: {  	_ = 	snop  }
0x16b: {  	[tilespmem:s18], [sflag:$0x1] =	stream.indirect_vreg.gather [hbm4b:s3+s2], $0x80, v3, vm0, $0xb8;
	[tilespmem:$0x14180] =	vst v63  }
0x16c: {  	v3 =	vld [tilespmem:$0xC0];
	_ =	sdelay $0x4  }
0x16d: {  	v56 =	vshll.u32 v3, $0x1  }
0x16e: {  	v3 =	vand.u32 $0x7, v3;
	v4 =	vand.u32 $0xFFFFFFF0, v56  }
0x16f: {  	v3 =	vor.u32 v3, v4  }
0x170: {  	v4 =	vperm.xlane v3, v0;
	_ =	sdelay $0x1  }
0x171: {  	v3 =	vperm.xlane v3, v2;
	v4 =	vadd.s32 v1, v4;
	_ =	sdelay $0x1  }
0x172: {  	v3 =	vadd.s32 v1, v3;
	_ =	sdelay $0x2  }
0x173: {  	[tilespmem:s19], [sflag:$0x1] =	stream.indirect_vreg.gather [hbm4b:s3+s2], $0x80, v4, vm0, $0xb8;
	[tilespmem:$0x14180] =	vst v63  }
0x174: {  	_ = 	snop  }
0x175: {  	[tilespmem:s6], [sflag:$0x1] =	stream.indirect_vreg.gather [hbm4b:s3+s2], $0x80, v3, vm0, $0xb8;
	[tilespmem:$0x14180] =	vst v63  }
0x176: {  	v3 =	vld [tilespmem:$0xD0];
	_ =	sdelay $0x4  }
0x177: {  	v57 =	vshll.u32 v3, $0x1  }
0x178: {  	v3 =	vand.u32 $0x7, v3;
	v4 =	vand.u32 $0xFFFFFFF0, v57  }
0x179: {  	v3 =	vor.u32 v3, v4  }
0x17a: {  	v4 =	vperm.xlane v3, v0;
	_ =	sdelay $0x1  }
0x17b: {  	v3 =	vperm.xlane v3, v2;
	v4 =	vadd.s32 v1, v4;
	_ =	sdelay $0x1  }
0x17c: {  	v3 =	vadd.s32 v1, v3;
	_ =	sdelay $0x1  }
0x17d: {  	s21 =	simm.s32 $0xD180  }
0x17e: {  	[tilespmem:s21], [sflag:$0x1] =	stream.indirect_vreg.gather [hbm4b:s3+s2], $0x80, v4, vm0, $0xb8;
	[tilespmem:$0x14180] =	vst v63  }
0x17f: {  	s21 =	simm.s32 $0xD980  }
0x180: {  	[tilespmem:s21], [sflag:$0x1] =	stream.indirect_vreg.gather [hbm4b:s3+s2], $0x80, v3, vm0, $0xb8;
	[tilespmem:$0x14180] =	vst v63  }
0x181: {  	v3 =	vld [tilespmem:$0xE0];
	_ =	sdelay $0x4  }
0x182: {  	v58 =	vshll.u32 v3, $0x1  }
0x183: {  	v3 =	vand.u32 $0x7, v3;
	v4 =	vand.u32 $0xFFFFFFF0, v58  }
0x184: {  	v3 =	vor.u32 v3, v4  }
0x185: {  	v4 =	vperm.xlane v3, v0;
	_ =	sdelay $0x1  }
0x186: {  	v3 =	vperm.xlane v3, v2;
	v4 =	vadd.s32 v1, v4;
	_ =	sdelay $0x1  }
0x187: {  	v3 =	vadd.s32 v1, v3;
	_ =	sdelay $0x1  }
0x188: {  	s21 =	simm.s32 $0xE180  }
0x189: {  	[tilespmem:s21], [sflag:$0x1] =	stream.indirect_vreg.gather [hbm4b:s3+s2], $0x80, v4, vm0, $0xb8;
	[tilespmem:$0x14180] =	vst v63  }
0x18a: {  	s21 =	simm.s32 $0xE980  }
0x18b: {  	[tilespmem:s21], [sflag:$0x1] =	stream.indirect_vreg.gather [hbm4b:s3+s2], $0x80, v3, vm0, $0xb8;
	[tilespmem:$0x14180] =	vst v63  }
0x18c: {  	v3 =	vld [tilespmem:$0xF0];
	_ =	sdelay $0x4  }
0x18d: {  	v59 =	vshll.u32 v3, $0x1  }
0x18e: {  	v3 =	vand.u32 $0x7, v3;
	v4 =	vand.u32 $0xFFFFFFF0, v59  }
0x18f: {  	v3 =	vor.u32 v3, v4  }
0x190: {  	v4 =	vperm.xlane v3, v0;
	_ =	sdelay $0x1  }
0x191: {  	v3 =	vperm.xlane v3, v2;
	v4 =	vadd.s32 v1, v4;
	_ =	sdelay $0x1  }
0x192: {  	v3 =	vadd.s32 v1, v3;
	_ =	sdelay $0x1  }
0x193: {  	s21 =	simm.s32 $0xF180  }
0x194: {  	[tilespmem:s21], [sflag:$0x1] =	stream.indirect_vreg.gather [hbm4b:s3+s2], $0x80, v4, vm0, $0xb8;
	[tilespmem:$0x14180] =	vst v63  }
0x195: {  	s21 =	simm.s32 $0xF980  }
0x196: {  	[tilespmem:s21], [sflag:$0x1] =	stream.indirect_vreg.gather [hbm4b:s3+s2], $0x80, v3, vm0, $0xb8;
	[tilespmem:$0x14180] =	vst v63  }
0x197: {  	v3 =	vld [tilespmem:$0x100];
	_ =	sdelay $0x4  }
0x198: {  	v60 =	vshll.u32 v3, $0x1  }
0x199: {  	v3 =	vand.u32 $0x7, v3;
	v4 =	vand.u32 $0xFFFFFFF0, v60  }
0x19a: {  	v3 =	vor.u32 v3, v4  }
0x19b: {  	v4 =	vperm.xlane v3, v0;
	_ =	sdelay $0x1  }
0x19c: {  	v3 =	vperm.xlane v3, v2;
	v4 =	vadd.s32 v1, v4;
	_ =	sdelay $0x1  }
0x19d: {  	v3 =	vadd.s32 v1, v3;
	_ =	sdelay $0x1  }
0x19e: {  	s21 =	simm.s32 $0x10180  }
0x19f: {  	[tilespmem:s21], [sflag:$0x1] =	stream.indirect_vreg.gather [hbm4b:s3+s2], $0x80, v4, vm0, $0xb8;
	[tilespmem:$0x14180] =	vst v63  }
0x1a0: {  	s21 =	simm.s32 $0x10980  }
0x1a1: {  	[tilespmem:s21], [sflag:$0x1] =	stream.indirect_vreg.gather [hbm4b:s3+s2], $0x80, v3, vm0, $0xb8;
	[tilespmem:$0x14180] =	vst v63  }
0x1a2: {  	v3 =	vld [tilespmem:$0x110];
	_ =	sdelay $0x4  }
0x1a3: {  	v61 =	vshll.u32 v3, $0x1  }
0x1a4: {  	v3 =	vand.u32 $0x7, v3;
	v4 =	vand.u32 $0xFFFFFFF0, v61  }
0x1a5: {  	v3 =	vor.u32 v3, v4  }
0x1a6: {  	v4 =	vperm.xlane v3, v0;
	_ =	sdelay $0x1  }
0x1a7: {  	v3 =	vperm.xlane v3, v2;
	v4 =	vadd.s32 v1, v4;
	_ =	sdelay $0x1  }
0x1a8: {  	v3 =	vadd.s32 v1, v3;
	_ =	sdelay $0x1  }
0x1a9: {  	s21 =	simm.s32 $0x11180  }
0x1aa: {  	[tilespmem:s21], [sflag:$0x1] =	stream.indirect_vreg.gather [hbm4b:s3+s2], $0x80, v4, vm0, $0xb8;
	[tilespmem:$0x14180] =	vst v63  }
0x1ab: {  	s21 =	simm.s32 $0x11980  }
0x1ac: {  	[tilespmem:s21], [sflag:$0x1] =	stream.indirect_vreg.gather [hbm4b:s3+s2], $0x80, v3, vm0, $0xb8;
	[tilespmem:$0x14180] =	vst v63  }
0x1ad: {  	v3 =	vld [tilespmem:$0x120];
	_ =	sdelay $0x4  }
0x1ae: {  	v62 =	vshll.u32 v3, $0x1  }
0x1af: {  	v3 =	vand.u32 $0x7, v3;
	v4 =	vand.u32 $0xFFFFFFF0, v62  }
0x1b0: {  	v3 =	vor.u32 v3, v4  }
0x1b1: {  	v4 =	vperm.xlane v3, v0;
	_ =	sdelay $0x1  }
0x1b2: {  	v3 =	vperm.xlane v3, v2;
	v4 =	vadd.s32 v1, v4;
	_ =	sdelay $0x1  }
0x1b3: {  	v3 =	vadd.s32 v1, v3;
	_ =	sdelay $0x1  }
0x1b4: {  	s21 =	simm.s32 $0x12180  }
0x1b5: {  	[tilespmem:s21], [sflag:$0x1] =	stream.indirect_vreg.gather [hbm4b:s3+s2], $0x80, v4, vm0, $0xb8;
	[tilespmem:$0x14180] =	vst v63  }
0x1b6: {  	s21 =	simm.s32 $0x12980  }
0x1b7: {  	[tilespmem:s21], [sflag:$0x1] =	stream.indirect_vreg.gather [hbm4b:s3+s2], $0x80, v3, vm0, $0xb8;
	[tilespmem:$0x14180] =	vst v63  }
0x1b8: {  	v3 =	vld [tilespmem:$0x130];
	_ =	sdelay $0x4  }
0x1b9: {  	v63 =	vshll.u32 v3, $0x1  }
0x1ba: {  	v3 =	vand.u32 $0x7, v3;
	v4 =	vand.u32 $0xFFFFFFF0, v63  }
0x1bb: {  	v3 =	vor.u32 v3, v4  }
0x1bc: {  	v4 =	vperm.xlane v3, v0;
	_ =	sdelay $0x1  }
0x1bd: {  	v3 =	vperm.xlane v3, v2;
	v4 =	vadd.s32 v1, v4;
	_ =	sdelay $0x1  }
0x1be: {  	v3 =	vadd.s32 v1, v3;
	_ =	sdelay $0x1  }
0x1bf: {  	s21 =	simm.s32 $0x13180  }
0x1c0: {  	[tilespmem:s21], [sflag:$0x1] =	stream.indirect_vreg.gather [hbm4b:s3+s2], $0x80, v4, vm0, $0xb8;
	[tilespmem:$0x14180] =	vst v63  }
0x1c1: {  	s21 =	simm.s32 $0x13980  }
0x1c2: {  	[tilespmem:s21], [sflag:$0x1] =	stream.indirect_vreg.gather [hbm4b:s3+s2], $0x80, v3, vm0, $0xb8;
	[tilespmem:$0x14180] =	vst v63  }
0x1c3: {  	_ =	swait.ge [sflag:s20], $0x14000  }
0x1c4: {  	p0 =	sne.s32 s4, $0x1;
	s0 =	simm.s32 $0x180;
	[sflag:s20] =	ssyncset.done $0x0  }
.Ltmp0:
0x1c5: {  	s21 =	rddreg [dreg:$0x5];
	[sflag:s20] =	ssyncadd.s32 $0xFFFEC000;
	(pc) =	sbr.rel @p0 .LBB2_1-.Ltmp0, $4  }
0x1c6: {  	[hbm4b:s21+s2] =	stream.linear.scatter [tilespmem:s0], [sflag:$0x2], $0x14000, $0x38;
	[tilespmem:$0x14180] =	vst v63  }
0x1c7: {  	_ =	swait.ge [sflag:s5], $0x14000  }
0x1c8: {  	[sflag:s5] =	ssyncset.done $0x0  }
0x1c9: {  	s4 =	sadd.s32 $0xFFFFFFFF, s4;
	[sflag:s5] =	ssyncadd.s32 $0xFFFEC000  }
0x1ca: {  	_ =	sfence.sel $0x180000  }
0x1cb: {  	[bflag:$0x0] =	sbarrier.arrive $0xFFFF  }
0x1cc: {  	_ =	strace $0x9000004A  }
0x1cd: {  	s0 =	stileid.u32;
	[bflag:$0x2] =	sbarrier.arrive $0xFFFF  }
0x1ce: {  	p0 =	sne.s32 s0, $0x0;
	s0 =	rddreg [dreg:$0x1]  }
0x1cf: {  	s0 =	sadd.s32 @!p0 $0x100000, s0  }
0x1d0: {  	[sflag:s0] =	ssyncadd.tile.s32 @!p0 $0x1;
	_ =	shalt  }
.Lfunc_end2:
_tile_overlayer_lowered:
.L_overlay_start_2:
0x1d1: {  	(tag) =	ssettag $0x2  }
0x1d2: {  	s0 =	rddreg [dreg:$0x0];
	s2 =	stileid.u32  }
0x1d3: {  	s1 =	rddreg [dreg:$0x1];
	p0 =	sne.s32 s2, $0x0  }
0x1d4: {  	s3 =	rddreg [dreg:$0x2];
	[bflag:$0x3] =	sbarrier.arrive $0xFFFF;
	s2 =	simm.s32 @!p0 $0x1C02  }
0x1d5: {  	[timem:s3], [sflag:s2] =	dma.local @!p0 [hbm:s0], s1  }
0x1d6: {  	s0 =	simm.s32 @!p0 $0x2  }
0x1d7: {  	_ =	swait.ge @!p0 [sflag:s0], s1  }
0x1d8: {  	s1 =	ssub.s32 @!p0 $0x0, s1;
	[sflag:s0] =	ssyncset.done @!p0 $0x0  }
0x1d9: {  	[sflag:s0] =	ssyncadd.s32 @!p0 s1  }
0x1da: {  	[bflag:$0x3] =	sbarrier.arrive $0xFFFF  }
0x1db: {  	_ =	shalt  }

// kernel: kernel.7.cloned.1.call-start
scs
__scs_entry_jumppad:
0x0: {  	(pc) =	sbr.rel $0x88, $3  }
0x1: {  	(tag) =	ssettag $0x0;
	lr =	simm.s32 $0x1  }
0x2: {  	[smem:$0x3F97] =	sst lr;
	_ =	strace $0xD0000000  }
0x3: {  	_ = 	snop  }
0x4: {  	_ = 	snop  }
0x5: {  	_ = 	snop  }
0x6: {  	_ = 	snop  }
0x7: {  	_ = 	snop  }
__scs_overlays_trampoline_lowered:
0x8: {  	[smem:$0x3FA6] =	sst s0  }
0x9: {  	[smem:$0x3FA7] =	sst s1  }
0xa: {  	[smem:$0x3FA8] =	sst s2  }
0xb: {  	[smem:$0x3FA9] =	sst s3  }
0xc: {  	[smem:$0x3FAA] =	sst s4  }
0xd: {  	[smem:$0x3FAB] =	sst s5  }
0xe: {  	[smem:$0x3FAC] =	sst s6  }
0xf: {  	[smem:$0x3FAD] =	sst s7  }
0x10: {  	[smem:$0x3FAE] =	sst s8  }
0x11: {  	[smem:$0x3FAF] =	sst s9;
	s0 =	simm.s32 @!p0 $0x0  }
0x12: {  	s1 =	sld [smem:$0x3F95];
	s0 =	simm.s32 @p0 $0x1  }
0x13: {  	[smem:$0x3FB0] =	sst s0;
	s0 =	simm.s32 @!p1 $0x0  }
0x14: {  	s2 =	sld [smem:$0x3F94];
	s0 =	simm.s32 @p1 $0x1  }
0x15: {  	[smem:$0x3FB1] =	sst s0;
	s0 =	simm.s32 @!p2 $0x0  }
0x16: {  	s3 =	sld [smem:$0x3FDB];
	s0 =	simm.s32 @p2 $0x1  }
0x17: {  	s4 =	simm.s32 $0x1BF5;
	[smem:$0x3FB3] =	sst s0  }
0x18: {  	s0 =	sld [smem:$0x3F96];
	_ =	swait.ge [sflag:s4], $0x0  }
0x19: {  	s7 =	sld [smem:$0x3F97]  }
0x1a: {  	s8 =	sadd.s32 $0xFFFFE003, lr  }
0x1b: {  	s9 =	sadd.s32 $0xFFFFFEF7, lr;
	s5 =	simm.s32 $0xFFFFFFFF;
	p2 =	slt.u32 s8, $0xFFFFF086  }
0x1c: {  	p1 =	slt.u32 s9, $0xF7A;
	s5 =	simm.s32 @!p2 $0x0  }
0x1d: {  	s5 =	simm.s32 @p1 $0x1;
	p0 =	seq.s32 s7, s2  }
0x1e: {  	s7 =	smul.u32 @!p0 $0xF7A, s2;
	p2 =	seq.s32 @!p0 s5, $0x0  }
0x1f: {  	s9 =	smul.u32 $0xF7A, s1;
	s8 =	simm.s32 @!p0 $0x1BF5;
	p2 =	por !p2, p0  }
0x20: {  	[sflag:s8] =	ssyncset.s32 @!p0 $0xFFFFF086;
	s6 =	sadd.s32 @!p0 s3, s7;
	s7 =	simm.s32 @!p0 $0x108  }
0x21: {  	s3 =	sadd.s32 s3, s9;
	s6 =	sadd.s32 @!p0 $0x88, s6;
	s7 =	simm.s32 @p2 $0x1082  }
0x22: {  	[simem:s7], [sflag:s8] =	dma.local @!p0 [hbm:s6], $0xF7A  }
0x23: {  	s9 =	sor.u32 $0xD0000000, s2;
	s6 =	simm.s32 $0x108;
	_ =	swait.ge @!p0 [sflag:s8], $0x0  }
0x24: {  	s3 =	sadd.s32 $0x88, s3;
	s6 =	simm.s32 @!p1 $0x1082;
	[sflag:s4] =	ssyncset.s32 $0xFFFFF086  }
0x25: {  	[simem:s6], [sflag:s4] =	dma.local [hbm:s3], $0xF7A  }
0x26: {  	[smem:$0x3F97] =	sst s1;
	(tag) =	ssettag s2;
	_ =	strace s9  }
0x27: {  	s1 =	sld [smem:$0x3FA7]  }
0x28: {  	s2 =	sld [smem:$0x3FA8]  }
0x29: {  	s4 =	sld [smem:$0x3FAA]  }
0x2a: {  	p0 =	seq.s32 s5, $0x0;
	s5 =	sld [smem:$0x3FAB]  }
0x2b: {  	s6 =	sld [smem:$0x3FAC]  }
0x2c: {  	s7 =	sld [smem:$0x3FAD]  }
0x2d: {  	s3 =	simm.s32 $0x108;
	s8 =	sld [smem:$0x3FAE]  }
0x2e: {  	s3 =	simm.s32 @!p0 $0x1082;
	s9 =	sld [smem:$0x3FAF]  }
0x2f: {  	lr =	sadd.s32 s0, s3;
	s0 =	sld [smem:$0x3FA6]  }
0x30: {  	s3 =	sld [smem:$0x3FA9]  }
0x31: {  	[smem:$0x3FB2] =	sst s10  }
0x32: {  	s10 =	sld [smem:$0x3FB0];
	_ =	sdelay $0x3  }
0x33: {  	p0 =	seq.s32 s10, $0x1;
	s10 =	sld [smem:$0x3FB2];
	_ =	sdelay $0x3  }
0x34: {  	[smem:$0x3FB2] =	sst s10  }
0x35: {  	s10 =	sld [smem:$0x3FB1];
	_ =	sdelay $0x3  }
0x36: {  	p1 =	seq.s32 s10, $0x1;
	s10 =	sld [smem:$0x3FB2];
	_ =	sdelay $0x3  }
0x37: {  	[smem:$0x3FB2] =	sst s10  }
0x38: {  	s10 =	sld [smem:$0x3FB3]  }
0x39: {  	_ = 	snop;
	(pc) =	sbr.ind lr, $3  }
0x3a: {  	_ = 	snop  }
0x3b: {  	_ = 	snop  }
0x3c: {  	p2 =	seq.s32 s10, $0x1;
	s10 =	sld [smem:$0x3FB2]  }
0x3d: {  	_ =	shalt  }
0x3e: {  	_ =	shalt  }
0x3f: {  	_ =	shalt  }
0x40: {  	_ =	shalt  }
0x41: {  	_ =	shalt  }
0x42: {  	_ =	shalt  }
0x43: {  	_ =	shalt  }
0x44: {  	_ =	shalt  }
0x45: {  	_ =	shalt  }
0x46: {  	_ =	shalt  }
0x47: {  	_ =	shalt  }
0x48: {  	_ =	shalt  }
0x49: {  	_ =	shalt  }
0x4a: {  	_ =	shalt  }
0x4b: {  	_ =	shalt  }
0x4c: {  	_ =	shalt  }
0x4d: {  	_ =	shalt  }
0x4e: {  	_ =	shalt  }
0x4f: {  	_ =	shalt  }
0x50: {  	_ =	shalt  }
0x51: {  	_ =	shalt  }
0x52: {  	_ =	shalt  }
0x53: {  	_ =	shalt  }
0x54: {  	_ =	shalt  }
0x55: {  	_ =	shalt  }
0x56: {  	_ =	shalt  }
0x57: {  	_ =	shalt  }
0x58: {  	_ =	shalt  }
0x59: {  	_ =	shalt  }
0x5a: {  	_ =	shalt  }
0x5b: {  	_ =	shalt  }
0x5c: {  	_ =	shalt  }
0x5d: {  	_ =	shalt  }
0x5e: {  	_ =	shalt  }
0x5f: {  	_ =	shalt  }
0x60: {  	_ =	shalt  }
0x61: {  	_ =	shalt  }
0x62: {  	_ =	shalt  }
0x63: {  	_ =	shalt  }
0x64: {  	_ =	shalt  }
0x65: {  	_ =	shalt  }
0x66: {  	_ =	shalt  }
0x67: {  	_ =	shalt  }
0x68: {  	_ =	shalt  }
0x69: {  	_ =	shalt  }
0x6a: {  	_ =	shalt  }
0x6b: {  	_ =	shalt  }
0x6c: {  	_ =	shalt  }
0x6d: {  	_ =	shalt  }
0x6e: {  	_ =	shalt  }
0x6f: {  	_ =	shalt  }
0x70: {  	_ =	shalt  }
0x71: {  	_ =	shalt  }
0x72: {  	_ =	shalt  }
0x73: {  	_ =	shalt  }
0x74: {  	_ =	shalt  }
0x75: {  	_ =	shalt  }
0x76: {  	_ =	shalt  }
0x77: {  	_ =	shalt  }
0x78: {  	_ =	shalt  }
0x79: {  	_ =	shalt  }
0x7a: {  	_ =	shalt  }
0x7b: {  	_ =	shalt  }
0x7c: {  	_ =	shalt  }
0x7d: {  	_ =	shalt  }
0x7e: {  	_ =	shalt  }
0x7f: {  	_ =	shalt  }
0x80: {  	_ =	shalt  }
0x81: {  	_ =	shalt  }
0x82: {  	_ =	shalt  }
0x83: {  	_ =	shalt  }
0x84: {  	_ =	shalt  }
0x85: {  	_ =	shalt  }
0x86: {  	_ =	shalt  }
0x87: {  	_ =	shalt  }
.Lfunc_end0:
.L_simem_size_0:
called_computation_lowered:
.L_overlay_start_0:
0x88: {  	s2 =	sld [smem:$0x3FD9]  }
0x89: {  	s3 =	sld [smem:$0x3FFE];
	_ =	sdelay $0x1  }
0x8a: {  	s1 =	srdreg.scid  }
0x8b: {  	s0 =	sand.u32 $0x1, s1  }
0x8c: {  	s16 =	sshll.u32 s0, $0xA;
	s2 =	sadd.s32 s3, s2  }
0x8d: {  	s2 =	sadd.s32 s2, s16  }
0x8e: {  	[smem:$0x3FBE] =	sst s2  }
0x8f: {  	_ = 	snop  }
0x90: {  	(tm) =	ssettm $0x1  }
0x91: {  	s17 =	sld [smem:$0x3FFB];
	_ =	sdelay $0x3  }
0x92: {  	_ =	strace s17  }
0x93: {  	s2 =	sld [smem:$0x3FFC];
	_ =	sdelay $0x3  }
0x94: {  	_ =	strace s2  }
0x95: {  	s2 =	sld [smem:$0x3FFD];
	_ =	sdelay $0x3  }
0x96: {  	_ =	strace s2  }
0x97: {  	_ =	strace $0x8FFFFFFF  }
0x98: {  	s18 =	sld [smem:$0x3FDB];
	_ =	sdelay $0x1  }
0x99: {  	s19 =	simm.s32 $_scs_section_size  }
0x9a: {  	s4 =	simm.s32 $_size__tile_overlayer_lowered;
	s5 =	simm.s32 $_tile_overlayer_lowered  }
0x9b: {  	s22 =	simm.s32 $0x1BFF;
	s21 =	sshll.u32 s5, $0x1;
	s2 =	sadd.s32 s19, s18  }
0x9c: {  	s6 =	simm.s32 $0x0;
	s20 =	sshll.u32 s4, $0x1;
	s4 =	sadd.s32 s21, s2  }
0x9d: {  	[timem:s6], [sflag:s22] =	dma.local [hbm:s4], s20  }
0x9e: {  	_ =	swait.ge [sflag:s22], s20  }
0x9f: {  	s3 =	ssub.s32 $0x0, s20;
	[sflag:s22] =	ssyncset.done $0x0  }
0xa0: {  	[sflag:s22] =	ssyncadd.s32 s3;
	_ =	sdelay $0x1  }
0xa1: {  	s23 =	simm.s32 $0x1B8B  }
0xa2: {  	_ =	swait.ge [sflag:s23], $0x1  }
0xa3: {  	[sflag:s23] =	ssyncset.done $0x0  }
0xa4: {  	s25 =	simm.s32 $0x1B8E;
	s24 =	sld [smem:$0x3FFE];
	[sflag:s23] =	ssyncadd.s32 $0xFFFFFFFF  }
0xa5: {  	s26 =	simm.s32 $execute0_lowered;
	[smem:$0x3FD2] =	sst s25  }
0xa6: {  	s4 =	sshll.u32 s26, $0x1;
	_ =	strace $0x80000046;
	[dreg:$0x1] =	wrdreg $0xFFFFFFFF  }
0xa7: {  	s28 =	simm.s32 $_size_execute0_lowered;
	s2 =	sadd.s32 s2, s4;
	[dreg:$0x0] =	wrdreg $0x0  }
0xa8: {  	s4 =	sshll.u32 s28, $0x1;
	[dreg:$0x2] =	wrdreg s2  }
0xa9: {  	[dreg:$0x3] =	wrdreg s4  }
0xaa: {  	[dreg:$0x4] =	wrdreg $0xC0  }
0xab: {  	_ =	task [dreg:s6], $0x5FFFF  }
0xac: {  	[dreg:$0x1] =	wrdreg $0xFFFFFFFF  }
0xad: {  	[dreg:$0x0] =	wrdreg $0x60  }
0xae: {  	[dreg:$0x2] =	wrdreg s24  }
0xaf: {  	[dreg:$0x3] =	wrdreg $0x9  }
0xb0: {  	_ =	task.clear_ibuf [dreg:s6], $0x4FFFF;
	_ =	strace $0x90000046  }
0xb1: {  	s29 =	simm.s32 $0x9;
	_ =	strace $0x80000048  }
0xb2: {  	_ =	swait.ge [sflag:s29], $0x1  }
0xb3: {  	[sflag:s29] =	ssyncadd.s32 $0xFFFFFFFF  }
0xb4: {  	_ =	strace $0x90000048  }
0xb5: {  	_ =	sfence  }
0xb6: {  	s30 =	sld [smem:$0x0];
	_ =	sdelay $0x2  }
0xb7: {  	s31 =	sshll.u32 s1, $0xD;
	s1 =	sshrl.u32 s1, $0x2  }
0xb8: {  	s3 =	sand.u32 $0x4000, s31;
	s1 =	sadd.s32 s1, s30  }
0xb9: {  	s0 =	sor.u32 s3, s0;
	s1 =	sshll.u32 s1, $0x11  }
0xba: {  	s0 =	sor.u32 s1, s0  }
0xbb: {  	s0 =	sadd.s32 $0x8F2B, s0  }
0xbc: {  	[sflag:s0] =	ssyncadd.remote.s32 $0x1  }
0xbd: {  	_ =	sfence.sel $0xFFFF  }
0xbe: {  	[dreg:$0x0] =	wrdreg $0xFFFFFFFF;
	(pc) =	sbr.abs _section_cstart, $3  }
0xbf: {  	[dreg:$0x1] =	wrdreg $0xFFFFFFFF  }
0xc0: {  	_ =	task.clear_ibuf [dreg:s6], $0x2FFFF;
	_ =	strace $0x9FFFFFFF  }
0xc1: {  	(tm) =	ssettm $0x7FFFFFFF  }
tec
execute0_lowered:
.L_overlay_start_1:
0x0: {  	(tag) =	ssettag $0x1  }
0x1: {  	s0 =	srdreg.scid;
	s10 =	stileid.u32  }
0x2: {  	s4 =	rddreg [dreg:$0x0];
	s2 =	simm.s32 $0x0;
	s20 =	simm.s32 $0x1  }
0x3: {  	s22 =	simm.s32 $0x980;
	s23 =	simm.s32 $0x1180;
	s28 =	simm.s32 $0x3180  }
0x4: {  	s29 =	simm.s32 $0x3980;
	s30 =	simm.s32 $0x4180;
	s31 =	simm.s32 $0x4980  }
0x5: {  	s11 =	simm.s32 $0x8180;
	s12 =	simm.s32 $0x8980;
	s13 =	simm.s32 $0x9180  }
0x6: {  	s14 =	simm.s32 $0x9980;
	s15 =	simm.s32 $0xA180;
	s16 =	simm.s32 $0xA980  }
0x7: {  	s17 =	simm.s32 $0xB180;
	s0 =	sand.u32 $0x1, s0;
	s1 =	sshll.u32 s10, $0x1  }
0x8: {  	s18 =	simm.s32 $0xB980;
	s19 =	simm.s32 $0xC180;
	s1 =	sor.u32 s0, s1  }
0x9: {  	[smem:$0x7FF] =	sst s2;
	s7 =	sadd.s32 $0xA3400, s4;
	s3 =	smul.u32 $0x1000180, s1  }
0xa: {  	p0 =	sgt.u32 s10, $0x7;
	s10 =	simm.s32 $0x7980;
	s1 =	smul.u32 $0x280, s1  }
0xb: {  	_ =	strace $0x80000047;
	s0 =	ssub.s32 $0x2, s0;
	s3 =	sshrl.u32 s3, $0x1B  }
0xc: {  	s8 =	sshrl.u32 s0, $0x1;
	s5 =	sadd.s32 $0x140, s1;
	s3 =	smul.u32 $0x1400, s3  }
0xd: {  	s0 =	ssub.s32 s0, s8;
	s9 =	sshrl.u32 s1, $0x3;
	s6 =	smul.u32 $0xCCCD, s5  }
0xe: {  	s8 =	simm.s32 $0x6980;
	s24 =	sadd.s32 s7, s9;
	s9 =	simm.s32 $0x7180  }
0xf: {  	[dreg:$0x2] =	wrdreg s24;
	s1 =	ssub.s32 s1, s3;
	s6 =	sshrl.u32 s6, $0x1C  }
0x10: {  	s1 =	sand.u32 $0xFF80, s1;
	s25 =	smul.u32 $0x1400, s6;
	s6 =	simm.s32 $0x2B400  }
0x11: {  	s24 =	simm.s32 $0x1980;
	s1 =	sshll.u32 s1, $0x5;
	s6 =	simm.s32 @!p0 $0x3400  }
0x12: {  	s3 =	ssub.s32 s5, s25;
	s5 =	sshrl.u32 s5, $0x3;
	s6 =	sadd.s32 s6, s4  }
0x13: {  	s25 =	simm.s32 $0x2180;
	s3 =	sand.u32 $0xFFC0, s3;
	s5 =	sadd.s32 s7, s5  }
0x14: {  	s1 =	sadd.s32 s6, s1;
	s7 =	simm.s32 $0x6180;
	[dreg:$0x3] =	wrdreg s5  }
0x15: {  	v2 =	vlaneseq.u32;
	s3 =	sshll.u32 s3, $0x5;
	[dreg:$0x4] =	wrdreg s1;
	s5 =	simm.s32 $0x2  }
0x16: {  	vm0 =	vmmov $0xffff;
	v1 =	vshrl.u32 v2, $0x3;
	s1 =	simm.s32 $0x5180;
	s26 =	sadd.s32 s6, s3;
	s3 =	sadd.s32 $0xA3E00, s4  }
0x17: {  	v0 =	vand.u32 $0x7, v2;
	v2 =	vor.u32 $0x8, v2;
	v1 =	vmul.u32 $0x8, v1;
	s4 =	smax.u32 s0, $0x1;
	[dreg:$0x5] =	wrdreg s26;
	s26 =	simm.s32 $0x2980  }
.LBB2_1:
0x18: {  	s21 =	rddreg [dreg:$0x2]  }
0x19: {  	[tilespmem:s2], [sflag:$0x2] =	stream.linear.gather [hbm4b:s21+s2], $0x140, $0x38;
	[tilespmem:$0x14180] =	vst v63  }
0x1a: {  	_ =	swait.ge [sflag:s5], $0x140  }
0x1b: {  	[sflag:s5] =	ssyncset.done $0x0  }
0x1c: {  	s0 =	simm.s32 $0x180;
	s6 =	rddreg [dreg:$0x4];
	[sflag:s5] =	ssyncadd.s32 $0xFFFFFEC0  }
0x1d: {  	[tilespmem:s0], [sflag:$0x2] =	stream.linear.gather [hbm4b:s6+s2], $0x14000, $0x38;
	[tilespmem:$0x14180] =	vst v63  }
0x1e: {  	_ =	swait.ge [sflag:s5], $0x14000  }
0x1f: {  	[sflag:s5] =	ssyncset.done $0x0  }
0x20: {  	[sflag:s5] =	ssyncadd.s32 $0xFFFEC000  }
0x21: {  	v3 =	vld [tilespmem:$0x0];
	_ =	sdelay $0x4  }
0x22: {  	v4 =	vshll.u32 v3, $0x1  }
0x23: {  	v3 =	vand.u32 $0x7, v3;
	v4 =	vand.u32 $0xFFFFFFF0, v4  }
0x24: {  	v3 =	vor.u32 v3, v4  }
0x25: {  	v4 =	vperm.xlane v3, v0;
	_ =	sdelay $0x1  }
0x26: {  	v3 =	vperm.xlane v3, v2;
	v4 =	vadd.s32 v1, v4;
	_ =	sdelay $0x1  }
0x27: {  	v3 =	vadd.s32 v1, v3;
	_ =	sdelay $0x2  }
0x28: {  	[hbm4b:s3+s2] =	stream.indirect_vreg.scatter [tilespmem:s0], [sflag:$0x1], $0x80, v4, vm0, $0xb8;
	[tilespmem:$0x14180] =	vst v63  }
0x29: {  	_ = 	snop  }
0x2a: {  	[hbm4b:s3+s2] =	stream.indirect_vreg.scatter [tilespmem:s22], [sflag:$0x1], $0x80, v3, vm0, $0xb8;
	[tilespmem:$0x14180] =	vst v63  }
0x2b: {  	v3 =	vld [tilespmem:$0x10];
	_ =	sdelay $0x4  }
0x2c: {  	v25 =	vshll.u32 v3, $0x1  }
0x2d: {  	v3 =	vand.u32 $0x7, v3;
	v4 =	vand.u32 $0xFFFFFFF0, v25  }
0x2e: {  	v3 =	vor.u32 v3, v4  }
0x2f: {  	v4 =	vperm.xlane v3, v0;
	_ =	sdelay $0x1  }
0x30: {  	v3 =	vperm.xlane v3, v2;
	v4 =	vadd.s32 v1, v4;
	_ =	sdelay $0x1  }
0x31: {  	v3 =	vadd.s32 v1, v3;
	_ =	sdelay $0x2  }
0x32: {  	[hbm4b:s3+s2] =	stream.indirect_vreg.scatter [tilespmem:s23], [sflag:$0x1], $0x80, v4, vm0, $0xb8;
	[tilespmem:$0x14180] =	vst v63  }
0x33: {  	_ = 	snop  }
0x34: {  	[hbm4b:s3+s2] =	stream.indirect_vreg.scatter [tilespmem:s24], [sflag:$0x1], $0x80, v3, vm0, $0xb8;
	[tilespmem:$0x14180] =	vst v63  }
0x35: {  	v3 =	vld [tilespmem:$0x20];
	_ =	sdelay $0x4  }
0x36: {  	v26 =	vshll.u32 v3, $0x1  }
0x37: {  	v3 =	vand.u32 $0x7, v3;
	v4 =	vand.u32 $0xFFFFFFF0, v26  }
0x38: {  	v3 =	vor.u32 v3, v4  }
0x39: {  	v4 =	vperm.xlane v3, v0;
	_ =	sdelay $0x1  }
0x3a: {  	v3 =	vperm.xlane v3, v2;
	v4 =	vadd.s32 v1, v4;
	_ =	sdelay $0x1  }
0x3b: {  	v3 =	vadd.s32 v1, v3;
	_ =	sdelay $0x2  }
0x3c: {  	[hbm4b:s3+s2] =	stream.indirect_vreg.scatter [tilespmem:s25], [sflag:$0x1], $0x80, v4, vm0, $0xb8;
	[tilespmem:$0x14180] =	vst v63  }
0x3d: {  	_ = 	snop  }
0x3e: {  	[hbm4b:s3+s2] =	stream.indirect_vreg.scatter [tilespmem:s26], [sflag:$0x1], $0x80, v3, vm0, $0xb8;
	[tilespmem:$0x14180] =	vst v63  }
0x3f: {  	v3 =	vld [tilespmem:$0x30];
	_ =	sdelay $0x4  }
0x40: {  	v27 =	vshll.u32 v3, $0x1  }
0x41: {  	v3 =	vand.u32 $0x7, v3;
	v4 =	vand.u32 $0xFFFFFFF0, v27  }
0x42: {  	v3 =	vor.u32 v3, v4  }
0x43: {  	v4 =	vperm.xlane v3, v0;
	_ =	sdelay $0x1  }
0x44: {  	v3 =	vperm.xlane v3, v2;
	v4 =	vadd.s32 v1, v4;
	_ =	sdelay $0x1  }
0x45: {  	v3 =	vadd.s32 v1, v3;
	_ =	sdelay $0x2  }
0x46: {  	[hbm4b:s3+s2] =	stream.indirect_vreg.scatter [tilespmem:s28], [sflag:$0x1], $0x80, v4, vm0, $0xb8;
	[tilespmem:$0x14180] =	vst v63  }
0x47: {  	_ = 	snop  }
0x48: {  	[hbm4b:s3+s2] =	stream.indirect_vreg.scatter [tilespmem:s29], [sflag:$0x1], $0x80, v3, vm0, $0xb8;
	[tilespmem:$0x14180] =	vst v63  }
0x49: {  	v3 =	vld [tilespmem:$0x40];
	_ =	sdelay $0x4  }
0x4a: {  	v28 =	vshll.u32 v3, $0x1  }
0x4b: {  	v3 =	vand.u32 $0x7, v3;
	v4 =	vand.u32 $0xFFFFFFF0, v28  }
0x4c: {  	v3 =	vor.u32 v3, v4  }
0x4d: {  	v4 =	vperm.xlane v3, v0;
	_ =	sdelay $0x1  }
0x4e: {  	v3 =	vperm.xlane v3, v2;
	v4 =	vadd.s32 v1, v4;
	_ =	sdelay $0x1  }
0x4f: {  	v3 =	vadd.s32 v1, v3;
	_ =	sdelay $0x2  }
0x50: {  	[hbm4b:s3+s2] =	stream.indirect_vreg.scatter [tilespmem:s30], [sflag:$0x1], $0x80, v4, vm0, $0xb8;
	[tilespmem:$0x14180] =	vst v63  }
0x51: {  	_ = 	snop  }
0x52: {  	[hbm4b:s3+s2] =	stream.indirect_vreg.scatter [tilespmem:s31], [sflag:$0x1], $0x80, v3, vm0, $0xb8;
	[tilespmem:$0x14180] =	vst v63  }
0x53: {  	v3 =	vld [tilespmem:$0x50];
	_ =	sdelay $0x4  }
0x54: {  	v29 =	vshll.u32 v3, $0x1  }
0x55: {  	v3 =	vand.u32 $0x7, v3;
	v4 =	vand.u32 $0xFFFFFFF0, v29  }
0x56: {  	v3 =	vor.u32 v3, v4  }
0x57: {  	v4 =	vperm.xlane v3, v0;
	_ =	sdelay $0x1  }
0x58: {  	v3 =	vperm.xlane v3, v2;
	v4 =	vadd.s32 v1, v4;
	_ =	sdelay $0x1  }
0x59: {  	v3 =	vadd.s32 v1, v3;
	_ =	sdelay $0x2  }
0x5a: {  	[hbm4b:s3+s2] =	stream.indirect_vreg.scatter [tilespmem:s1], [sflag:$0x1], $0x80, v4, vm0, $0xb8;
	[tilespmem:$0x14180] =	vst v63  }
0x5b: {  	s6 =	simm.s32 $0x5980  }
0x5c: {  	[hbm4b:s3+s2] =	stream.indirect_vreg.scatter [tilespmem:s6], [sflag:$0x1], $0x80, v3, vm0, $0xb8;
	[tilespmem:$0x14180] =	vst v63  }
0x5d: {  	v3 =	vld [tilespmem:$0x60];
	_ =	sdelay $0x4  }
0x5e: {  	v30 =	vshll.u32 v3, $0x1  }
0x5f: {  	v3 =	vand.u32 $0x7, v3;
	v4 =	vand.u32 $0xFFFFFFF0, v30  }
0x60: {  	v3 =	vor.u32 v3, v4  }
0x61: {  	v4 =	vperm.xlane v3, v0;
	_ =	sdelay $0x1  }
0x62: {  	v3 =	vperm.xlane v3, v2;
	v4 =	vadd.s32 v1, v4;
	_ =	sdelay $0x1  }
0x63: {  	v3 =	vadd.s32 v1, v3;
	_ =	sdelay $0x2  }
0x64: {  	[hbm4b:s3+s2] =	stream.indirect_vreg.scatter [tilespmem:s7], [sflag:$0x1], $0x80, v4, vm0, $0xb8;
	[tilespmem:$0x14180] =	vst v63  }
0x65: {  	_ = 	snop  }
0x66: {  	[hbm4b:s3+s2] =	stream.indirect_vreg.scatter [tilespmem:s8], [sflag:$0x1], $0x80, v3, vm0, $0xb8;
	[tilespmem:$0x14180] =	vst v63  }
0x67: {  	v3 =	vld [tilespmem:$0x70];
	_ =	sdelay $0x4  }
0x68: {  	v31 =	vshll.u32 v3, $0x1  }
0x69: {  	v3 =	vand.u32 $0x7, v3;
	v4 =	vand.u32 $0xFFFFFFF0, v31  }
0x6a: {  	v3 =	vor.u32 v3, v4  }
0x6b: {  	v4 =	vperm.xlane v3, v0;
	_ =	sdelay $0x1  }
0x6c: {  	v3 =	vperm.xlane v3, v2;
	v4 =	vadd.s32 v1, v4;
	_ =	sdelay $0x1  }
0x6d: {  	v3 =	vadd.s32 v1, v3;
	_ =	sdelay $0x2  }
0x6e: {  	[hbm4b:s3+s2] =	stream.indirect_vreg.scatter [tilespmem:s9], [sflag:$0x1], $0x80, v4, vm0, $0xb8;
	[tilespmem:$0x14180] =	vst v63  }
0x6f: {  	_ = 	snop  }
0x70: {  	[hbm4b:s3+s2] =	stream.indirect_vreg.scatter [tilespmem:s10], [sflag:$0x1], $0x80, v3, vm0, $0xb8;
	[tilespmem:$0x14180] =	vst v63  }
0x71: {  	v3 =	vld [tilespmem:$0x80];
	_ =	sdelay $0x4  }
0x72: {  	v32 =	vshll.u32 v3, $0x1  }
0x73: {  	v3 =	vand.u32 $0x7, v3;
	v4 =	vand.u32 $0xFFFFFFF0, v32  }
0x74: {  	v3 =	vor.u32 v3, v4  }
0x75: {  	v4 =	vperm.xlane v3, v0;
	_ =	sdelay $0x1  }
0x76: {  	v3 =	vperm.xlane v3, v2;
	v4 =	vadd.s32 v1, v4;
	_ =	sdelay $0x1  }
0x77: {  	v3 =	vadd.s32 v1, v3;
	_ =	sdelay $0x2  }
0x78: {  	[hbm4b:s3+s2] =	stream.indirect_vreg.scatter [tilespmem:s11], [sflag:$0x1], $0x80, v4, vm0, $0xb8;
	[tilespmem:$0x14180] =	vst v63  }
0x79: {  	_ = 	snop  }
0x7a: {  	[hbm4b:s3+s2] =	stream.indirect_vreg.scatter [tilespmem:s12], [sflag:$0x1], $0x80, v3, vm0, $0xb8;
	[tilespmem:$0x14180] =	vst v63  }
0x7b: {  	v3 =	vld [tilespmem:$0x90];
	_ =	sdelay $0x4  }
0x7c: {  	v33 =	vshll.u32 v3, $0x1  }
0x7d: {  	v3 =	vand.u32 $0x7, v3;
	v4 =	vand.u32 $0xFFFFFFF0, v33  }
0x7e: {  	v3 =	vor.u32 v3, v4  }
0x7f: {  	v4 =	vperm.xlane v3, v0;
	_ =	sdelay $0x1  }
0x80: {  	v3 =	vperm.xlane v3, v2;
	v4 =	vadd.s32 v1, v4;
	_ =	sdelay $0x1  }
0x81: {  	v3 =	vadd.s32 v1, v3;
	_ =	sdelay $0x2  }
0x82: {  	[hbm4b:s3+s2] =	stream.indirect_vreg.scatter [tilespmem:s13], [sflag:$0x1], $0x80, v4, vm0, $0xb8;
	[tilespmem:$0x14180] =	vst v63  }
0x83: {  	_ = 	snop  }
0x84: {  	[hbm4b:s3+s2] =	stream.indirect_vreg.scatter [tilespmem:s14], [sflag:$0x1], $0x80, v3, vm0, $0xb8;
	[tilespmem:$0x14180] =	vst v63  }
0x85: {  	v3 =	vld [tilespmem:$0xA0];
	_ =	sdelay $0x4  }
0x86: {  	v34 =	vshll.u32 v3, $0x1  }
0x87: {  	v3 =	vand.u32 $0x7, v3;
	v4 =	vand.u32 $0xFFFFFFF0, v34  }
0x88: {  	v3 =	vor.u32 v3, v4  }
0x89: {  	v4 =	vperm.xlane v3, v0;
	_ =	sdelay $0x1  }
0x8a: {  	v3 =	vperm.xlane v3, v2;
	v4 =	vadd.s32 v1, v4;
	_ =	sdelay $0x1  }
0x8b: {  	v3 =	vadd.s32 v1, v3;
	_ =	sdelay $0x2  }
0x8c: {  	[hbm4b:s3+s2] =	stream.indirect_vreg.scatter [tilespmem:s15], [sflag:$0x1], $0x80, v4, vm0, $0xb8;
	[tilespmem:$0x14180] =	vst v63  }
0x8d: {  	_ = 	snop  }
0x8e: {  	[hbm4b:s3+s2] =	stream.indirect_vreg.scatter [tilespmem:s16], [sflag:$0x1], $0x80, v3, vm0, $0xb8;
	[tilespmem:$0x14180] =	vst v63  }
0x8f: {  	v3 =	vld [tilespmem:$0xB0];
	_ =	sdelay $0x4  }
0x90: {  	v35 =	vshll.u32 v3, $0x1  }
0x91: {  	v3 =	vand.u32 $0x7, v3;
	v4 =	vand.u32 $0xFFFFFFF0, v35  }
0x92: {  	v3 =	vor.u32 v3, v4  }
0x93: {  	v4 =	vperm.xlane v3, v0;
	_ =	sdelay $0x1  }
0x94: {  	v3 =	vperm.xlane v3, v2;
	v4 =	vadd.s32 v1, v4;
	_ =	sdelay $0x1  }
0x95: {  	v3 =	vadd.s32 v1, v3;
	_ =	sdelay $0x2  }
0x96: {  	[hbm4b:s3+s2] =	stream.indirect_vreg.scatter [tilespmem:s17], [sflag:$0x1], $0x80, v4, vm0, $0xb8;
	[tilespmem:$0x14180] =	vst v63  }
0x97: {  	_ = 	snop  }
0x98: {  	[hbm4b:s3+s2] =	stream.indirect_vreg.scatter [tilespmem:s18], [sflag:$0x1], $0x80, v3, vm0, $0xb8;
	[tilespmem:$0x14180] =	vst v63  }
0x99: {  	v3 =	vld [tilespmem:$0xC0];
	_ =	sdelay $0x4  }
0x9a: {  	v36 =	vshll.u32 v3, $0x1  }
0x9b: {  	v3 =	vand.u32 $0x7, v3;
	v4 =	vand.u32 $0xFFFFFFF0, v36  }
0x9c: {  	v3 =	vor.u32 v3, v4  }
0x9d: {  	v4 =	vperm.xlane v3, v0;
	_ =	sdelay $0x1  }
0x9e: {  	v3 =	vperm.xlane v3, v2;
	v4 =	vadd.s32 v1, v4;
	_ =	sdelay $0x1  }
0x9f: {  	v3 =	vadd.s32 v1, v3;
	_ =	sdelay $0x2  }
0xa0: {  	[hbm4b:s3+s2] =	stream.indirect_vreg.scatter [tilespmem:s19], [sflag:$0x1], $0x80, v4, vm0, $0xb8;
	[tilespmem:$0x14180] =	vst v63  }
0xa1: {  	s6 =	simm.s32 $0xC980  }
0xa2: {  	[hbm4b:s3+s2] =	stream.indirect_vreg.scatter [tilespmem:s6], [sflag:$0x1], $0x80, v3, vm0, $0xb8;
	[tilespmem:$0x14180] =	vst v63  }
0xa3: {  	v3 =	vld [tilespmem:$0xD0];
	_ =	sdelay $0x4  }
0xa4: {  	v37 =	vshll.u32 v3, $0x1  }
0xa5: {  	v3 =	vand.u32 $0x7, v3;
	v4 =	vand.u32 $0xFFFFFFF0, v37  }
0xa6: {  	v3 =	vor.u32 v3, v4  }
0xa7: {  	v4 =	vperm.xlane v3, v0;
	_ =	sdelay $0x1  }
0xa8: {  	v3 =	vperm.xlane v3, v2;
	v4 =	vadd.s32 v1, v4;
	_ =	sdelay $0x1  }
0xa9: {  	v3 =	vadd.s32 v1, v3;
	_ =	sdelay $0x1  }
0xaa: {  	s21 =	simm.s32 $0xD180  }
0xab: {  	[hbm4b:s3+s2] =	stream.indirect_vreg.scatter [tilespmem:s21], [sflag:$0x1], $0x80, v4, vm0, $0xb8;
	[tilespmem:$0x14180] =	vst v63  }
0xac: {  	s21 =	simm.s32 $0xD980  }
0xad: {  	[hbm4b:s3+s2] =	stream.indirect_vreg.scatter [tilespmem:s21], [sflag:$0x1], $0x80, v3, vm0, $0xb8;
	[tilespmem:$0x14180] =	vst v63  }
0xae: {  	v3 =	vld [tilespmem:$0xE0];
	_ =	sdelay $0x4  }
0xaf: {  	v38 =	vshll.u32 v3, $0x1  }
0xb0: {  	v3 =	vand.u32 $0x7, v3;
	v4 =	vand.u32 $0xFFFFFFF0, v38  }
0xb1: {  	v3 =	vor.u32 v3, v4  }
0xb2: {  	v4 =	vperm.xlane v3, v0;
	_ =	sdelay $0x1  }
0xb3: {  	v3 =	vperm.xlane v3, v2;
	v4 =	vadd.s32 v1, v4;
	_ =	sdelay $0x1  }
0xb4: {  	v3 =	vadd.s32 v1, v3;
	_ =	sdelay $0x1  }
0xb5: {  	s21 =	simm.s32 $0xE180  }
0xb6: {  	[hbm4b:s3+s2] =	stream.indirect_vreg.scatter [tilespmem:s21], [sflag:$0x1], $0x80, v4, vm0, $0xb8;
	[tilespmem:$0x14180] =	vst v63  }
0xb7: {  	s21 =	simm.s32 $0xE980  }
0xb8: {  	[hbm4b:s3+s2] =	stream.indirect_vreg.scatter [tilespmem:s21], [sflag:$0x1], $0x80, v3, vm0, $0xb8;
	[tilespmem:$0x14180] =	vst v63  }
0xb9: {  	v3 =	vld [tilespmem:$0xF0];
	_ =	sdelay $0x4  }
0xba: {  	v39 =	vshll.u32 v3, $0x1  }
0xbb: {  	v3 =	vand.u32 $0x7, v3;
	v4 =	vand.u32 $0xFFFFFFF0, v39  }
0xbc: {  	v3 =	vor.u32 v3, v4  }
0xbd: {  	v4 =	vperm.xlane v3, v0;
	_ =	sdelay $0x1  }
0xbe: {  	v3 =	vperm.xlane v3, v2;
	v4 =	vadd.s32 v1, v4;
	_ =	sdelay $0x1  }
0xbf: {  	v3 =	vadd.s32 v1, v3;
	_ =	sdelay $0x1  }
0xc0: {  	s21 =	simm.s32 $0xF180  }
0xc1: {  	[hbm4b:s3+s2] =	stream.indirect_vreg.scatter [tilespmem:s21], [sflag:$0x1], $0x80, v4, vm0, $0xb8;
	[tilespmem:$0x14180] =	vst v63  }
0xc2: {  	s21 =	simm.s32 $0xF980  }
0xc3: {  	[hbm4b:s3+s2] =	stream.indirect_vreg.scatter [tilespmem:s21], [sflag:$0x1], $0x80, v3, vm0, $0xb8;
	[tilespmem:$0x14180] =	vst v63  }
0xc4: {  	v3 =	vld [tilespmem:$0x100];
	_ =	sdelay $0x4  }
0xc5: {  	v40 =	vshll.u32 v3, $0x1  }
0xc6: {  	v3 =	vand.u32 $0x7, v3;
	v4 =	vand.u32 $0xFFFFFFF0, v40  }
0xc7: {  	v3 =	vor.u32 v3, v4  }
0xc8: {  	v4 =	vperm.xlane v3, v0;
	_ =	sdelay $0x1  }
0xc9: {  	v3 =	vperm.xlane v3, v2;
	v4 =	vadd.s32 v1, v4;
	_ =	sdelay $0x1  }
0xca: {  	v3 =	vadd.s32 v1, v3;
	_ =	sdelay $0x1  }
0xcb: {  	s21 =	simm.s32 $0x10180  }
0xcc: {  	[hbm4b:s3+s2] =	stream.indirect_vreg.scatter [tilespmem:s21], [sflag:$0x1], $0x80, v4, vm0, $0xb8;
	[tilespmem:$0x14180] =	vst v63  }
0xcd: {  	s21 =	simm.s32 $0x10980  }
0xce: {  	[hbm4b:s3+s2] =	stream.indirect_vreg.scatter [tilespmem:s21], [sflag:$0x1], $0x80, v3, vm0, $0xb8;
	[tilespmem:$0x14180] =	vst v63  }
0xcf: {  	v3 =	vld [tilespmem:$0x110];
	_ =	sdelay $0x4  }
0xd0: {  	v41 =	vshll.u32 v3, $0x1  }
0xd1: {  	v3 =	vand.u32 $0x7, v3;
	v4 =	vand.u32 $0xFFFFFFF0, v41  }
0xd2: {  	v3 =	vor.u32 v3, v4  }
0xd3: {  	v4 =	vperm.xlane v3, v0;
	_ =	sdelay $0x1  }
0xd4: {  	v3 =	vperm.xlane v3, v2;
	v4 =	vadd.s32 v1, v4;
	_ =	sdelay $0x1  }
0xd5: {  	v3 =	vadd.s32 v1, v3;
	_ =	sdelay $0x1  }
0xd6: {  	s21 =	simm.s32 $0x11180  }
0xd7: {  	[hbm4b:s3+s2] =	stream.indirect_vreg.scatter [tilespmem:s21], [sflag:$0x1], $0x80, v4, vm0, $0xb8;
	[tilespmem:$0x14180] =	vst v63  }
0xd8: {  	s21 =	simm.s32 $0x11980  }
0xd9: {  	[hbm4b:s3+s2] =	stream.indirect_vreg.scatter [tilespmem:s21], [sflag:$0x1], $0x80, v3, vm0, $0xb8;
	[tilespmem:$0x14180] =	vst v63  }
0xda: {  	v3 =	vld [tilespmem:$0x120];
	_ =	sdelay $0x4  }
0xdb: {  	v42 =	vshll.u32 v3, $0x1  }
0xdc: {  	v3 =	vand.u32 $0x7, v3;
	v4 =	vand.u32 $0xFFFFFFF0, v42  }
0xdd: {  	v3 =	vor.u32 v3, v4  }
0xde: {  	v4 =	vperm.xlane v3, v0;
	_ =	sdelay $0x1  }
0xdf: {  	v3 =	vperm.xlane v3, v2;
	v4 =	vadd.s32 v1, v4;
	_ =	sdelay $0x1  }
0xe0: {  	v3 =	vadd.s32 v1, v3;
	_ =	sdelay $0x1  }
0xe1: {  	s21 =	simm.s32 $0x12180  }
0xe2: {  	[hbm4b:s3+s2] =	stream.indirect_vreg.scatter [tilespmem:s21], [sflag:$0x1], $0x80, v4, vm0, $0xb8;
	[tilespmem:$0x14180] =	vst v63  }
0xe3: {  	s21 =	simm.s32 $0x12980  }
0xe4: {  	[hbm4b:s3+s2] =	stream.indirect_vreg.scatter [tilespmem:s21], [sflag:$0x1], $0x80, v3, vm0, $0xb8;
	[tilespmem:$0x14180] =	vst v63  }
0xe5: {  	v3 =	vld [tilespmem:$0x130];
	_ =	sdelay $0x4  }
0xe6: {  	v43 =	vshll.u32 v3, $0x1  }
0xe7: {  	v3 =	vand.u32 $0x7, v3;
	v4 =	vand.u32 $0xFFFFFFF0, v43  }
0xe8: {  	v3 =	vor.u32 v3, v4  }
0xe9: {  	v4 =	vperm.xlane v3, v0;
	_ =	sdelay $0x1  }
0xea: {  	v3 =	vperm.xlane v3, v2;
	v4 =	vadd.s32 v1, v4;
	_ =	sdelay $0x1  }
0xeb: {  	v3 =	vadd.s32 v1, v3;
	_ =	sdelay $0x1  }
0xec: {  	s21 =	simm.s32 $0x13180  }
0xed: {  	[hbm4b:s3+s2] =	stream.indirect_vreg.scatter [tilespmem:s21], [sflag:$0x1], $0x80, v4, vm0, $0xb8;
	[tilespmem:$0x14180] =	vst v63  }
0xee: {  	s21 =	simm.s32 $0x13980  }
0xef: {  	[hbm4b:s3+s2] =	stream.indirect_vreg.scatter [tilespmem:s21], [sflag:$0x1], $0x80, v3, vm0, $0xb8;
	[tilespmem:$0x14180] =	vst v63  }
0xf0: {  	_ =	swait.ge [sflag:s20], $0x14000  }
0xf1: {  	[sflag:s20] =	ssyncset.done $0x0  }
0xf2: {  	s21 =	rddreg [dreg:$0x3];
	[sflag:s20] =	ssyncadd.s32 $0xFFFEC000  }
0xf3: {  	[tilespmem:s2], [sflag:$0x2] =	stream.linear.gather [hbm4b:s21+s2], $0x140, $0x38;
	[tilespmem:$0x14180] =	vst v63  }
0xf4: {  	_ =	swait.ge [sflag:s5], $0x140  }
0xf5: {  	[sflag:s5] =	ssyncset.done $0x0  }
0xf6: {  	s21 =	rddreg [dreg:$0x5];
	[sflag:s5] =	ssyncadd.s32 $0xFFFFFEC0  }
0xf7: {  	[tilespmem:s0], [sflag:$0x2] =	stream.linear.gather [hbm4b:s21+s2], $0x14000, $0x38;
	[tilespmem:$0x14180] =	vst v63  }
0xf8: {  	_ =	swait.ge [sflag:s5], $0x14000  }
0xf9: {  	[sflag:s5] =	ssyncset.done $0x0  }
0xfa: {  	[sflag:s5] =	ssyncadd.s32 $0xFFFEC000  }
0xfb: {  	v3 =	vld [tilespmem:$0x0];
	_ =	sdelay $0x4  }
0xfc: {  	v44 =	vshll.u32 v3, $0x1  }
0xfd: {  	v3 =	vand.u32 $0x7, v3;
	v4 =	vand.u32 $0xFFFFFFF0, v44  }
0xfe: {  	v3 =	vor.u32 v3, v4  }
0xff: {  	v4 =	vperm.xlane v3, v0;
	_ =	sdelay $0x1  }
0x100: {  	v3 =	vperm.xlane v3, v2;
	v4 =	vadd.s32 v1, v4;
	_ =	sdelay $0x1  }
0x101: {  	v3 =	vadd.s32 v1, v3;
	_ =	sdelay $0x2  }
0x102: {  	[hbm4b:s3+s2] =	stream.indirect_vreg.scatter [tilespmem:s0], [sflag:$0x1], $0x80, v4, vm0, $0xb8;
	[tilespmem:$0x14180] =	vst v63  }
0x103: {  	_ = 	snop  }
0x104: {  	[hbm4b:s3+s2] =	stream.indirect_vreg.scatter [tilespmem:s22], [sflag:$0x1], $0x80, v3, vm0, $0xb8;
	[tilespmem:$0x14180] =	vst v63  }
0x105: {  	v3 =	vld [tilespmem:$0x10];
	_ =	sdelay $0x4  }
0x106: {  	v45 =	vshll.u32 v3, $0x1  }
0x107: {  	v3 =	vand.u32 $0x7, v3;
	v4 =	vand.u32 $0xFFFFFFF0, v45  }
0x108: {  	v3 =	vor.u32 v3, v4  }
0x109: {  	v4 =	vperm.xlane v3, v0;
	_ =	sdelay $0x1  }
0x10a: {  	v3 =	vperm.xlane v3, v2;
	v4 =	vadd.s32 v1, v4;
	_ =	sdelay $0x1  }
0x10b: {  	v3 =	vadd.s32 v1, v3;
	_ =	sdelay $0x2  }
0x10c: {  	[hbm4b:s3+s2] =	stream.indirect_vreg.scatter [tilespmem:s23], [sflag:$0x1], $0x80, v4, vm0, $0xb8;
	[tilespmem:$0x14180] =	vst v63  }
0x10d: {  	_ = 	snop  }
0x10e: {  	[hbm4b:s3+s2] =	stream.indirect_vreg.scatter [tilespmem:s24], [sflag:$0x1], $0x80, v3, vm0, $0xb8;
	[tilespmem:$0x14180] =	vst v63  }
0x10f: {  	v3 =	vld [tilespmem:$0x20];
	_ =	sdelay $0x4  }
0x110: {  	v46 =	vshll.u32 v3, $0x1  }
0x111: {  	v3 =	vand.u32 $0x7, v3;
	v4 =	vand.u32 $0xFFFFFFF0, v46  }
0x112: {  	v3 =	vor.u32 v3, v4  }
0x113: {  	v4 =	vperm.xlane v3, v0;
	_ =	sdelay $0x1  }
0x114: {  	v3 =	vperm.xlane v3, v2;
	v4 =	vadd.s32 v1, v4;
	_ =	sdelay $0x1  }
0x115: {  	v3 =	vadd.s32 v1, v3;
	_ =	sdelay $0x2  }
0x116: {  	[hbm4b:s3+s2] =	stream.indirect_vreg.scatter [tilespmem:s25], [sflag:$0x1], $0x80, v4, vm0, $0xb8;
	[tilespmem:$0x14180] =	vst v63  }
0x117: {  	_ = 	snop  }
0x118: {  	[hbm4b:s3+s2] =	stream.indirect_vreg.scatter [tilespmem:s26], [sflag:$0x1], $0x80, v3, vm0, $0xb8;
	[tilespmem:$0x14180] =	vst v63  }
0x119: {  	v3 =	vld [tilespmem:$0x30];
	_ =	sdelay $0x4  }
0x11a: {  	v47 =	vshll.u32 v3, $0x1  }
0x11b: {  	v3 =	vand.u32 $0x7, v3;
	v4 =	vand.u32 $0xFFFFFFF0, v47  }
0x11c: {  	v3 =	vor.u32 v3, v4  }
0x11d: {  	v4 =	vperm.xlane v3, v0;
	_ =	sdelay $0x1  }
0x11e: {  	v3 =	vperm.xlane v3, v2;
	v4 =	vadd.s32 v1, v4;
	_ =	sdelay $0x1  }
0x11f: {  	v3 =	vadd.s32 v1, v3;
	_ =	sdelay $0x2  }
0x120: {  	[hbm4b:s3+s2] =	stream.indirect_vreg.scatter [tilespmem:s28], [sflag:$0x1], $0x80, v4, vm0, $0xb8;
	[tilespmem:$0x14180] =	vst v63  }
0x121: {  	_ = 	snop  }
0x122: {  	[hbm4b:s3+s2] =	stream.indirect_vreg.scatter [tilespmem:s29], [sflag:$0x1], $0x80, v3, vm0, $0xb8;
	[tilespmem:$0x14180] =	vst v63  }
0x123: {  	v3 =	vld [tilespmem:$0x40];
	_ =	sdelay $0x4  }
0x124: {  	v48 =	vshll.u32 v3, $0x1  }
0x125: {  	v3 =	vand.u32 $0x7, v3;
	v4 =	vand.u32 $0xFFFFFFF0, v48  }
0x126: {  	v3 =	vor.u32 v3, v4  }
0x127: {  	v4 =	vperm.xlane v3, v0;
	_ =	sdelay $0x1  }
0x128: {  	v3 =	vperm.xlane v3, v2;
	v4 =	vadd.s32 v1, v4;
	_ =	sdelay $0x1  }
0x129: {  	v3 =	vadd.s32 v1, v3;
	_ =	sdelay $0x2  }
0x12a: {  	[hbm4b:s3+s2] =	stream.indirect_vreg.scatter [tilespmem:s30], [sflag:$0x1], $0x80, v4, vm0, $0xb8;
	[tilespmem:$0x14180] =	vst v63  }
0x12b: {  	_ = 	snop  }
0x12c: {  	[hbm4b:s3+s2] =	stream.indirect_vreg.scatter [tilespmem:s31], [sflag:$0x1], $0x80, v3, vm0, $0xb8;
	[tilespmem:$0x14180] =	vst v63  }
0x12d: {  	v3 =	vld [tilespmem:$0x50];
	_ =	sdelay $0x4  }
0x12e: {  	v49 =	vshll.u32 v3, $0x1  }
0x12f: {  	v3 =	vand.u32 $0x7, v3;
	v4 =	vand.u32 $0xFFFFFFF0, v49  }
0x130: {  	v3 =	vor.u32 v3, v4  }
0x131: {  	v4 =	vperm.xlane v3, v0;
	_ =	sdelay $0x1  }
0x132: {  	v3 =	vperm.xlane v3, v2;
	v4 =	vadd.s32 v1, v4;
	_ =	sdelay $0x1  }
0x133: {  	v3 =	vadd.s32 v1, v3;
	_ =	sdelay $0x2  }
0x134: {  	[hbm4b:s3+s2] =	stream.indirect_vreg.scatter [tilespmem:s1], [sflag:$0x1], $0x80, v4, vm0, $0xb8;
	[tilespmem:$0x14180] =	vst v63  }
0x135: {  	s21 =	simm.s32 $0x5980  }
0x136: {  	[hbm4b:s3+s2] =	stream.indirect_vreg.scatter [tilespmem:s21], [sflag:$0x1], $0x80, v3, vm0, $0xb8;
	[tilespmem:$0x14180] =	vst v63  }
0x137: {  	v3 =	vld [tilespmem:$0x60];
	_ =	sdelay $0x4  }
0x138: {  	v50 =	vshll.u32 v3, $0x1  }
0x139: {  	v3 =	vand.u32 $0x7, v3;
	v4 =	vand.u32 $0xFFFFFFF0, v50  }
0x13a: {  	v3 =	vor.u32 v3, v4  }
0x13b: {  	v4 =	vperm.xlane v3, v0;
	_ =	sdelay $0x1  }
0x13c: {  	v3 =	vperm.xlane v3, v2;
	v4 =	vadd.s32 v1, v4;
	_ =	sdelay $0x1  }
0x13d: {  	v3 =	vadd.s32 v1, v3;
	_ =	sdelay $0x2  }
0x13e: {  	[hbm4b:s3+s2] =	stream.indirect_vreg.scatter [tilespmem:s7], [sflag:$0x1], $0x80, v4, vm0, $0xb8;
	[tilespmem:$0x14180] =	vst v63  }
0x13f: {  	_ = 	snop  }
0x140: {  	[hbm4b:s3+s2] =	stream.indirect_vreg.scatter [tilespmem:s8], [sflag:$0x1], $0x80, v3, vm0, $0xb8;
	[tilespmem:$0x14180] =	vst v63  }
0x141: {  	v3 =	vld [tilespmem:$0x70];
	_ =	sdelay $0x4  }
0x142: {  	v51 =	vshll.u32 v3, $0x1  }
0x143: {  	v3 =	vand.u32 $0x7, v3;
	v4 =	vand.u32 $0xFFFFFFF0, v51  }
0x144: {  	v3 =	vor.u32 v3, v4  }
0x145: {  	v4 =	vperm.xlane v3, v0;
	_ =	sdelay $0x1  }
0x146: {  	v3 =	vperm.xlane v3, v2;
	v4 =	vadd.s32 v1, v4;
	_ =	sdelay $0x1  }
0x147: {  	v3 =	vadd.s32 v1, v3;
	_ =	sdelay $0x2  }
0x148: {  	[hbm4b:s3+s2] =	stream.indirect_vreg.scatter [tilespmem:s9], [sflag:$0x1], $0x80, v4, vm0, $0xb8;
	[tilespmem:$0x14180] =	vst v63  }
0x149: {  	_ = 	snop  }
0x14a: {  	[hbm4b:s3+s2] =	stream.indirect_vreg.scatter [tilespmem:s10], [sflag:$0x1], $0x80, v3, vm0, $0xb8;
	[tilespmem:$0x14180] =	vst v63  }
0x14b: {  	v3 =	vld [tilespmem:$0x80];
	_ =	sdelay $0x4  }
0x14c: {  	v52 =	vshll.u32 v3, $0x1  }
0x14d: {  	v3 =	vand.u32 $0x7, v3;
	v4 =	vand.u32 $0xFFFFFFF0, v52  }
0x14e: {  	v3 =	vor.u32 v3, v4  }
0x14f: {  	v4 =	vperm.xlane v3, v0;
	_ =	sdelay $0x1  }
0x150: {  	v3 =	vperm.xlane v3, v2;
	v4 =	vadd.s32 v1, v4;
	_ =	sdelay $0x1  }
0x151: {  	v3 =	vadd.s32 v1, v3;
	_ =	sdelay $0x2  }
0x152: {  	[hbm4b:s3+s2] =	stream.indirect_vreg.scatter [tilespmem:s11], [sflag:$0x1], $0x80, v4, vm0, $0xb8;
	[tilespmem:$0x14180] =	vst v63  }
0x153: {  	_ = 	snop  }
0x154: {  	[hbm4b:s3+s2] =	stream.indirect_vreg.scatter [tilespmem:s12], [sflag:$0x1], $0x80, v3, vm0, $0xb8;
	[tilespmem:$0x14180] =	vst v63  }
0x155: {  	v3 =	vld [tilespmem:$0x90];
	_ =	sdelay $0x4  }
0x156: {  	v53 =	vshll.u32 v3, $0x1  }
0x157: {  	v3 =	vand.u32 $0x7, v3;
	v4 =	vand.u32 $0xFFFFFFF0, v53  }
0x158: {  	v3 =	vor.u32 v3, v4  }
0x159: {  	v4 =	vperm.xlane v3, v0;
	_ =	sdelay $0x1  }
0x15a: {  	v3 =	vperm.xlane v3, v2;
	v4 =	vadd.s32 v1, v4;
	_ =	sdelay $0x1  }
0x15b: {  	v3 =	vadd.s32 v1, v3;
	_ =	sdelay $0x2  }
0x15c: {  	[hbm4b:s3+s2] =	stream.indirect_vreg.scatter [tilespmem:s13], [sflag:$0x1], $0x80, v4, vm0, $0xb8;
	[tilespmem:$0x14180] =	vst v63  }
0x15d: {  	_ = 	snop  }
0x15e: {  	[hbm4b:s3+s2] =	stream.indirect_vreg.scatter [tilespmem:s14], [sflag:$0x1], $0x80, v3, vm0, $0xb8;
	[tilespmem:$0x14180] =	vst v63  }
0x15f: {  	v3 =	vld [tilespmem:$0xA0];
	_ =	sdelay $0x4  }
0x160: {  	v54 =	vshll.u32 v3, $0x1  }
0x161: {  	v3 =	vand.u32 $0x7, v3;
	v4 =	vand.u32 $0xFFFFFFF0, v54  }
0x162: {  	v3 =	vor.u32 v3, v4  }
0x163: {  	v4 =	vperm.xlane v3, v0;
	_ =	sdelay $0x1  }
0x164: {  	v3 =	vperm.xlane v3, v2;
	v4 =	vadd.s32 v1, v4;
	_ =	sdelay $0x1  }
0x165: {  	v3 =	vadd.s32 v1, v3;
	_ =	sdelay $0x2  }
0x166: {  	[hbm4b:s3+s2] =	stream.indirect_vreg.scatter [tilespmem:s15], [sflag:$0x1], $0x80, v4, vm0, $0xb8;
	[tilespmem:$0x14180] =	vst v63  }
0x167: {  	_ = 	snop  }
0x168: {  	[hbm4b:s3+s2] =	stream.indirect_vreg.scatter [tilespmem:s16], [sflag:$0x1], $0x80, v3, vm0, $0xb8;
	[tilespmem:$0x14180] =	vst v63  }
0x169: {  	v3 =	vld [tilespmem:$0xB0];
	_ =	sdelay $0x4  }
0x16a: {  	v55 =	vshll.u32 v3, $0x1  }
0x16b: {  	v3 =	vand.u32 $0x7, v3;
	v4 =	vand.u32 $0xFFFFFFF0, v55  }
0x16c: {  	v3 =	vor.u32 v3, v4  }
0x16d: {  	v4 =	vperm.xlane v3, v0;
	_ =	sdelay $0x1  }
0x16e: {  	v3 =	vperm.xlane v3, v2;
	v4 =	vadd.s32 v1, v4;
	_ =	sdelay $0x1  }
0x16f: {  	v3 =	vadd.s32 v1, v3;
	_ =	sdelay $0x2  }
0x170: {  	[hbm4b:s3+s2] =	stream.indirect_vreg.scatter [tilespmem:s17], [sflag:$0x1], $0x80, v4, vm0, $0xb8;
	[tilespmem:$0x14180] =	vst v63  }
0x171: {  	_ = 	snop  }
0x172: {  	[hbm4b:s3+s2] =	stream.indirect_vreg.scatter [tilespmem:s18], [sflag:$0x1], $0x80, v3, vm0, $0xb8;
	[tilespmem:$0x14180] =	vst v63  }
0x173: {  	v3 =	vld [tilespmem:$0xC0];
	_ =	sdelay $0x4  }
0x174: {  	v56 =	vshll.u32 v3, $0x1  }
0x175: {  	v3 =	vand.u32 $0x7, v3;
	v4 =	vand.u32 $0xFFFFFFF0, v56  }
0x176: {  	v3 =	vor.u32 v3, v4  }
0x177: {  	v4 =	vperm.xlane v3, v0;
	_ =	sdelay $0x1  }
0x178: {  	v3 =	vperm.xlane v3, v2;
	v4 =	vadd.s32 v1, v4;
	_ =	sdelay $0x1  }
0x179: {  	v3 =	vadd.s32 v1, v3;
	_ =	sdelay $0x2  }
0x17a: {  	[hbm4b:s3+s2] =	stream.indirect_vreg.scatter [tilespmem:s19], [sflag:$0x1], $0x80, v4, vm0, $0xb8;
	[tilespmem:$0x14180] =	vst v63  }
0x17b: {  	_ = 	snop  }
0x17c: {  	[hbm4b:s3+s2] =	stream.indirect_vreg.scatter [tilespmem:s6], [sflag:$0x1], $0x80, v3, vm0, $0xb8;
	[tilespmem:$0x14180] =	vst v63  }
0x17d: {  	v3 =	vld [tilespmem:$0xD0];
	_ =	sdelay $0x4  }
0x17e: {  	v57 =	vshll.u32 v3, $0x1  }
0x17f: {  	v3 =	vand.u32 $0x7, v3;
	v4 =	vand.u32 $0xFFFFFFF0, v57  }
0x180: {  	v3 =	vor.u32 v3, v4  }
0x181: {  	v4 =	vperm.xlane v3, v0;
	_ =	sdelay $0x1  }
0x182: {  	v3 =	vperm.xlane v3, v2;
	v4 =	vadd.s32 v1, v4;
	_ =	sdelay $0x1  }
0x183: {  	v3 =	vadd.s32 v1, v3;
	_ =	sdelay $0x1  }
0x184: {  	s6 =	simm.s32 $0xD180  }
0x185: {  	[hbm4b:s3+s2] =	stream.indirect_vreg.scatter [tilespmem:s6], [sflag:$0x1], $0x80, v4, vm0, $0xb8;
	[tilespmem:$0x14180] =	vst v63  }
0x186: {  	s21 =	simm.s32 $0xD980  }
0x187: {  	[hbm4b:s3+s2] =	stream.indirect_vreg.scatter [tilespmem:s21], [sflag:$0x1], $0x80, v3, vm0, $0xb8;
	[tilespmem:$0x14180] =	vst v63  }
0x188: {  	v3 =	vld [tilespmem:$0xE0];
	_ =	sdelay $0x4  }
0x189: {  	v58 =	vshll.u32 v3, $0x1  }
0x18a: {  	v3 =	vand.u32 $0x7, v3;
	v4 =	vand.u32 $0xFFFFFFF0, v58  }
0x18b: {  	v3 =	vor.u32 v3, v4  }
0x18c: {  	v4 =	vperm.xlane v3, v0;
	_ =	sdelay $0x1  }
0x18d: {  	v3 =	vperm.xlane v3, v2;
	v4 =	vadd.s32 v1, v4;
	_ =	sdelay $0x1  }
0x18e: {  	v3 =	vadd.s32 v1, v3;
	_ =	sdelay $0x1  }
0x18f: {  	s6 =	simm.s32 $0xE180  }
0x190: {  	[hbm4b:s3+s2] =	stream.indirect_vreg.scatter [tilespmem:s6], [sflag:$0x1], $0x80, v4, vm0, $0xb8;
	[tilespmem:$0x14180] =	vst v63  }
0x191: {  	s21 =	simm.s32 $0xE980  }
0x192: {  	[hbm4b:s3+s2] =	stream.indirect_vreg.scatter [tilespmem:s21], [sflag:$0x1], $0x80, v3, vm0, $0xb8;
	[tilespmem:$0x14180] =	vst v63  }
0x193: {  	v3 =	vld [tilespmem:$0xF0];
	_ =	sdelay $0x4  }
0x194: {  	v59 =	vshll.u32 v3, $0x1  }
0x195: {  	v3 =	vand.u32 $0x7, v3;
	v4 =	vand.u32 $0xFFFFFFF0, v59  }
0x196: {  	v3 =	vor.u32 v3, v4  }
0x197: {  	v4 =	vperm.xlane v3, v0;
	_ =	sdelay $0x1  }
0x198: {  	v3 =	vperm.xlane v3, v2;
	v4 =	vadd.s32 v1, v4;
	_ =	sdelay $0x1  }
0x199: {  	v3 =	vadd.s32 v1, v3;
	_ =	sdelay $0x1  }
0x19a: {  	s6 =	simm.s32 $0xF180  }
0x19b: {  	[hbm4b:s3+s2] =	stream.indirect_vreg.scatter [tilespmem:s6], [sflag:$0x1], $0x80, v4, vm0, $0xb8;
	[tilespmem:$0x14180] =	vst v63  }
0x19c: {  	s21 =	simm.s32 $0xF980  }
0x19d: {  	[hbm4b:s3+s2] =	stream.indirect_vreg.scatter [tilespmem:s21], [sflag:$0x1], $0x80, v3, vm0, $0xb8;
	[tilespmem:$0x14180] =	vst v63  }
0x19e: {  	v3 =	vld [tilespmem:$0x100];
	_ =	sdelay $0x4  }
0x19f: {  	v60 =	vshll.u32 v3, $0x1  }
0x1a0: {  	v3 =	vand.u32 $0x7, v3;
	v4 =	vand.u32 $0xFFFFFFF0, v60  }
0x1a1: {  	v3 =	vor.u32 v3, v4  }
0x1a2: {  	v4 =	vperm.xlane v3, v0;
	_ =	sdelay $0x1  }
0x1a3: {  	v3 =	vperm.xlane v3, v2;
	v4 =	vadd.s32 v1, v4;
	_ =	sdelay $0x1  }
0x1a4: {  	v3 =	vadd.s32 v1, v3;
	_ =	sdelay $0x1  }
0x1a5: {  	s6 =	simm.s32 $0x10180  }
0x1a6: {  	[hbm4b:s3+s2] =	stream.indirect_vreg.scatter [tilespmem:s6], [sflag:$0x1], $0x80, v4, vm0, $0xb8;
	[tilespmem:$0x14180] =	vst v63  }
0x1a7: {  	s21 =	simm.s32 $0x10980  }
0x1a8: {  	[hbm4b:s3+s2] =	stream.indirect_vreg.scatter [tilespmem:s21], [sflag:$0x1], $0x80, v3, vm0, $0xb8;
	[tilespmem:$0x14180] =	vst v63  }
0x1a9: {  	v3 =	vld [tilespmem:$0x110];
	_ =	sdelay $0x4  }
0x1aa: {  	v61 =	vshll.u32 v3, $0x1  }
0x1ab: {  	v3 =	vand.u32 $0x7, v3;
	v4 =	vand.u32 $0xFFFFFFF0, v61  }
0x1ac: {  	v3 =	vor.u32 v3, v4  }
0x1ad: {  	v4 =	vperm.xlane v3, v0;
	_ =	sdelay $0x1  }
0x1ae: {  	v3 =	vperm.xlane v3, v2;
	v4 =	vadd.s32 v1, v4;
	_ =	sdelay $0x1  }
0x1af: {  	v3 =	vadd.s32 v1, v3;
	_ =	sdelay $0x1  }
0x1b0: {  	s6 =	simm.s32 $0x11180  }
0x1b1: {  	[hbm4b:s3+s2] =	stream.indirect_vreg.scatter [tilespmem:s6], [sflag:$0x1], $0x80, v4, vm0, $0xb8;
	[tilespmem:$0x14180] =	vst v63  }
0x1b2: {  	s21 =	simm.s32 $0x11980  }
0x1b3: {  	[hbm4b:s3+s2] =	stream.indirect_vreg.scatter [tilespmem:s21], [sflag:$0x1], $0x80, v3, vm0, $0xb8;
	[tilespmem:$0x14180] =	vst v63  }
0x1b4: {  	v3 =	vld [tilespmem:$0x120];
	_ =	sdelay $0x4  }
0x1b5: {  	v62 =	vshll.u32 v3, $0x1  }
0x1b6: {  	v3 =	vand.u32 $0x7, v3;
	v4 =	vand.u32 $0xFFFFFFF0, v62  }
0x1b7: {  	v3 =	vor.u32 v3, v4  }
0x1b8: {  	v4 =	vperm.xlane v3, v0;
	_ =	sdelay $0x1  }
0x1b9: {  	v3 =	vperm.xlane v3, v2;
	v4 =	vadd.s32 v1, v4;
	_ =	sdelay $0x1  }
0x1ba: {  	v3 =	vadd.s32 v1, v3;
	_ =	sdelay $0x1  }
0x1bb: {  	s6 =	simm.s32 $0x12180  }
0x1bc: {  	[hbm4b:s3+s2] =	stream.indirect_vreg.scatter [tilespmem:s6], [sflag:$0x1], $0x80, v4, vm0, $0xb8;
	[tilespmem:$0x14180] =	vst v63  }
0x1bd: {  	s21 =	simm.s32 $0x12980  }
0x1be: {  	[hbm4b:s3+s2] =	stream.indirect_vreg.scatter [tilespmem:s21], [sflag:$0x1], $0x80, v3, vm0, $0xb8;
	[tilespmem:$0x14180] =	vst v63  }
0x1bf: {  	v3 =	vld [tilespmem:$0x130];
	_ =	sdelay $0x4  }
0x1c0: {  	v63 =	vshll.u32 v3, $0x1  }
0x1c1: {  	v3 =	vand.u32 $0x7, v3;
	v4 =	vand.u32 $0xFFFFFFF0, v63  }
0x1c2: {  	v3 =	vor.u32 v3, v4  }
0x1c3: {  	v4 =	vperm.xlane v3, v0;
	_ =	sdelay $0x1  }
0x1c4: {  	v3 =	vperm.xlane v3, v2;
	v4 =	vadd.s32 v1, v4;
	_ =	sdelay $0x1  }
0x1c5: {  	v3 =	vadd.s32 v1, v3;
	_ =	sdelay $0x1  }
0x1c6: {  	p0 =	sne.s32 s4, $0x1;
	s6 =	simm.s32 $0x13180  }
0x1c7: {  	[hbm4b:s3+s2] =	stream.indirect_vreg.scatter [tilespmem:s6], [sflag:$0x1], $0x80, v4, vm0, $0xb8;
	[tilespmem:$0x14180] =	vst v63  }
.Ltmp0:
0x1c8: {  	s21 =	simm.s32 $0x13980;
	(pc) =	sbr.rel @p0 .LBB2_1-.Ltmp0, $4  }
0x1c9: {  	[hbm4b:s3+s2] =	stream.indirect_vreg.scatter [tilespmem:s21], [sflag:$0x1], $0x80, v3, vm0, $0xb8;
	[tilespmem:$0x14180] =	vst v63  }
0x1ca: {  	_ =	swait.ge [sflag:s20], $0x14000  }
0x1cb: {  	[sflag:s20] =	ssyncset.done $0x0  }
0x1cc: {  	s4 =	sadd.s32 $0xFFFFFFFF, s4;
	[sflag:s20] =	ssyncadd.s32 $0xFFFEC000  }
0x1cd: {  	_ =	sfence.sel $0x180000  }
0x1ce: {  	[bflag:$0x0] =	sbarrier.arrive $0xFFFF  }
0x1cf: {  	_ =	strace $0x90000047  }
0x1d0: {  	s0 =	stileid.u32;
	[bflag:$0x2] =	sbarrier.arrive $0xFFFF  }
0x1d1: {  	p0 =	sne.s32 s0, $0x0;
	s0 =	rddreg [dreg:$0x1]  }
0x1d2: {  	s0 =	sadd.s32 @!p0 $0x100000, s0  }
0x1d3: {  	[sflag:s0] =	ssyncadd.tile.s32 @!p0 $0x1;
	_ =	shalt  }
.Lfunc_end2:
_tile_overlayer_lowered:
.L_overlay_start_2:
0x1d4: {  	(tag) =	ssettag $0x2  }
0x1d5: {  	s0 =	rddreg [dreg:$0x0];
	s2 =	stileid.u32  }
0x1d6: {  	s1 =	rddreg [dreg:$0x1];
	p0 =	sne.s32 s2, $0x0  }
0x1d7: {  	s3 =	rddreg [dreg:$0x2];
	[bflag:$0x3] =	sbarrier.arrive $0xFFFF;
	s2 =	simm.s32 @!p0 $0x1C02  }
0x1d8: {  	[timem:s3], [sflag:s2] =	dma.local @!p0 [hbm:s0], s1  }
0x1d9: {  	s0 =	simm.s32 @!p0 $0x2  }
0x1da: {  	_ =	swait.ge @!p0 [sflag:s0], s1  }
0x1db: {  	s1 =	ssub.s32 @!p0 $0x0, s1;
	[sflag:s0] =	ssyncset.done @!p0 $0x0  }
0x1dc: {  	[sflag:s0] =	ssyncadd.s32 @!p0 s1  }
0x1dd: {  	[bflag:$0x3] =	sbarrier.arrive $0xFFFF  }
0x1de: {  	_ =	shalt  }

</sc_bundles>
